<compile_context>
chip_gen: v7x
topology: tpu7x:2x2x1
jax: 0.10.2.dev20260603
libtpu: 0.0.44.dev20260713+nightly
codegen_flags: <defaults>
</compile_context>

<pallas_src>
import functools

import jax
import jax.numpy as jnp
from jax import lax
from jax.experimental import pallas as pl
from jax.experimental.pallas import tpu as pltpu
from jax.experimental.pallas import tpu_sc as plsc

_N = 20000
_MAX_DET = 100
_IOU_THRESH = 0.5
_SCORE_THRESH = 0.05

_NTILES = 16
_PERTILE = 1280
_NPAD = _NTILES * _PERTILE
_VPT = _PERTILE // 16
_NBINS = 128
_C0 = 192
_SLAB = 32
_NV0 = 24
_FULLBIN = int(_SCORE_THRESH * _NBINS) + 1
_STG = _PERTILE + 16
_BIG = 2**30

_mesh = plsc.VectorSubcoreMesh(core_axis_name="c", subcore_axis_name="s",
                               num_cores=1)


@functools.partial(
    pl.kernel,
    out_type=jax.ShapeDtypeStruct((_MAX_DET * 16,), jnp.float32),
    mesh=_mesh,
    compiler_params=pltpu.CompilerParams(needs_layout_passes=False),
    scratch_types=dict(
        x1_v=pltpu.VMEM((_PERTILE,), jnp.float32),
        y1_v=pltpu.VMEM((_PERTILE,), jnp.float32),
        x2_v=pltpu.VMEM((_PERTILE,), jnp.float32),
        y2_v=pltpu.VMEM((_PERTILE,), jnp.float32),
        s_v=pltpu.VMEM((_PERTILE,), jnp.float32),
        hist_v=pltpu.VMEM((_NBINS,), jnp.float32),
        histall_v=pltpu.VMEM((_NTILES * _NBINS,), jnp.float32),
        recall_v=pltpu.VMEM((_NTILES * 16,), jnp.float32),
        stg_x1=pltpu.VMEM((_STG,), jnp.float32),
        stg_y1=pltpu.VMEM((_STG,), jnp.float32),
        stg_x2=pltpu.VMEM((_STG,), jnp.float32),
        stg_y2=pltpu.VMEM((_STG,), jnp.float32),
        stg_s=pltpu.VMEM((_STG,), jnp.float32),
        cx1_v=pltpu.VMEM((_NPAD,), jnp.float32),
        cy1_v=pltpu.VMEM((_NPAD,), jnp.float32),
        cx2_v=pltpu.VMEM((_NPAD,), jnp.float32),
        cy2_v=pltpu.VMEM((_NPAD,), jnp.float32),
        cs_v=pltpu.VMEM((_NPAD,), jnp.float32),
        ca_v=pltpu.VMEM((544,), jnp.float32),
        out_v=pltpu.VMEM((_MAX_DET * 16,), jnp.float32),
        rec_v=pltpu.VMEM((16,), jnp.float32),
        flag_v=pltpu.VMEM((16,), jnp.float32),
        hist_sh=pltpu.VMEM_SHARED((_NTILES * _NBINS,), jnp.float32),
        rec_sh=pltpu.VMEM_SHARED((_NTILES * 16,), jnp.float32),
        flag_sh=pltpu.VMEM_SHARED((16,), jnp.float32),
        cx1_sh=pltpu.VMEM_SHARED((_NPAD,), jnp.float32),
        cy1_sh=pltpu.VMEM_SHARED((_NPAD,), jnp.float32),
        cx2_sh=pltpu.VMEM_SHARED((_NPAD,), jnp.float32),
        cy2_sh=pltpu.VMEM_SHARED((_NPAD,), jnp.float32),
        cs_sh=pltpu.VMEM_SHARED((_NPAD,), jnp.float32),
    ),
)
def _sc_nms(x1_h, y1_h, x2_h, y2_h, s_h, out_h, *,
            x1_v, y1_v, x2_v, y2_v, s_v, hist_v, histall_v, recall_v,
            stg_x1, stg_y1, stg_x2, stg_y2, stg_s,
            cx1_v, cy1_v, cx2_v, cy2_v, cs_v, ca_v, out_v, rec_v, flag_v,
            hist_sh, rec_sh, flag_sh,
            cx1_sh, cy1_sh, cx2_sh, cy2_sh, cs_sh):
    tid = lax.axis_index("s")
    lane = lax.iota(jnp.int32, 16)
    lanef = lane.astype(jnp.float32)
    base = tid * _PERTILE

    pltpu.sync_copy(x1_h.at[pl.ds(base, _PERTILE)], x1_v)
    pltpu.sync_copy(y1_h.at[pl.ds(base, _PERTILE)], y1_v)
    pltpu.sync_copy(x2_h.at[pl.ds(base, _PERTILE)], x2_v)
    pltpu.sync_copy(y2_h.at[pl.ds(base, _PERTILE)], y2_v)
    pltpu.sync_copy(s_h.at[pl.ds(base, _PERTILE)], s_v)

    zeros16 = jnp.zeros((16,), jnp.float32)
    ones16 = jnp.ones((16,), jnp.float32)

    def _zero(k, c):
        hist_v[pl.ds(k * 16, 16)] = zeros16
        return c
    lax.fori_loop(0, _NBINS // 16, _zero, 0)

    @plsc.parallel_loop(0, _VPT, unroll=4, carry=jnp.int32(0))
    def _hstep(j, c):
        o = j * 16
        s = s_v[pl.ds(o, 16)]
        sw = jnp.where(s > _SCORE_THRESH, s, -jnp.inf)
        s_v[pl.ds(o, 16)] = sw
        m = sw > _SCORE_THRESH
        b = jnp.clip((sw * float(_NBINS)).astype(jnp.int32), 0, _NBINS - 1)
        plsc.addupdate_scatter(hist_v, [b], ones16, mask=m)
        return c
    _ = _hstep

    pltpu.sync_copy(hist_v, hist_sh.at[pl.ds(tid * _NBINS, _NBINS)])
    plsc.subcore_barrier()
    pltpu.sync_copy(hist_sh, histall_v)

    def _rsum(r, accs):
        return tuple(accs[k] + histall_v[pl.ds(r * _NBINS + k * 16, 16)]
                     for k in range(_NBINS // 16))
    hs = lax.fori_loop(0, _NTILES, _rsum,
                       tuple(zeros16 for _ in range(_NBINS // 16)))

    total = jnp.float32(0.0)
    bstar = jnp.int32(-1)
    for k in range(_NBINS // 16 - 1, -1, -1):
        v = hs[k]
        suf = lax.rev(plsc.cumsum(lax.rev(v, (0,))), (0,)) + total
        mask = suf >= float(_C0)
        bins = jnp.int32(k * 16) + lane
        bstar = jnp.maximum(bstar, jnp.max(jnp.where(mask, bins, -1)))
        total = total + jnp.sum(v)
    tthr = bstar.astype(jnp.float32) * (1.0 / _NBINS)

    for q in range(_SLAB // 16 + 1):
        stg_s[pl.ds(q * 16, 16)] = jnp.full((16,), -jnp.inf)

    def _cstep(j, off):
        o = j * 16
        sw = s_v[pl.ds(o, 16)]
        m = sw > tthr
        plsc.store_compressed(stg_s.at[pl.ds(off, 16)], sw, mask=m)
        plsc.store_compressed(stg_x1.at[pl.ds(off, 16)],
                              x1_v[pl.ds(o, 16)], mask=m)
        plsc.store_compressed(stg_y1.at[pl.ds(off, 16)],
                              y1_v[pl.ds(o, 16)], mask=m)
        plsc.store_compressed(stg_x2.at[pl.ds(off, 16)],
                              x2_v[pl.ds(o, 16)], mask=m)
        plsc.store_compressed(stg_y2.at[pl.ds(off, 16)],
                              y2_v[pl.ds(o, 16)], mask=m)
        return off + jnp.max(plsc.all_reduce_population_count(m))
    kcnt = lax.fori_loop(0, _VPT, _cstep, jnp.int32(0))

    pltpu.sync_copy(stg_x1.at[pl.ds(0, _SLAB)],
                    cx1_sh.at[pl.ds(tid * _SLAB, _SLAB)])
    pltpu.sync_copy(stg_y1.at[pl.ds(0, _SLAB)],
                    cy1_sh.at[pl.ds(tid * _SLAB, _SLAB)])
    pltpu.sync_copy(stg_x2.at[pl.ds(0, _SLAB)],
                    cx2_sh.at[pl.ds(tid * _SLAB, _SLAB)])
    pltpu.sync_copy(stg_y2.at[pl.ds(0, _SLAB)],
                    cy2_sh.at[pl.ds(tid * _SLAB, _SLAB)])
    pltpu.sync_copy(stg_s.at[pl.ds(0, _SLAB)],
                    cs_sh.at[pl.ds(tid * _SLAB, _SLAB)])
    rec_v[pl.ds(0, 16)] = jnp.where(lane == 0, kcnt.astype(jnp.float32), 0.0)
    pltpu.sync_copy(rec_v, rec_sh.at[pl.ds(tid * 16, 16)])
    plsc.subcore_barrier()

    def _nms_loop(nv, unroll, use_area):
        def _iter(i, carry):
            wx1, wy1, wx2, wy2, warea, srv = carry

            @plsc.parallel_loop(0, nv, unroll=unroll,
                                carry=(jnp.full((16,), -jnp.inf),
                                       jnp.zeros((16,), jnp.int32)))
            def _scan(j, st):
                best, bidx = st
                o = j * 16
                x1 = cx1_v[pl.ds(o, 16)]
                y1 = cy1_v[pl.ds(o, 16)]
                x2 = cx2_v[pl.ds(o, 16)]
                y2 = cy2_v[pl.ds(o, 16)]
                s = cs_v[pl.ds(o, 16)]
                a = (ca_v[pl.ds(o, 16)] if use_area
                     else (x2 - x1) * (y2 - y1))
                inter = (jnp.maximum(jnp.minimum(wx2, x2) -
                                     jnp.maximum(wx1, x1), 0.0) *
                         jnp.maximum(jnp.minimum(wy2, y2) -
                                     jnp.maximum(wy1, y1), 0.0))
                union = warea + a - inter
                iou = inter / jnp.maximum(union, 1e-9)
                snew = jnp.where(iou > _IOU_THRESH, -jnp.inf, s)
                cs_v[pl.ds(o, 16)] = snew
                jv = jnp.full((16,), j)
                upd = jnp.logical_or(
                    snew > best,
                    jnp.logical_and(snew == best, jv < bidx))
                best = jnp.where(upd, snew, best)
                bidx = jnp.where(upd, jv, bidx)
                return best, bidx

            best, bidx = _scan
            m = jnp.max(best)
            gidx = jnp.min(jnp.where(best == m, bidx * 16 + lane, _BIG))
            gidx = jnp.clip(gidx, 0, nv * 16 - 1)
            gv = jnp.full((16,), gidx)
            nwx1 = plsc.load_gather(cx1_v, [gv])
            nwy1 = plsc.load_gather(cy1_v, [gv])
            nwx2 = plsc.load_gather(cx2_v, [gv])
            nwy2 = plsc.load_gather(cy2_v, [gv])
            nwa = (plsc.load_gather(ca_v, [gv]) if use_area
                   else (nwx2 - nwx1) * (nwy2 - nwy1))
            valid = m > -jnp.inf
            vb = jnp.full((16,), jnp.where(valid, 1.0, 0.0))
            vals = jnp.where(lane == 0, nwx1, 0.0)
            vals = jnp.where(lane == 1, nwy1, vals)
            vals = jnp.where(lane == 2, nwx2, vals)
            vals = jnp.where(lane == 3, nwy2, vals)
            vals = jnp.where(lane == 4, jnp.full((16,), m), vals)
            vals = jnp.where(vb > 0.5, vals, 0.0)
            out_v[pl.ds(i * 16, 16)] = vals
            return (nwx1, nwy1, nwx2, nwy2, nwa,
                    srv + valid.astype(jnp.int32))

        init = (jnp.full((16,), -4000.0), jnp.full((16,), -4000.0),
                jnp.full((16,), -4000.0), jnp.full((16,), -4000.0),
                jnp.zeros((16,)), jnp.int32(0))
        return lax.fori_loop(0, _MAX_DET, _iter, init)[5]

    @pl.when(tid == 0)
    def _():
        nraw = _NTILES * _SLAB
        pltpu.sync_copy(cx1_sh.at[pl.ds(0, nraw)], cx1_v.at[pl.ds(0, nraw)])
        pltpu.sync_copy(cy1_sh.at[pl.ds(0, nraw)], cy1_v.at[pl.ds(0, nraw)])
        pltpu.sync_copy(cx2_sh.at[pl.ds(0, nraw)], cx2_v.at[pl.ds(0, nraw)])
        pltpu.sync_copy(cy2_sh.at[pl.ds(0, nraw)], cy2_v.at[pl.ds(0, nraw)])
        pltpu.sync_copy(cs_sh.at[pl.ds(0, nraw)], cs_v.at[pl.ds(0, nraw)])
        pltpu.sync_copy(rec_sh, recall_v)
        kvec = plsc.load_gather(recall_v, [lane * 16]).astype(jnp.int32)
        overflow = jnp.max(kvec) > _SLAB

        def _sq(j, off):
            o = j * 16
            sw = cs_v[pl.ds(o, 16)]
            m = sw > tthr
            x1 = cx1_v[pl.ds(o, 16)]
            y1 = cy1_v[pl.ds(o, 16)]
            x2 = cx2_v[pl.ds(o, 16)]
            y2 = cy2_v[pl.ds(o, 16)]
            plsc.store_compressed(cs_v.at[pl.ds(off, 16)], sw, mask=m)
            plsc.store_compressed(cx1_v.at[pl.ds(off, 16)], x1, mask=m)
            plsc.store_compressed(cy1_v.at[pl.ds(off, 16)], y1, mask=m)
            plsc.store_compressed(cx2_v.at[pl.ds(off, 16)], x2, mask=m)
            plsc.store_compressed(cy2_v.at[pl.ds(off, 16)], y2, mask=m)
            plsc.store_compressed(ca_v.at[pl.ds(off, 16)],
                                  (x2 - x1) * (y2 - y1), mask=m)
            return off + jnp.max(plsc.all_reduce_population_count(m))
        ktot = lax.fori_loop(0, nraw // 16, _sq, jnp.int32(0))

        o0 = pl.multiple_of((ktot // 16) * 16, 16)
        tailv = cs_v[pl.ds(o0, 16)]
        cs_v[pl.ds(o0, 16)] = jnp.where(lane < ktot - o0, tailv, -jnp.inf)

        def _fill(j, c):
            cs_v[pl.ds(pl.multiple_of(o0 + 16 + j * 16, 16), 16)] = (
                jnp.full((16,), -jnp.inf))
            return c
        lax.fori_loop(0, jnp.maximum(_NV0 - o0 // 16 - 1, 0), _fill, 0)

        ok = jnp.logical_and(jnp.logical_not(overflow), ktot <= _NV0 * 16)
        srv = lax.cond(ok, lambda: _nms_loop(_NV0, 12, True),
                       lambda: jnp.int32(0))
        need_full = jnp.logical_or(
            jnp.logical_not(ok),
            jnp.logical_and(srv < _MAX_DET, bstar >= _FULLBIN))
        flag_v[pl.ds(0, 16)] = jnp.full((16,), jnp.where(need_full, 1.0, 0.0))
        pltpu.sync_copy(flag_v, flag_sh)

    plsc.subcore_barrier()
    pltpu.sync_copy(flag_sh, flag_v)
    fl = jnp.max(flag_v[pl.ds(0, 16)])

    @pl.when(fl > 0.5)
    def _():
        pltpu.sync_copy(x1_v, cx1_sh.at[pl.ds(base, _PERTILE)])
        pltpu.sync_copy(y1_v, cy1_sh.at[pl.ds(base, _PERTILE)])
        pltpu.sync_copy(x2_v, cx2_sh.at[pl.ds(base, _PERTILE)])
        pltpu.sync_copy(y2_v, cy2_sh.at[pl.ds(base, _PERTILE)])
        pltpu.sync_copy(s_v, cs_sh.at[pl.ds(base, _PERTILE)])
        plsc.subcore_barrier()

        @pl.when(tid == 0)
        def _():
            pltpu.sync_copy(cx1_sh, cx1_v)
            pltpu.sync_copy(cy1_sh, cy1_v)
            pltpu.sync_copy(cx2_sh, cx2_v)
            pltpu.sync_copy(cy2_sh, cy2_v)
            pltpu.sync_copy(cs_sh, cs_v)
            _nms_loop(_NPAD // 16, 1, False)

    @pl.when(tid == 0)
    def _():
        pltpu.sync_copy(out_v, out_h)


@jax.jit
def kernel(boxes, scores):
    x1 = jnp.zeros((_NPAD,), jnp.float32).at[:_N].set(boxes[:, 0])
    y1 = jnp.zeros((_NPAD,), jnp.float32).at[:_N].set(boxes[:, 1])
    x2 = jnp.zeros((_NPAD,), jnp.float32).at[:_N].set(boxes[:, 2])
    y2 = jnp.zeros((_NPAD,), jnp.float32).at[:_N].set(boxes[:, 3])
    s = jnp.zeros((_NPAD,), jnp.float32).at[:_N].set(scores)
    out = _sc_nms(x1, y1, x2, y2, s)
    return out.reshape(_MAX_DET, 16)[:, :5]

# --- scband reference (transcript-rebuilt; emitter-appended) ---
"""Pipeline reference for scband-standard-roiheads-7902739824684 (READ-ONLY COPY).

The authoritative reference and input builder live on the scoring server;
editing this copy changes nothing except your own understanding.
"""

import jax, jax.numpy as jnp
import numpy as np

N = 20000
MAX_DET = 100
IOU_THRESH = 0.5
SCORE_THRESH = 0.05


def setup_inputs(seed: int = 0) -> dict:
    key = jax.random.key(seed)
    k1, k2, k3 = jax.random.split(key, 3)
    xy = jax.random.uniform(k1, (N, 2), dtype=jnp.float32) * 1000.0
    wh = jax.random.uniform(k2, (N, 2), dtype=jnp.float32) * 200.0 + 1.0
    boxes = jnp.concatenate([xy, xy + wh], axis=1)
    scores = jax.random.uniform(k3, (N,), dtype=jnp.float32)
    return {"boxes": boxes, "scores": scores}


def _iou_with(box, boxes):
    # IoU of a single box [4] against all boxes [N, 4]
    x1 = jnp.maximum(box[0], boxes[:, 0])
    y1 = jnp.maximum(box[1], boxes[:, 1])
    x2 = jnp.minimum(box[2], boxes[:, 2])
    y2 = jnp.minimum(box[3], boxes[:, 3])
    inter = jnp.clip(x2 - x1, 0.0) * jnp.clip(y2 - y1, 0.0)
    area_a = (box[2] - box[0]) * (box[3] - box[1])
    area_b = (boxes[:, 2] - boxes[:, 0]) * (boxes[:, 3] - boxes[:, 1])
    union = area_a + area_b - inter
    return inter / jnp.maximum(union, 1e-9)


def reference(boxes, scores):
    # Test-time inference path of StandardROIHeads (fast_rcnn_inference core):
    # score-threshold filter followed by greedy NMS, keeping top
    # detections_per_img = MAX_DET results. Returns [MAX_DET, 5] where each
    # row is (x1, y1, x2, y2, score); rows past the number of survivors are 0.
    s0 = jnp.where(scores > SCORE_THRESH, scores, -jnp.inf)

    def step(s, _):
        idx = jnp.argmax(s)
        best_box = boxes[idx]
        best_score = s[idx]
        ious = _iou_with(best_box, boxes)
        s_new = jnp.where(ious > IOU_THRESH, -jnp.inf, s)
        s_new = s_new.at[idx].set(-jnp.inf)
        valid = best_score > -jnp.inf
        rec = jnp.where(
            valid,
            jnp.concatenate([best_box, best_score[None]]),
            jnp.zeros((5,), jnp.float32),
        )
        return s_new, rec

    _, out = jax.lax.scan(step, s0, None, length=MAX_DET)
    return out

if __name__ == "__main__":
    import jax
    _d = setup_inputs()
    print(jax.jit(kernel)(*tuple(_d.values())))

</pallas_src>

<mosaic_0001>
#map = affine_map<(d0, d1) -> (0)>
module attributes {stable_mosaic.version = 14 : i64} {
  func.func @_sc_nms(%arg0: i32, %arg1: i32, %arg2: memref<20480xf32, #tpu.memory_space<hbm>>, %arg3: memref<20480xf32, #tpu.memory_space<hbm>>, %arg4: memref<20480xf32, #tpu.memory_space<hbm>>, %arg5: memref<20480xf32, #tpu.memory_space<hbm>>, %arg6: memref<20480xf32, #tpu.memory_space<hbm>>, %arg7: memref<1600xf32, #tpu.memory_space<hbm>>, %arg8: memref<544xf32, #tpu.memory_space<vmem>>, %arg9: memref<20480xf32, #tpu.memory_space<vmem_shared>>, %arg10: memref<20480xf32, #tpu.memory_space<vmem>>, %arg11: memref<20480xf32, #tpu.memory_space<vmem_shared>>, %arg12: memref<20480xf32, #tpu.memory_space<vmem>>, %arg13: memref<20480xf32, #tpu.memory_space<vmem_shared>>, %arg14: memref<20480xf32, #tpu.memory_space<vmem>>, %arg15: memref<20480xf32, #tpu.memory_space<vmem_shared>>, %arg16: memref<20480xf32, #tpu.memory_space<vmem>>, %arg17: memref<20480xf32, #tpu.memory_space<vmem_shared>>, %arg18: memref<20480xf32, #tpu.memory_space<vmem>>, %arg19: memref<16xf32, #tpu.memory_space<vmem_shared>>, %arg20: memref<16xf32, #tpu.memory_space<vmem>>, %arg21: memref<2048xf32, #tpu.memory_space<vmem_shared>>, %arg22: memref<128xf32, #tpu.memory_space<vmem>>, %arg23: memref<2048xf32, #tpu.memory_space<vmem>>, %arg24: memref<1600xf32, #tpu.memory_space<vmem>>, %arg25: memref<256xf32, #tpu.memory_space<vmem_shared>>, %arg26: memref<16xf32, #tpu.memory_space<vmem>>, %arg27: memref<256xf32, #tpu.memory_space<vmem>>, %arg28: memref<1280xf32, #tpu.memory_space<vmem>>, %arg29: memref<1296xf32, #tpu.memory_space<vmem>>, %arg30: memref<1296xf32, #tpu.memory_space<vmem>>, %arg31: memref<1296xf32, #tpu.memory_space<vmem>>, %arg32: memref<1296xf32, #tpu.memory_space<vmem>>, %arg33: memref<1296xf32, #tpu.memory_space<vmem>>, %arg34: memref<1280xf32, #tpu.memory_space<vmem>>, %arg35: memref<1280xf32, #tpu.memory_space<vmem>>, %arg36: memref<1280xf32, #tpu.memory_space<vmem>>, %arg37: memref<1280xf32, #tpu.memory_space<vmem>>) attributes {dimension_semantics = [#tpu.dimension_semantics<core_parallel>, #tpu.dimension_semantics<subcore_parallel>], iteration_bounds = array<i64: 1, 16>, scalar_prefetch = 0 : i64, scratch_operands = 30 : i64, tpu.core_type = #tpu.core_type<sc_vector_subcore>, window_params = [{transform_indices = #map}, {transform_indices = #map}, {transform_indices = #map}, {transform_indices = #map}, {transform_indices = #map}, {transform_indices = #map}]} {
    %iota3A = tpu.iota {dimensions = array<i32: 0>} : vector<16xi32>
    %convert_element_type3A = arith.sitofp %iota3A : vector<16xi32> to vector<16xf32>
    %mul3A = arith.constant 1280 : i32
    %mul3A_0 = arith.muli %arg1, %mul3A : i32
    "tpu.region"() ({
      %run_scoped3A = tpu.sem_alloc : memref<!tpu.dma_semaphore, #tpu.memory_space<semaphore_mem>>
      %dma_start3A = tpu.memref_slice %arg2[%mul3A_0] : memref<20480xf32, #tpu.memory_space<hbm>> -> memref<1280xf32, #tpu.memory_space<hbm>>
      %dma_start3A_381 = tpu.memref_slice %arg2[%mul3A_0] : memref<20480xf32, #tpu.memory_space<hbm>> -> memref<1280xf32, #tpu.memory_space<hbm>>
      tpu.enqueue_dma source(%dma_start3A_381 : memref<1280xf32, #tpu.memory_space<hbm>>) target(%arg34 : memref<1280xf32, #tpu.memory_space<vmem>>) target_semaphore(%run_scoped3A : memref<!tpu.dma_semaphore, #tpu.memory_space<semaphore_mem>>)
      %dma_wait3A = tpu.memref_slice %arg2[%mul3A_0] : memref<20480xf32, #tpu.memory_space<hbm>> -> memref<1280xf32, #tpu.memory_space<hbm>>
      %dma_wait3A_382 = tpu.memref_slice %arg2[%mul3A_0] : memref<20480xf32, #tpu.memory_space<hbm>> -> memref<1280xf32, #tpu.memory_space<hbm>>
      tpu.wait_dma2 semaphore(%run_scoped3A : memref<!tpu.dma_semaphore, #tpu.memory_space<semaphore_mem>>) src(%dma_wait3A_382 : memref<1280xf32, #tpu.memory_space<hbm>>) dst(%arg34 : memref<1280xf32, #tpu.memory_space<vmem>>)
      tpu.yield
    }) : () -> ()
    "tpu.region"() ({
      %run_scoped3A = tpu.sem_alloc : memref<!tpu.dma_semaphore, #tpu.memory_space<semaphore_mem>>
      %dma_start3A = tpu.memref_slice %arg3[%mul3A_0] : memref<20480xf32, #tpu.memory_space<hbm>> -> memref<1280xf32, #tpu.memory_space<hbm>>
      %dma_start3A_381 = tpu.memref_slice %arg3[%mul3A_0] : memref<20480xf32, #tpu.memory_space<hbm>> -> memref<1280xf32, #tpu.memory_space<hbm>>
      tpu.enqueue_dma source(%dma_start3A_381 : memref<1280xf32, #tpu.memory_space<hbm>>) target(%arg36 : memref<1280xf32, #tpu.memory_space<vmem>>) target_semaphore(%run_scoped3A : memref<!tpu.dma_semaphore, #tpu.memory_space<semaphore_mem>>)
      %dma_wait3A = tpu.memref_slice %arg3[%mul3A_0] : memref<20480xf32, #tpu.memory_space<hbm>> -> memref<1280xf32, #tpu.memory_space<hbm>>
      %dma_wait3A_382 = tpu.memref_slice %arg3[%mul3A_0] : memref<20480xf32, #tpu.memory_space<hbm>> -> memref<1280xf32, #tpu.memory_space<hbm>>
      tpu.wait_dma2 semaphore(%run_scoped3A : memref<!tpu.dma_semaphore, #tpu.memory_space<semaphore_mem>>) src(%dma_wait3A_382 : memref<1280xf32, #tpu.memory_space<hbm>>) dst(%arg36 : memref<1280xf32, #tpu.memory_space<vmem>>)
      tpu.yield
    }) : () -> ()
    "tpu.region"() ({
      %run_scoped3A = tpu.sem_alloc : memref<!tpu.dma_semaphore, #tpu.memory_space<semaphore_mem>>
      %dma_start3A = tpu.memref_slice %arg4[%mul3A_0] : memref<20480xf32, #tpu.memory_space<hbm>> -> memref<1280xf32, #tpu.memory_space<hbm>>
      %dma_start3A_381 = tpu.memref_slice %arg4[%mul3A_0] : memref<20480xf32, #tpu.memory_space<hbm>> -> memref<1280xf32, #tpu.memory_space<hbm>>
      tpu.enqueue_dma source(%dma_start3A_381 : memref<1280xf32, #tpu.memory_space<hbm>>) target(%arg35 : memref<1280xf32, #tpu.memory_space<vmem>>) target_semaphore(%run_scoped3A : memref<!tpu.dma_semaphore, #tpu.memory_space<semaphore_mem>>)
      %dma_wait3A = tpu.memref_slice %arg4[%mul3A_0] : memref<20480xf32, #tpu.memory_space<hbm>> -> memref<1280xf32, #tpu.memory_space<hbm>>
      %dma_wait3A_382 = tpu.memref_slice %arg4[%mul3A_0] : memref<20480xf32, #tpu.memory_space<hbm>> -> memref<1280xf32, #tpu.memory_space<hbm>>
      tpu.wait_dma2 semaphore(%run_scoped3A : memref<!tpu.dma_semaphore, #tpu.memory_space<semaphore_mem>>) src(%dma_wait3A_382 : memref<1280xf32, #tpu.memory_space<hbm>>) dst(%arg35 : memref<1280xf32, #tpu.memory_space<vmem>>)
      tpu.yield
    }) : () -> ()
    "tpu.region"() ({
      %run_scoped3A = tpu.sem_alloc : memref<!tpu.dma_semaphore, #tpu.memory_space<semaphore_mem>>
      %dma_start3A = tpu.memref_slice %arg5[%mul3A_0] : memref<20480xf32, #tpu.memory_space<hbm>> -> memref<1280xf32, #tpu.memory_space<hbm>>
      %dma_start3A_381 = tpu.memref_slice %arg5[%mul3A_0] : memref<20480xf32, #tpu.memory_space<hbm>> -> memref<1280xf32, #tpu.memory_space<hbm>>
      tpu.enqueue_dma source(%dma_start3A_381 : memref<1280xf32, #tpu.memory_space<hbm>>) target(%arg37 : memref<1280xf32, #tpu.memory_space<vmem>>) target_semaphore(%run_scoped3A : memref<!tpu.dma_semaphore, #tpu.memory_space<semaphore_mem>>)
      %dma_wait3A = tpu.memref_slice %arg5[%mul3A_0] : memref<20480xf32, #tpu.memory_space<hbm>> -> memref<1280xf32, #tpu.memory_space<hbm>>
      %dma_wait3A_382 = tpu.memref_slice %arg5[%mul3A_0] : memref<20480xf32, #tpu.memory_space<hbm>> -> memref<1280xf32, #tpu.memory_space<hbm>>
      tpu.wait_dma2 semaphore(%run_scoped3A : memref<!tpu.dma_semaphore, #tpu.memory_space<semaphore_mem>>) src(%dma_wait3A_382 : memref<1280xf32, #tpu.memory_space<hbm>>) dst(%arg37 : memref<1280xf32, #tpu.memory_space<vmem>>)
      tpu.yield
    }) : () -> ()
    "tpu.region"() ({
      %run_scoped3A = tpu.sem_alloc : memref<!tpu.dma_semaphore, #tpu.memory_space<semaphore_mem>>
      %dma_start3A = tpu.memref_slice %arg6[%mul3A_0] : memref<20480xf32, #tpu.memory_space<hbm>> -> memref<1280xf32, #tpu.memory_space<hbm>>
      %dma_start3A_381 = tpu.memref_slice %arg6[%mul3A_0] : memref<20480xf32, #tpu.memory_space<hbm>> -> memref<1280xf32, #tpu.memory_space<hbm>>
      tpu.enqueue_dma source(%dma_start3A_381 : memref<1280xf32, #tpu.memory_space<hbm>>) target(%arg28 : memref<1280xf32, #tpu.memory_space<vmem>>) target_semaphore(%run_scoped3A : memref<!tpu.dma_semaphore, #tpu.memory_space<semaphore_mem>>)
      %dma_wait3A = tpu.memref_slice %arg6[%mul3A_0] : memref<20480xf32, #tpu.memory_space<hbm>> -> memref<1280xf32, #tpu.memory_space<hbm>>
      %dma_wait3A_382 = tpu.memref_slice %arg6[%mul3A_0] : memref<20480xf32, #tpu.memory_space<hbm>> -> memref<1280xf32, #tpu.memory_space<hbm>>
      tpu.wait_dma2 semaphore(%run_scoped3A : memref<!tpu.dma_semaphore, #tpu.memory_space<semaphore_mem>>) src(%dma_wait3A_382 : memref<1280xf32, #tpu.memory_space<hbm>>) dst(%arg28 : memref<1280xf32, #tpu.memory_space<vmem>>)
      tpu.yield
    }) : () -> ()
    %broadcast_in_dim3A = arith.constant 0.000000e+00 : f32
    %broadcast_in_dim3A_1 = vector.broadcast %broadcast_in_dim3A : f32 to vector<16xf32>
    %broadcast_in_dim3A_2 = arith.constant 1.000000e+00 : f32
    %broadcast_in_dim3A_3 = vector.broadcast %broadcast_in_dim3A_2 : f32 to vector<16xf32>
    %scan3A = arith.constant 0 : i32
    %scan3A_4 = arith.constant 0 : i32
    %scan3A_5 = arith.constant 8 : i32
    %scan3A_6 = arith.addi %scan3A_4, %scan3A_5 : i32
    %scan3A_7 = arith.constant 1 : i32
    scf.for %scan3A_381 = %scan3A_4 to %scan3A_6 step %scan3A_7  : i32 {
      %mul3A_382 = arith.constant 16 : i32
      %mul3A_383 = arith.muli %scan3A_381, %mul3A_382 : i32
      %swap3A_384 = arith.index_cast %mul3A_383 : i32 to index
      %swap3A_385 = tpu.vector_load %arg22[%swap3A_384] {strides = array<i32>} : memref<128xf32, #tpu.memory_space<vmem>>, vector<16xf32>,
      tpu.vector_store %arg22[%swap3A_384], %broadcast_in_dim3A_1 {strides = array<i32>} : memref<128xf32, #tpu.memory_space<vmem>>, vector<16xf32>,
    }
    %scan3A_8 = arith.constant 8 : i32
    %parallel_loop3A = arith.constant 0 : i32
    %parallel_loop3A_9 = arith.constant 80 : i32
    %parallel_loop3A_10 = arith.constant 1 : i32
    %parallel_loop3A_11 = arith.constant 0 : i32
    %parallel_loop3A_12 = scf.for %parallel_loop3A_381 = %parallel_loop3A to %parallel_loop3A_9 step %parallel_loop3A_10 iter_args(%parallel_loop3A_382 = %parallel_loop3A_11) -> (i32)  : i32 {
      %parallel_loop3A_383 = arith.constant 16 : i32
      %parallel_loop3A_384 = arith.muli %parallel_loop3A_381, %parallel_loop3A_383 : i32
      %parallel_loop3A_385 = arith.index_cast %parallel_loop3A_384 : i32 to index
      %parallel_loop3A_386 = tpu.vector_load %arg28[%parallel_loop3A_385] {strides = array<i32>} : memref<1280xf32, #tpu.memory_space<vmem>>, vector<16xf32>,
      %parallel_loop3A_387 = arith.constant 5.000000e-02 : f32
      %parallel_loop3A_388 = vector.broadcast %parallel_loop3A_387 : f32 to vector<16xf32>
      %parallel_loop3A_389 = arith.cmpf ogt, %parallel_loop3A_386, %parallel_loop3A_388 : vector<16xf32>
      %parallel_loop3A_390 = arith.constant 0xFF800000 : f32
      %parallel_loop3A_391 = vector.broadcast %parallel_loop3A_390 : f32 to vector<16xf32>
      %parallel_loop3A_392 = arith.select %parallel_loop3A_389, %parallel_loop3A_386, %parallel_loop3A_391 : vector<16xi1>, vector<16xf32>
      %parallel_loop3A_393 = arith.index_cast %parallel_loop3A_384 : i32 to index
      %parallel_loop3A_394 = tpu.vector_load %arg28[%parallel_loop3A_393] {strides = array<i32>} : memref<1280xf32, #tpu.memory_space<vmem>>, vector<16xf32>,
      tpu.vector_store %arg28[%parallel_loop3A_393], %parallel_loop3A_392 {strides = array<i32>} : memref<1280xf32, #tpu.memory_space<vmem>>, vector<16xf32>,
      %parallel_loop3A_395 = arith.constant 5.000000e-02 : f32
      %parallel_loop3A_396 = vector.broadcast %parallel_loop3A_395 : f32 to vector<16xf32>
      %parallel_loop3A_397 = arith.cmpf ogt, %parallel_loop3A_392, %parallel_loop3A_396 : vector<16xf32>
      %parallel_loop3A_398 = arith.constant 1.280000e+02 : f32
      %parallel_loop3A_399 = vector.broadcast %parallel_loop3A_398 : f32 to vector<16xf32>
      %parallel_loop3A_400 = arith.mulf %parallel_loop3A_392, %parallel_loop3A_399 : vector<16xf32>
      %parallel_loop3A_401 = arith.fptosi %parallel_loop3A_400 : vector<16xf32> to vector<16xi32>
      %parallel_loop3A_402 = arith.constant 0 : i32
      %parallel_loop3A_403 = arith.constant 127 : i32
      %parallel_loop3A_404 = vector.broadcast %parallel_loop3A_402 : i32 to vector<16xi32>
      %parallel_loop3A_405 = arith.maxsi %parallel_loop3A_404, %parallel_loop3A_401 : vector<16xi32>
      %parallel_loop3A_406 = vector.broadcast %parallel_loop3A_403 : i32 to vector<16xi32>
      %parallel_loop3A_407 = arith.minsi %parallel_loop3A_406, %parallel_loop3A_405 : vector<16xi32>
      tpu.vector_store_idx %arg22[%parallel_loop3A_407], %broadcast_in_dim3A_3 masked %parallel_loop3A_397 {add = true} : memref<128xf32, #tpu.memory_space<vmem>>[vector<16xi32>], vector<16xf32>, vector<16xi1>
      scf.yield %parallel_loop3A_382 : i32
    } {sc.loop_unroll_factor = 4 : i64, sc.parallel_access}
    %mul3A_13 = arith.constant 128 : i32
    %mul3A_14 = arith.muli %arg1, %mul3A_13 : i32
    "tpu.region"() ({
      %run_scoped3A = tpu.sem_alloc : memref<!tpu.dma_semaphore, #tpu.memory_space<semaphore_mem>>
      %dma_start3A = tpu.memref_slice %arg21[%mul3A_14] : memref<2048xf32, #tpu.memory_space<vmem_shared>> -> memref<128xf32, #tpu.memory_space<vmem_shared>>
      %dma_start3A_381 = tpu.memref_slice %arg21[%mul3A_14] : memref<2048xf32, #tpu.memory_space<vmem_shared>> -> memref<128xf32, #tpu.memory_space<vmem_shared>>
      tpu.enqueue_dma source(%arg22 : memref<128xf32, #tpu.memory_space<vmem>>) target(%dma_start3A_381 : memref<128xf32, #tpu.memory_space<vmem_shared>>) target_semaphore(%run_scoped3A : memref<!tpu.dma_semaphore, #tpu.memory_space<semaphore_mem>>)
      %dma_wait3A = tpu.memref_slice %arg21[%mul3A_14] : memref<2048xf32, #tpu.memory_space<vmem_shared>> -> memref<128xf32, #tpu.memory_space<vmem_shared>>
      %dma_wait3A_382 = tpu.memref_slice %arg21[%mul3A_14] : memref<2048xf32, #tpu.memory_space<vmem_shared>> -> memref<128xf32, #tpu.memory_space<vmem_shared>>
      tpu.wait_dma2 semaphore(%run_scoped3A : memref<!tpu.dma_semaphore, #tpu.memory_space<semaphore_mem>>) src(%arg22 : memref<128xf32, #tpu.memory_space<vmem>>) dst(%dma_wait3A_382 : memref<128xf32, #tpu.memory_space<vmem_shared>>)
      tpu.yield
    }) : () -> ()
    %barrier3A = arith.constant 0 : index
    tpu.barrier barrier_id(%barrier3A)
    "tpu.region"() ({
      %run_scoped3A = tpu.sem_alloc : memref<!tpu.dma_semaphore, #tpu.memory_space<semaphore_mem>>
      tpu.enqueue_dma source(%arg21 : memref<2048xf32, #tpu.memory_space<vmem_shared>>) target(%arg23 : memref<2048xf32, #tpu.memory_space<vmem>>) target_semaphore(%run_scoped3A : memref<!tpu.dma_semaphore, #tpu.memory_space<semaphore_mem>>)
      tpu.wait_dma2 semaphore(%run_scoped3A : memref<!tpu.dma_semaphore, #tpu.memory_space<semaphore_mem>>) src(%arg21 : memref<2048xf32, #tpu.memory_space<vmem_shared>>) dst(%arg23 : memref<2048xf32, #tpu.memory_space<vmem>>)
      tpu.yield
    }) : () -> ()
    %scan3A_15 = arith.constant 0 : i32
    %scan3A_16 = arith.constant 16 : i32
    %scan3A_17 = arith.addi %scan3A_15, %scan3A_16 : i32
    %scan3A_18 = arith.constant 1 : i32
    %scan3A_19:8 = scf.for %scan3A_381 = %scan3A_15 to %scan3A_17 step %scan3A_18 iter_args(%scan3A_382 = %broadcast_in_dim3A_1, %scan3A_383 = %broadcast_in_dim3A_1, %scan3A_384 = %broadcast_in_dim3A_1, %scan3A_385 = %broadcast_in_dim3A_1, %scan3A_386 = %broadcast_in_dim3A_1, %scan3A_387 = %broadcast_in_dim3A_1, %scan3A_388 = %broadcast_in_dim3A_1, %scan3A_389 = %broadcast_in_dim3A_1) -> (vector<16xf32>, vector<16xf32>, vector<16xf32>, vector<16xf32>, vector<16xf32>, vector<16xf32>, vector<16xf32>, vector<16xf32>)  : i32 {
      %mul3A_390 = arith.constant 128 : i32
      %mul3A_391 = arith.muli %scan3A_381, %mul3A_390 : i32
      %add3A_392 = arith.constant 0 : i32
      %add3A_393 = arith.addi %mul3A_391, %add3A_392 : i32
      %get3A_394 = arith.index_cast %add3A_393 : i32 to index
      %get3A_395 = tpu.vector_load %arg23[%get3A_394] {strides = array<i32>} : memref<2048xf32, #tpu.memory_space<vmem>>, vector<16xf32>,
      %add3A_396 = arith.addf %scan3A_382, %get3A_395 : vector<16xf32>
      %mul3A_397 = arith.constant 128 : i32
      %mul3A_398 = arith.muli %scan3A_381, %mul3A_397 : i32
      %add3A_399 = arith.constant 16 : i32
      %add3A_400 = arith.addi %mul3A_398, %add3A_399 : i32
      %get3A_401 = arith.index_cast %add3A_400 : i32 to index
      %get3A_402 = tpu.vector_load %arg23[%get3A_401] {strides = array<i32>} : memref<2048xf32, #tpu.memory_space<vmem>>, vector<16xf32>,
      %add3A_403 = arith.addf %scan3A_383, %get3A_402 : vector<16xf32>
      %mul3A_404 = arith.constant 128 : i32
      %mul3A_405 = arith.muli %scan3A_381, %mul3A_404 : i32
      %add3A_406 = arith.constant 32 : i32
      %add3A_407 = arith.addi %mul3A_405, %add3A_406 : i32
      %get3A_408 = arith.index_cast %add3A_407 : i32 to index
      %get3A_409 = tpu.vector_load %arg23[%get3A_408] {strides = array<i32>} : memref<2048xf32, #tpu.memory_space<vmem>>, vector<16xf32>,
      %add3A_410 = arith.addf %scan3A_384, %get3A_409 : vector<16xf32>
      %mul3A_411 = arith.constant 128 : i32
      %mul3A_412 = arith.muli %scan3A_381, %mul3A_411 : i32
      %add3A_413 = arith.constant 48 : i32
      %add3A_414 = arith.addi %mul3A_412, %add3A_413 : i32
      %get3A_415 = arith.index_cast %add3A_414 : i32 to index
      %get3A_416 = tpu.vector_load %arg23[%get3A_415] {strides = array<i32>} : memref<2048xf32, #tpu.memory_space<vmem>>, vector<16xf32>,
      %add3A_417 = arith.addf %scan3A_385, %get3A_416 : vector<16xf32>
      %mul3A_418 = arith.constant 128 : i32
      %mul3A_419 = arith.muli %scan3A_381, %mul3A_418 : i32
      %add3A_420 = arith.constant 64 : i32
      %add3A_421 = arith.addi %mul3A_419, %add3A_420 : i32
      %get3A_422 = arith.index_cast %add3A_421 : i32 to index
      %get3A_423 = tpu.vector_load %arg23[%get3A_422] {strides = array<i32>} : memref<2048xf32, #tpu.memory_space<vmem>>, vector<16xf32>,
      %add3A_424 = arith.addf %scan3A_386, %get3A_423 : vector<16xf32>
      %mul3A_425 = arith.constant 128 : i32
      %mul3A_426 = arith.muli %scan3A_381, %mul3A_425 : i32
      %add3A_427 = arith.constant 80 : i32
      %add3A_428 = arith.addi %mul3A_426, %add3A_427 : i32
      %get3A_429 = arith.index_cast %add3A_428 : i32 to index
      %get3A_430 = tpu.vector_load %arg23[%get3A_429] {strides = array<i32>} : memref<2048xf32, #tpu.memory_space<vmem>>, vector<16xf32>,
      %add3A_431 = arith.addf %scan3A_387, %get3A_430 : vector<16xf32>
      %mul3A_432 = arith.constant 128 : i32
      %mul3A_433 = arith.muli %scan3A_381, %mul3A_432 : i32
      %add3A_434 = arith.constant 96 : i32
      %add3A_435 = arith.addi %mul3A_433, %add3A_434 : i32
      %get3A_436 = arith.index_cast %add3A_435 : i32 to index
      %get3A_437 = tpu.vector_load %arg23[%get3A_436] {strides = array<i32>} : memref<2048xf32, #tpu.memory_space<vmem>>, vector<16xf32>,
      %add3A_438 = arith.addf %scan3A_388, %get3A_437 : vector<16xf32>
      %mul3A_439 = arith.constant 128 : i32
      %mul3A_440 = arith.muli %scan3A_381, %mul3A_439 : i32
      %add3A_441 = arith.constant 112 : i32
      %add3A_442 = arith.addi %mul3A_440, %add3A_441 : i32
      %get3A_443 = arith.index_cast %add3A_442 : i32 to index
      %get3A_444 = tpu.vector_load %arg23[%get3A_443] {strides = array<i32>} : memref<2048xf32, #tpu.memory_space<vmem>>, vector<16xf32>,
      %add3A_445 = arith.addf %scan3A_389, %get3A_444 : vector<16xf32>
      scf.yield %add3A_396, %add3A_403, %add3A_410, %add3A_417, %add3A_424, %add3A_431, %add3A_438, %add3A_445 : vector<16xf32>, vector<16xf32>, vector<16xf32>, vector<16xf32>, vector<16xf32>, vector<16xf32>, vector<16xf32>, vector<16xf32>
    }
    %scan3A_20 = arith.constant 16 : i32
    %rev3A = arith.constant 15 : i32
    %rev3A_21 = vector.broadcast %rev3A : i32 to vector<16xi32>
    %rev3A_22 = tpu.iota {dimensions = array<i32: 0>} : vector<16xi32>
    %rev3A_23 = arith.subi %rev3A_21, %rev3A_22 : vector<16xi32>
    %rev3A_24 = tpu.dynamic_gather %scan3A_19#7[%rev3A_23] in [0] : vector<16xf32>, vector<16xi32> -> vector<16xf32>
    %broadcast_in_dim3A_25 = arith.constant true
    %broadcast_in_dim3A_26 = vector.broadcast %broadcast_in_dim3A_25 : i1 to vector<16xi1>
    %masked_cumsum3A = tpu.scan <sum>, %rev3A_24 masked %broadcast_in_dim3A_26 : vector<16xf32>, vector<16xi1> -> vector<16xf32>
    %rev3A_27 = arith.constant 15 : i32
    %rev3A_28 = vector.broadcast %rev3A_27 : i32 to vector<16xi32>
    %rev3A_29 = tpu.iota {dimensions = array<i32: 0>} : vector<16xi32>
    %rev3A_30 = arith.subi %rev3A_28, %rev3A_29 : vector<16xi32>
    %rev3A_31 = tpu.dynamic_gather %masked_cumsum3A[%rev3A_30] in [0] : vector<16xf32>, vector<16xi32> -> vector<16xf32>
    %add3A = arith.constant 0.000000e+00 : f32
    %add3A_32 = vector.broadcast %add3A : f32 to vector<16xf32>
    %add3A_33 = arith.addf %rev3A_31, %add3A_32 : vector<16xf32>
    %ge3A = arith.constant 1.920000e+02 : f32
    %ge3A_34 = vector.broadcast %ge3A : f32 to vector<16xf32>
    %ge3A_35 = arith.cmpf oge, %add3A_33, %ge3A_34 : vector<16xf32>
    %add3A_36 = arith.constant 112 : i32
    %add3A_37 = vector.broadcast %add3A_36 : i32 to vector<16xi32>
    %add3A_38 = arith.addi %add3A_37, %iota3A : vector<16xi32>
    %jit3A = arith.constant -1 : i32
    %broadcast_in_dim3A_39 = vector.broadcast %jit3A : i32 to vector<16xi32>
    %select_n3A = arith.select %ge3A_35, %add3A_38, %broadcast_in_dim3A_39 : vector<16xi1>, vector<16xi32>
    %reduce_max3A = arith.constant true
    %reduce_max3A_40 = vector.broadcast %reduce_max3A : i1 to vector<16xi1>
    %reduce_max3A_41 = arith.constant -2147483648 : i32
    %reduce_max3A_42 = vector.broadcast %reduce_max3A_41 : i32 to vector<16xi32>
    %reduce_max3A_43 = arith.xori %select_n3A, %reduce_max3A_42 : vector<16xi32>
    %reduce_max3A_44 = tpu.scan <max>, %reduce_max3A_43 masked %reduce_max3A_40 : vector<16xi32>, vector<16xi1> -> vector<16xi32>
    %reduce_max3A_45 = arith.xori %reduce_max3A_44, %reduce_max3A_42 : vector<16xi32>
    %reduce_max3A_46 = vector.extract %reduce_max3A_45[15] : i32 from vector<16xi32>
    %max3A = arith.constant -1 : i32
    %max3A_47 = arith.maxsi %max3A, %reduce_max3A_46 : i32
    %reduce_sum3A = arith.constant true
    %reduce_sum3A_48 = vector.broadcast %reduce_sum3A : i1 to vector<16xi1>
    %reduce_sum3A_49 = tpu.scan <sum>, %scan3A_19#7 masked %reduce_sum3A_48 : vector<16xf32>, vector<16xi1> -> vector<16xf32>
    %reduce_sum3A_50 = vector.extract %reduce_sum3A_49[15] : f32 from vector<16xf32>
    %add3A_51 = arith.constant 0.000000e+00 : f32
    %add3A_52 = arith.addf %add3A_51, %reduce_sum3A_50 : f32
    %rev3A_53 = arith.constant 15 : i32
    %rev3A_54 = vector.broadcast %rev3A_53 : i32 to vector<16xi32>
    %rev3A_55 = tpu.iota {dimensions = array<i32: 0>} : vector<16xi32>
    %rev3A_56 = arith.subi %rev3A_54, %rev3A_55 : vector<16xi32>
    %rev3A_57 = tpu.dynamic_gather %scan3A_19#6[%rev3A_56] in [0] : vector<16xf32>, vector<16xi32> -> vector<16xf32>
    %broadcast_in_dim3A_58 = arith.constant true
    %broadcast_in_dim3A_59 = vector.broadcast %broadcast_in_dim3A_58 : i1 to vector<16xi1>
    %masked_cumsum3A_60 = tpu.scan <sum>, %rev3A_57 masked %broadcast_in_dim3A_59 : vector<16xf32>, vector<16xi1> -> vector<16xf32>
    %rev3A_61 = arith.constant 15 : i32
    %rev3A_62 = vector.broadcast %rev3A_61 : i32 to vector<16xi32>
    %rev3A_63 = tpu.iota {dimensions = array<i32: 0>} : vector<16xi32>
    %rev3A_64 = arith.subi %rev3A_62, %rev3A_63 : vector<16xi32>
    %rev3A_65 = tpu.dynamic_gather %masked_cumsum3A_60[%rev3A_64] in [0] : vector<16xf32>, vector<16xi32> -> vector<16xf32>
    %add3A_66 = vector.broadcast %add3A_52 : f32 to vector<16xf32>
    %add3A_67 = arith.addf %rev3A_65, %add3A_66 : vector<16xf32>
    %ge3A_68 = arith.constant 1.920000e+02 : f32
    %ge3A_69 = vector.broadcast %ge3A_68 : f32 to vector<16xf32>
    %ge3A_70 = arith.cmpf oge, %add3A_67, %ge3A_69 : vector<16xf32>
    %add3A_71 = arith.constant 96 : i32
    %add3A_72 = vector.broadcast %add3A_71 : i32 to vector<16xi32>
    %add3A_73 = arith.addi %add3A_72, %iota3A : vector<16xi32>
    %jit3A_74 = arith.constant -1 : i32
    %broadcast_in_dim3A_75 = vector.broadcast %jit3A_74 : i32 to vector<16xi32>
    %select_n3A_76 = arith.select %ge3A_70, %add3A_73, %broadcast_in_dim3A_75 : vector<16xi1>, vector<16xi32>
    %reduce_max3A_77 = arith.constant true
    %reduce_max3A_78 = vector.broadcast %reduce_max3A_77 : i1 to vector<16xi1>
    %reduce_max3A_79 = arith.constant -2147483648 : i32
    %reduce_max3A_80 = vector.broadcast %reduce_max3A_79 : i32 to vector<16xi32>
    %reduce_max3A_81 = arith.xori %select_n3A_76, %reduce_max3A_80 : vector<16xi32>
    %reduce_max3A_82 = tpu.scan <max>, %reduce_max3A_81 masked %reduce_max3A_78 : vector<16xi32>, vector<16xi1> -> vector<16xi32>
    %reduce_max3A_83 = arith.xori %reduce_max3A_82, %reduce_max3A_80 : vector<16xi32>
    %reduce_max3A_84 = vector.extract %reduce_max3A_83[15] : i32 from vector<16xi32>
    %max3A_85 = arith.maxsi %max3A_47, %reduce_max3A_84 : i32
    %reduce_sum3A_86 = arith.constant true
    %reduce_sum3A_87 = vector.broadcast %reduce_sum3A_86 : i1 to vector<16xi1>
    %reduce_sum3A_88 = tpu.scan <sum>, %scan3A_19#6 masked %reduce_sum3A_87 : vector<16xf32>, vector<16xi1> -> vector<16xf32>
    %reduce_sum3A_89 = vector.extract %reduce_sum3A_88[15] : f32 from vector<16xf32>
    %add3A_90 = arith.addf %add3A_52, %reduce_sum3A_89 : f32
    %rev3A_91 = arith.constant 15 : i32
    %rev3A_92 = vector.broadcast %rev3A_91 : i32 to vector<16xi32>
    %rev3A_93 = tpu.iota {dimensions = array<i32: 0>} : vector<16xi32>
    %rev3A_94 = arith.subi %rev3A_92, %rev3A_93 : vector<16xi32>
    %rev3A_95 = tpu.dynamic_gather %scan3A_19#5[%rev3A_94] in [0] : vector<16xf32>, vector<16xi32> -> vector<16xf32>
    %broadcast_in_dim3A_96 = arith.constant true
    %broadcast_in_dim3A_97 = vector.broadcast %broadcast_in_dim3A_96 : i1 to vector<16xi1>
    %masked_cumsum3A_98 = tpu.scan <sum>, %rev3A_95 masked %broadcast_in_dim3A_97 : vector<16xf32>, vector<16xi1> -> vector<16xf32>
    %rev3A_99 = arith.constant 15 : i32
    %rev3A_100 = vector.broadcast %rev3A_99 : i32 to vector<16xi32>
    %rev3A_101 = tpu.iota {dimensions = array<i32: 0>} : vector<16xi32>
    %rev3A_102 = arith.subi %rev3A_100, %rev3A_101 : vector<16xi32>
    %rev3A_103 = tpu.dynamic_gather %masked_cumsum3A_98[%rev3A_102] in [0] : vector<16xf32>, vector<16xi32> -> vector<16xf32>
    %add3A_104 = vector.broadcast %add3A_90 : f32 to vector<16xf32>
    %add3A_105 = arith.addf %rev3A_103, %add3A_104 : vector<16xf32>
    %ge3A_106 = arith.constant 1.920000e+02 : f32
    %ge3A_107 = vector.broadcast %ge3A_106 : f32 to vector<16xf32>
    %ge3A_108 = arith.cmpf oge, %add3A_105, %ge3A_107 : vector<16xf32>
    %add3A_109 = arith.constant 80 : i32
    %add3A_110 = vector.broadcast %add3A_109 : i32 to vector<16xi32>
    %add3A_111 = arith.addi %add3A_110, %iota3A : vector<16xi32>
    %jit3A_112 = arith.constant -1 : i32
    %broadcast_in_dim3A_113 = vector.broadcast %jit3A_112 : i32 to vector<16xi32>
    %select_n3A_114 = arith.select %ge3A_108, %add3A_111, %broadcast_in_dim3A_113 : vector<16xi1>, vector<16xi32>
    %reduce_max3A_115 = arith.constant true
    %reduce_max3A_116 = vector.broadcast %reduce_max3A_115 : i1 to vector<16xi1>
    %reduce_max3A_117 = arith.constant -2147483648 : i32
    %reduce_max3A_118 = vector.broadcast %reduce_max3A_117 : i32 to vector<16xi32>
    %reduce_max3A_119 = arith.xori %select_n3A_114, %reduce_max3A_118 : vector<16xi32>
    %reduce_max3A_120 = tpu.scan <max>, %reduce_max3A_119 masked %reduce_max3A_116 : vector<16xi32>, vector<16xi1> -> vector<16xi32>
    %reduce_max3A_121 = arith.xori %reduce_max3A_120, %reduce_max3A_118 : vector<16xi32>
    %reduce_max3A_122 = vector.extract %reduce_max3A_121[15] : i32 from vector<16xi32>
    %max3A_123 = arith.maxsi %max3A_85, %reduce_max3A_122 : i32
    %reduce_sum3A_124 = arith.constant true
    %reduce_sum3A_125 = vector.broadcast %reduce_sum3A_124 : i1 to vector<16xi1>
    %reduce_sum3A_126 = tpu.scan <sum>, %scan3A_19#5 masked %reduce_sum3A_125 : vector<16xf32>, vector<16xi1> -> vector<16xf32>
    %reduce_sum3A_127 = vector.extract %reduce_sum3A_126[15] : f32 from vector<16xf32>
    %add3A_128 = arith.addf %add3A_90, %reduce_sum3A_127 : f32
    %rev3A_129 = arith.constant 15 : i32
    %rev3A_130 = vector.broadcast %rev3A_129 : i32 to vector<16xi32>
    %rev3A_131 = tpu.iota {dimensions = array<i32: 0>} : vector<16xi32>
    %rev3A_132 = arith.subi %rev3A_130, %rev3A_131 : vector<16xi32>
    %rev3A_133 = tpu.dynamic_gather %scan3A_19#4[%rev3A_132] in [0] : vector<16xf32>, vector<16xi32> -> vector<16xf32>
    %broadcast_in_dim3A_134 = arith.constant true
    %broadcast_in_dim3A_135 = vector.broadcast %broadcast_in_dim3A_134 : i1 to vector<16xi1>
    %masked_cumsum3A_136 = tpu.scan <sum>, %rev3A_133 masked %broadcast_in_dim3A_135 : vector<16xf32>, vector<16xi1> -> vector<16xf32>
    %rev3A_137 = arith.constant 15 : i32
    %rev3A_138 = vector.broadcast %rev3A_137 : i32 to vector<16xi32>
    %rev3A_139 = tpu.iota {dimensions = array<i32: 0>} : vector<16xi32>
    %rev3A_140 = arith.subi %rev3A_138, %rev3A_139 : vector<16xi32>
    %rev3A_141 = tpu.dynamic_gather %masked_cumsum3A_136[%rev3A_140] in [0] : vector<16xf32>, vector<16xi32> -> vector<16xf32>
    %add3A_142 = vector.broadcast %add3A_128 : f32 to vector<16xf32>
    %add3A_143 = arith.addf %rev3A_141, %add3A_142 : vector<16xf32>
    %ge3A_144 = arith.constant 1.920000e+02 : f32
    %ge3A_145 = vector.broadcast %ge3A_144 : f32 to vector<16xf32>
    %ge3A_146 = arith.cmpf oge, %add3A_143, %ge3A_145 : vector<16xf32>
    %add3A_147 = arith.constant 64 : i32
    %add3A_148 = vector.broadcast %add3A_147 : i32 to vector<16xi32>
    %add3A_149 = arith.addi %add3A_148, %iota3A : vector<16xi32>
    %jit3A_150 = arith.constant -1 : i32
    %broadcast_in_dim3A_151 = vector.broadcast %jit3A_150 : i32 to vector<16xi32>
    %select_n3A_152 = arith.select %ge3A_146, %add3A_149, %broadcast_in_dim3A_151 : vector<16xi1>, vector<16xi32>
    %reduce_max3A_153 = arith.constant true
    %reduce_max3A_154 = vector.broadcast %reduce_max3A_153 : i1 to vector<16xi1>
    %reduce_max3A_155 = arith.constant -2147483648 : i32
    %reduce_max3A_156 = vector.broadcast %reduce_max3A_155 : i32 to vector<16xi32>
    %reduce_max3A_157 = arith.xori %select_n3A_152, %reduce_max3A_156 : vector<16xi32>
    %reduce_max3A_158 = tpu.scan <max>, %reduce_max3A_157 masked %reduce_max3A_154 : vector<16xi32>, vector<16xi1> -> vector<16xi32>
    %reduce_max3A_159 = arith.xori %reduce_max3A_158, %reduce_max3A_156 : vector<16xi32>
    %reduce_max3A_160 = vector.extract %reduce_max3A_159[15] : i32 from vector<16xi32>
    %max3A_161 = arith.maxsi %max3A_123, %reduce_max3A_160 : i32
    %reduce_sum3A_162 = arith.constant true
    %reduce_sum3A_163 = vector.broadcast %reduce_sum3A_162 : i1 to vector<16xi1>
    %reduce_sum3A_164 = tpu.scan <sum>, %scan3A_19#4 masked %reduce_sum3A_163 : vector<16xf32>, vector<16xi1> -> vector<16xf32>
    %reduce_sum3A_165 = vector.extract %reduce_sum3A_164[15] : f32 from vector<16xf32>
    %add3A_166 = arith.addf %add3A_128, %reduce_sum3A_165 : f32
    %rev3A_167 = arith.constant 15 : i32
    %rev3A_168 = vector.broadcast %rev3A_167 : i32 to vector<16xi32>
    %rev3A_169 = tpu.iota {dimensions = array<i32: 0>} : vector<16xi32>
    %rev3A_170 = arith.subi %rev3A_168, %rev3A_169 : vector<16xi32>
    %rev3A_171 = tpu.dynamic_gather %scan3A_19#3[%rev3A_170] in [0] : vector<16xf32>, vector<16xi32> -> vector<16xf32>
    %broadcast_in_dim3A_172 = arith.constant true
    %broadcast_in_dim3A_173 = vector.broadcast %broadcast_in_dim3A_172 : i1 to vector<16xi1>
    %masked_cumsum3A_174 = tpu.scan <sum>, %rev3A_171 masked %broadcast_in_dim3A_173 : vector<16xf32>, vector<16xi1> -> vector<16xf32>
    %rev3A_175 = arith.constant 15 : i32
    %rev3A_176 = vector.broadcast %rev3A_175 : i32 to vector<16xi32>
    %rev3A_177 = tpu.iota {dimensions = array<i32: 0>} : vector<16xi32>
    %rev3A_178 = arith.subi %rev3A_176, %rev3A_177 : vector<16xi32>
    %rev3A_179 = tpu.dynamic_gather %masked_cumsum3A_174[%rev3A_178] in [0] : vector<16xf32>, vector<16xi32> -> vector<16xf32>
    %add3A_180 = vector.broadcast %add3A_166 : f32 to vector<16xf32>
    %add3A_181 = arith.addf %rev3A_179, %add3A_180 : vector<16xf32>
    %ge3A_182 = arith.constant 1.920000e+02 : f32
    %ge3A_183 = vector.broadcast %ge3A_182 : f32 to vector<16xf32>
    %ge3A_184 = arith.cmpf oge, %add3A_181, %ge3A_183 : vector<16xf32>
    %add3A_185 = arith.constant 48 : i32
    %add3A_186 = vector.broadcast %add3A_185 : i32 to vector<16xi32>
    %add3A_187 = arith.addi %add3A_186, %iota3A : vector<16xi32>
    %jit3A_188 = arith.constant -1 : i32
    %broadcast_in_dim3A_189 = vector.broadcast %jit3A_188 : i32 to vector<16xi32>
    %select_n3A_190 = arith.select %ge3A_184, %add3A_187, %broadcast_in_dim3A_189 : vector<16xi1>, vector<16xi32>
    %reduce_max3A_191 = arith.constant true
    %reduce_max3A_192 = vector.broadcast %reduce_max3A_191 : i1 to vector<16xi1>
    %reduce_max3A_193 = arith.constant -2147483648 : i32
    %reduce_max3A_194 = vector.broadcast %reduce_max3A_193 : i32 to vector<16xi32>
    %reduce_max3A_195 = arith.xori %select_n3A_190, %reduce_max3A_194 : vector<16xi32>
    %reduce_max3A_196 = tpu.scan <max>, %reduce_max3A_195 masked %reduce_max3A_192 : vector<16xi32>, vector<16xi1> -> vector<16xi32>
    %reduce_max3A_197 = arith.xori %reduce_max3A_196, %reduce_max3A_194 : vector<16xi32>
    %reduce_max3A_198 = vector.extract %reduce_max3A_197[15] : i32 from vector<16xi32>
    %max3A_199 = arith.maxsi %max3A_161, %reduce_max3A_198 : i32
    %reduce_sum3A_200 = arith.constant true
    %reduce_sum3A_201 = vector.broadcast %reduce_sum3A_200 : i1 to vector<16xi1>
    %reduce_sum3A_202 = tpu.scan <sum>, %scan3A_19#3 masked %reduce_sum3A_201 : vector<16xf32>, vector<16xi1> -> vector<16xf32>
    %reduce_sum3A_203 = vector.extract %reduce_sum3A_202[15] : f32 from vector<16xf32>
    %add3A_204 = arith.addf %add3A_166, %reduce_sum3A_203 : f32
    %rev3A_205 = arith.constant 15 : i32
    %rev3A_206 = vector.broadcast %rev3A_205 : i32 to vector<16xi32>
    %rev3A_207 = tpu.iota {dimensions = array<i32: 0>} : vector<16xi32>
    %rev3A_208 = arith.subi %rev3A_206, %rev3A_207 : vector<16xi32>
    %rev3A_209 = tpu.dynamic_gather %scan3A_19#2[%rev3A_208] in [0] : vector<16xf32>, vector<16xi32> -> vector<16xf32>
    %broadcast_in_dim3A_210 = arith.constant true
    %broadcast_in_dim3A_211 = vector.broadcast %broadcast_in_dim3A_210 : i1 to vector<16xi1>
    %masked_cumsum3A_212 = tpu.scan <sum>, %rev3A_209 masked %broadcast_in_dim3A_211 : vector<16xf32>, vector<16xi1> -> vector<16xf32>
    %rev3A_213 = arith.constant 15 : i32
    %rev3A_214 = vector.broadcast %rev3A_213 : i32 to vector<16xi32>
    %rev3A_215 = tpu.iota {dimensions = array<i32: 0>} : vector<16xi32>
    %rev3A_216 = arith.subi %rev3A_214, %rev3A_215 : vector<16xi32>
    %rev3A_217 = tpu.dynamic_gather %masked_cumsum3A_212[%rev3A_216] in [0] : vector<16xf32>, vector<16xi32> -> vector<16xf32>
    %add3A_218 = vector.broadcast %add3A_204 : f32 to vector<16xf32>
    %add3A_219 = arith.addf %rev3A_217, %add3A_218 : vector<16xf32>
    %ge3A_220 = arith.constant 1.920000e+02 : f32
    %ge3A_221 = vector.broadcast %ge3A_220 : f32 to vector<16xf32>
    %ge3A_222 = arith.cmpf oge, %add3A_219, %ge3A_221 : vector<16xf32>
    %add3A_223 = arith.constant 32 : i32
    %add3A_224 = vector.broadcast %add3A_223 : i32 to vector<16xi32>
    %add3A_225 = arith.addi %add3A_224, %iota3A : vector<16xi32>
    %jit3A_226 = arith.constant -1 : i32
    %broadcast_in_dim3A_227 = vector.broadcast %jit3A_226 : i32 to vector<16xi32>
    %select_n3A_228 = arith.select %ge3A_222, %add3A_225, %broadcast_in_dim3A_227 : vector<16xi1>, vector<16xi32>
    %reduce_max3A_229 = arith.constant true
    %reduce_max3A_230 = vector.broadcast %reduce_max3A_229 : i1 to vector<16xi1>
    %reduce_max3A_231 = arith.constant -2147483648 : i32
    %reduce_max3A_232 = vector.broadcast %reduce_max3A_231 : i32 to vector<16xi32>
    %reduce_max3A_233 = arith.xori %select_n3A_228, %reduce_max3A_232 : vector<16xi32>
    %reduce_max3A_234 = tpu.scan <max>, %reduce_max3A_233 masked %reduce_max3A_230 : vector<16xi32>, vector<16xi1> -> vector<16xi32>
    %reduce_max3A_235 = arith.xori %reduce_max3A_234, %reduce_max3A_232 : vector<16xi32>
    %reduce_max3A_236 = vector.extract %reduce_max3A_235[15] : i32 from vector<16xi32>
    %max3A_237 = arith.maxsi %max3A_199, %reduce_max3A_236 : i32
    %reduce_sum3A_238 = arith.constant true
    %reduce_sum3A_239 = vector.broadcast %reduce_sum3A_238 : i1 to vector<16xi1>
    %reduce_sum3A_240 = tpu.scan <sum>, %scan3A_19#2 masked %reduce_sum3A_239 : vector<16xf32>, vector<16xi1> -> vector<16xf32>
    %reduce_sum3A_241 = vector.extract %reduce_sum3A_240[15] : f32 from vector<16xf32>
    %add3A_242 = arith.addf %add3A_204, %reduce_sum3A_241 : f32
    %rev3A_243 = arith.constant 15 : i32
    %rev3A_244 = vector.broadcast %rev3A_243 : i32 to vector<16xi32>
    %rev3A_245 = tpu.iota {dimensions = array<i32: 0>} : vector<16xi32>
    %rev3A_246 = arith.subi %rev3A_244, %rev3A_245 : vector<16xi32>
    %rev3A_247 = tpu.dynamic_gather %scan3A_19#1[%rev3A_246] in [0] : vector<16xf32>, vector<16xi32> -> vector<16xf32>
    %broadcast_in_dim3A_248 = arith.constant true
    %broadcast_in_dim3A_249 = vector.broadcast %broadcast_in_dim3A_248 : i1 to vector<16xi1>
    %masked_cumsum3A_250 = tpu.scan <sum>, %rev3A_247 masked %broadcast_in_dim3A_249 : vector<16xf32>, vector<16xi1> -> vector<16xf32>
    %rev3A_251 = arith.constant 15 : i32
    %rev3A_252 = vector.broadcast %rev3A_251 : i32 to vector<16xi32>
    %rev3A_253 = tpu.iota {dimensions = array<i32: 0>} : vector<16xi32>
    %rev3A_254 = arith.subi %rev3A_252, %rev3A_253 : vector<16xi32>
    %rev3A_255 = tpu.dynamic_gather %masked_cumsum3A_250[%rev3A_254] in [0] : vector<16xf32>, vector<16xi32> -> vector<16xf32>
    %add3A_256 = vector.broadcast %add3A_242 : f32 to vector<16xf32>
    %add3A_257 = arith.addf %rev3A_255, %add3A_256 : vector<16xf32>
    %ge3A_258 = arith.constant 1.920000e+02 : f32
    %ge3A_259 = vector.broadcast %ge3A_258 : f32 to vector<16xf32>
    %ge3A_260 = arith.cmpf oge, %add3A_257, %ge3A_259 : vector<16xf32>
    %add3A_261 = arith.constant 16 : i32
    %add3A_262 = vector.broadcast %add3A_261 : i32 to vector<16xi32>
    %add3A_263 = arith.addi %add3A_262, %iota3A : vector<16xi32>
    %jit3A_264 = arith.constant -1 : i32
    %broadcast_in_dim3A_265 = vector.broadcast %jit3A_264 : i32 to vector<16xi32>
    %select_n3A_266 = arith.select %ge3A_260, %add3A_263, %broadcast_in_dim3A_265 : vector<16xi1>, vector<16xi32>
    %reduce_max3A_267 = arith.constant true
    %reduce_max3A_268 = vector.broadcast %reduce_max3A_267 : i1 to vector<16xi1>
    %reduce_max3A_269 = arith.constant -2147483648 : i32
    %reduce_max3A_270 = vector.broadcast %reduce_max3A_269 : i32 to vector<16xi32>
    %reduce_max3A_271 = arith.xori %select_n3A_266, %reduce_max3A_270 : vector<16xi32>
    %reduce_max3A_272 = tpu.scan <max>, %reduce_max3A_271 masked %reduce_max3A_268 : vector<16xi32>, vector<16xi1> -> vector<16xi32>
    %reduce_max3A_273 = arith.xori %reduce_max3A_272, %reduce_max3A_270 : vector<16xi32>
    %reduce_max3A_274 = vector.extract %reduce_max3A_273[15] : i32 from vector<16xi32>
    %max3A_275 = arith.maxsi %max3A_237, %reduce_max3A_274 : i32
    %reduce_sum3A_276 = arith.constant true
    %reduce_sum3A_277 = vector.broadcast %reduce_sum3A_276 : i1 to vector<16xi1>
    %reduce_sum3A_278 = tpu.scan <sum>, %scan3A_19#1 masked %reduce_sum3A_277 : vector<16xf32>, vector<16xi1> -> vector<16xf32>
    %reduce_sum3A_279 = vector.extract %reduce_sum3A_278[15] : f32 from vector<16xf32>
    %add3A_280 = arith.addf %add3A_242, %reduce_sum3A_279 : f32
    %rev3A_281 = arith.constant 15 : i32
    %rev3A_282 = vector.broadcast %rev3A_281 : i32 to vector<16xi32>
    %rev3A_283 = tpu.iota {dimensions = array<i32: 0>} : vector<16xi32>
    %rev3A_284 = arith.subi %rev3A_282, %rev3A_283 : vector<16xi32>
    %rev3A_285 = tpu.dynamic_gather %scan3A_19#0[%rev3A_284] in [0] : vector<16xf32>, vector<16xi32> -> vector<16xf32>
    %broadcast_in_dim3A_286 = arith.constant true
    %broadcast_in_dim3A_287 = vector.broadcast %broadcast_in_dim3A_286 : i1 to vector<16xi1>
    %masked_cumsum3A_288 = tpu.scan <sum>, %rev3A_285 masked %broadcast_in_dim3A_287 : vector<16xf32>, vector<16xi1> -> vector<16xf32>
    %rev3A_289 = arith.constant 15 : i32
    %rev3A_290 = vector.broadcast %rev3A_289 : i32 to vector<16xi32>
    %rev3A_291 = tpu.iota {dimensions = array<i32: 0>} : vector<16xi32>
    %rev3A_292 = arith.subi %rev3A_290, %rev3A_291 : vector<16xi32>
    %rev3A_293 = tpu.dynamic_gather %masked_cumsum3A_288[%rev3A_292] in [0] : vector<16xf32>, vector<16xi32> -> vector<16xf32>
    %add3A_294 = vector.broadcast %add3A_280 : f32 to vector<16xf32>
    %add3A_295 = arith.addf %rev3A_293, %add3A_294 : vector<16xf32>
    %ge3A_296 = arith.constant 1.920000e+02 : f32
    %ge3A_297 = vector.broadcast %ge3A_296 : f32 to vector<16xf32>
    %ge3A_298 = arith.cmpf oge, %add3A_295, %ge3A_297 : vector<16xf32>
    %add3A_299 = arith.constant 0 : i32
    %add3A_300 = vector.broadcast %add3A_299 : i32 to vector<16xi32>
    %add3A_301 = arith.addi %add3A_300, %iota3A : vector<16xi32>
    %jit3A_302 = arith.constant -1 : i32
    %broadcast_in_dim3A_303 = vector.broadcast %jit3A_302 : i32 to vector<16xi32>
    %select_n3A_304 = arith.select %ge3A_298, %add3A_301, %broadcast_in_dim3A_303 : vector<16xi1>, vector<16xi32>
    %reduce_max3A_305 = arith.constant true
    %reduce_max3A_306 = vector.broadcast %reduce_max3A_305 : i1 to vector<16xi1>
    %reduce_max3A_307 = arith.constant -2147483648 : i32
    %reduce_max3A_308 = vector.broadcast %reduce_max3A_307 : i32 to vector<16xi32>
    %reduce_max3A_309 = arith.xori %select_n3A_304, %reduce_max3A_308 : vector<16xi32>
    %reduce_max3A_310 = tpu.scan <max>, %reduce_max3A_309 masked %reduce_max3A_306 : vector<16xi32>, vector<16xi1> -> vector<16xi32>
    %reduce_max3A_311 = arith.xori %reduce_max3A_310, %reduce_max3A_308 : vector<16xi32>
    %reduce_max3A_312 = vector.extract %reduce_max3A_311[15] : i32 from vector<16xi32>
    %max3A_313 = arith.maxsi %max3A_275, %reduce_max3A_312 : i32
    %reduce_sum3A_314 = arith.constant true
    %reduce_sum3A_315 = vector.broadcast %reduce_sum3A_314 : i1 to vector<16xi1>
    %reduce_sum3A_316 = tpu.scan <sum>, %scan3A_19#0 masked %reduce_sum3A_315 : vector<16xf32>, vector<16xi1> -> vector<16xf32>
    %reduce_sum3A_317 = vector.extract %reduce_sum3A_316[15] : f32 from vector<16xf32>
    %add3A_318 = arith.addf %add3A_280, %reduce_sum3A_317 : f32
    %convert_element_type3A_319 = arith.sitofp %max3A_313 : i32 to f32
    %mul3A_320 = arith.constant 7.812500e-03 : f32
    %mul3A_321 = arith.mulf %convert_element_type3A_319, %mul3A_320 : f32
    %broadcast_in_dim3A_322 = arith.constant 0xFF800000 : f32
    %broadcast_in_dim3A_323 = vector.broadcast %broadcast_in_dim3A_322 : f32 to vector<16xf32>
    %swap3A = arith.constant 0 : index
    %swap3A_324 = tpu.vector_load %arg29[%swap3A] {strides = array<i32>} : memref<1296xf32, #tpu.memory_space<vmem>>, vector<16xf32>,
    tpu.vector_store %arg29[%swap3A], %broadcast_in_dim3A_323 {strides = array<i32>} : memref<1296xf32, #tpu.memory_space<vmem>>, vector<16xf32>,
    %broadcast_in_dim3A_325 = arith.constant 0xFF800000 : f32
    %broadcast_in_dim3A_326 = vector.broadcast %broadcast_in_dim3A_325 : f32 to vector<16xf32>
    %swap3A_327 = arith.constant 16 : index
    %swap3A_328 = tpu.vector_load %arg29[%swap3A_327] {strides = array<i32>} : memref<1296xf32, #tpu.memory_space<vmem>>, vector<16xf32>,
    tpu.vector_store %arg29[%swap3A_327], %broadcast_in_dim3A_326 {strides = array<i32>} : memref<1296xf32, #tpu.memory_space<vmem>>, vector<16xf32>,
    %broadcast_in_dim3A_329 = arith.constant 0xFF800000 : f32
    %broadcast_in_dim3A_330 = vector.broadcast %broadcast_in_dim3A_329 : f32 to vector<16xf32>
    %swap3A_331 = arith.constant 32 : index
    %swap3A_332 = tpu.vector_load %arg29[%swap3A_331] {strides = array<i32>} : memref<1296xf32, #tpu.memory_space<vmem>>, vector<16xf32>,
    tpu.vector_store %arg29[%swap3A_331], %broadcast_in_dim3A_330 {strides = array<i32>} : memref<1296xf32, #tpu.memory_space<vmem>>, vector<16xf32>,
    %scan3A_333 = arith.constant 0 : i32
    %scan3A_334 = arith.constant 0 : i32
    %scan3A_335 = arith.constant 80 : i32
    %scan3A_336 = arith.addi %scan3A_334, %scan3A_335 : i32
    %scan3A_337 = arith.constant 1 : i32
    %scan3A_338 = scf.for %scan3A_381 = %scan3A_334 to %scan3A_336 step %scan3A_337 iter_args(%scan3A_382 = %scan3A_333) -> (i32)  : i32 {
      %mul3A_383 = arith.constant 16 : i32
      %mul3A_384 = arith.muli %scan3A_381, %mul3A_383 : i32
      %get3A_385 = arith.index_cast %mul3A_384 : i32 to index
      %get3A_386 = tpu.vector_load %arg28[%get3A_385] {strides = array<i32>} : memref<1280xf32, #tpu.memory_space<vmem>>, vector<16xf32>,
      %gt3A_387 = vector.broadcast %mul3A_321 : f32 to vector<16xf32>
      %gt3A_388 = arith.cmpf ogt, %get3A_386, %gt3A_387 : vector<16xf32>
      %swap3A_389 = arith.index_cast %scan3A_382 : i32 to index
      %swap3A_390 = tpu.vector_load %arg29[%swap3A_389] masked %gt3A_388 {strides = array<i32>} : memref<1296xf32, #tpu.memory_space<vmem>>, vector<16xf32>, vector<16xi1>
      tpu.vector_store %arg29[%swap3A_389], %get3A_386 masked %gt3A_388 {strides = array<i32>} : memref<1296xf32, #tpu.memory_space<vmem>>, vector<16xf32>, vector<16xi1>
      %get3A_391 = arith.index_cast %mul3A_384 : i32 to index
      %get3A_392 = tpu.vector_load %arg34[%get3A_391] {strides = array<i32>} : memref<1280xf32, #tpu.memory_space<vmem>>, vector<16xf32>,
      %swap3A_393 = arith.index_cast %scan3A_382 : i32 to index
      %swap3A_394 = tpu.vector_load %arg30[%swap3A_393] masked %gt3A_388 {strides = array<i32>} : memref<1296xf32, #tpu.memory_space<vmem>>, vector<16xf32>, vector<16xi1>
      tpu.vector_store %arg30[%swap3A_393], %get3A_392 masked %gt3A_388 {strides = array<i32>} : memref<1296xf32, #tpu.memory_space<vmem>>, vector<16xf32>, vector<16xi1>
      %get3A_395 = arith.index_cast %mul3A_384 : i32 to index
      %get3A_396 = tpu.vector_load %arg36[%get3A_395] {strides = array<i32>} : memref<1280xf32, #tpu.memory_space<vmem>>, vector<16xf32>,
      %swap3A_397 = arith.index_cast %scan3A_382 : i32 to index
      %swap3A_398 = tpu.vector_load %arg32[%swap3A_397] masked %gt3A_388 {strides = array<i32>} : memref<1296xf32, #tpu.memory_space<vmem>>, vector<16xf32>, vector<16xi1>
      tpu.vector_store %arg32[%swap3A_397], %get3A_396 masked %gt3A_388 {strides = array<i32>} : memref<1296xf32, #tpu.memory_space<vmem>>, vector<16xf32>, vector<16xi1>
      %get3A_399 = arith.index_cast %mul3A_384 : i32 to index
      %get3A_400 = tpu.vector_load %arg35[%get3A_399] {strides = array<i32>} : memref<1280xf32, #tpu.memory_space<vmem>>, vector<16xf32>,
      %swap3A_401 = arith.index_cast %scan3A_382 : i32 to index
      %swap3A_402 = tpu.vector_load %arg31[%swap3A_401] masked %gt3A_388 {strides = array<i32>} : memref<1296xf32, #tpu.memory_space<vmem>>, vector<16xf32>, vector<16xi1>
      tpu.vector_store %arg31[%swap3A_401], %get3A_400 masked %gt3A_388 {strides = array<i32>} : memref<1296xf32, #tpu.memory_space<vmem>>, vector<16xf32>, vector<16xi1>
      %get3A_403 = arith.index_cast %mul3A_384 : i32 to index
      %get3A_404 = tpu.vector_load %arg37[%get3A_403] {strides = array<i32>} : memref<1280xf32, #tpu.memory_space<vmem>>, vector<16xf32>,
      %swap3A_405 = arith.index_cast %scan3A_382 : i32 to index
      %swap3A_406 = tpu.vector_load %arg33[%swap3A_405] masked %gt3A_388 {strides = array<i32>} : memref<1296xf32, #tpu.memory_space<vmem>>, vector<16xf32>, vector<16xi1>
      tpu.vector_store %arg33[%swap3A_405], %get3A_404 masked %gt3A_388 {strides = array<i32>} : memref<1296xf32, #tpu.memory_space<vmem>>, vector<16xf32>, vector<16xi1>
      %all_reduce_population_count3A = tpu.all_reduce %gt3A_388 {dim = 0 : i64, kind = #tpu.reduction_kind<sum>} : vector<16xi1> -> vector<16xi32>
      %reduce_max3A_407 = arith.constant true
      %reduce_max3A_408 = vector.broadcast %reduce_max3A_407 : i1 to vector<16xi1>
      %reduce_max3A_409 = arith.constant -2147483648 : i32
      %reduce_max3A_410 = vector.broadcast %reduce_max3A_409 : i32 to vector<16xi32>
      %reduce_max3A_411 = arith.xori %all_reduce_population_count3A, %reduce_max3A_410 : vector<16xi32>
      %reduce_max3A_412 = tpu.scan <max>, %reduce_max3A_411 masked %reduce_max3A_408 : vector<16xi32>, vector<16xi1> -> vector<16xi32>
      %reduce_max3A_413 = arith.xori %reduce_max3A_412, %reduce_max3A_410 : vector<16xi32>
      %reduce_max3A_414 = vector.extract %reduce_max3A_413[15] : i32 from vector<16xi32>
      %add3A_415 = arith.addi %scan3A_382, %reduce_max3A_414 : i32
      scf.yield %add3A_415 : i32
    }
    %scan3A_339 = arith.constant 80 : i32
    %mul3A_340 = arith.constant 32 : i32
    %mul3A_341 = arith.muli %arg1, %mul3A_340 : i32
    "tpu.region"() ({
      %run_scoped3A = tpu.sem_alloc : memref<!tpu.dma_semaphore, #tpu.memory_space<semaphore_mem>>
      %dma_start3A = arith.constant 0 : i32
      %dma_start3A_381 = tpu.memref_slice %arg30[%dma_start3A] : memref<1296xf32, #tpu.memory_space<vmem>> -> memref<32xf32, #tpu.memory_space<vmem>>
      %dma_start3A_382 = tpu.memref_slice %arg11[%mul3A_341] : memref<20480xf32, #tpu.memory_space<vmem_shared>> -> memref<32xf32, #tpu.memory_space<vmem_shared>>
      %dma_start3A_383 = tpu.memref_slice %arg11[%mul3A_341] : memref<20480xf32, #tpu.memory_space<vmem_shared>> -> memref<32xf32, #tpu.memory_space<vmem_shared>>
      %dma_start3A_384 = arith.constant 0 : i32
      %dma_start3A_385 = tpu.memref_slice %arg30[%dma_start3A_384] : memref<1296xf32, #tpu.memory_space<vmem>> -> memref<32xf32, #tpu.memory_space<vmem>>
      tpu.enqueue_dma source(%dma_start3A_385 : memref<32xf32, #tpu.memory_space<vmem>>) target(%dma_start3A_383 : memref<32xf32, #tpu.memory_space<vmem_shared>>) target_semaphore(%run_scoped3A : memref<!tpu.dma_semaphore, #tpu.memory_space<semaphore_mem>>)
      %dma_wait3A = arith.constant 0 : i32
      %dma_wait3A_386 = tpu.memref_slice %arg30[%dma_wait3A] : memref<1296xf32, #tpu.memory_space<vmem>> -> memref<32xf32, #tpu.memory_space<vmem>>
      %dma_wait3A_387 = tpu.memref_slice %arg11[%mul3A_341] : memref<20480xf32, #tpu.memory_space<vmem_shared>> -> memref<32xf32, #tpu.memory_space<vmem_shared>>
      %dma_wait3A_388 = tpu.memref_slice %arg11[%mul3A_341] : memref<20480xf32, #tpu.memory_space<vmem_shared>> -> memref<32xf32, #tpu.memory_space<vmem_shared>>
      %dma_wait3A_389 = arith.constant 0 : i32
      %dma_wait3A_390 = tpu.memref_slice %arg30[%dma_wait3A_389] : memref<1296xf32, #tpu.memory_space<vmem>> -> memref<32xf32, #tpu.memory_space<vmem>>
      tpu.wait_dma2 semaphore(%run_scoped3A : memref<!tpu.dma_semaphore, #tpu.memory_space<semaphore_mem>>) src(%dma_wait3A_390 : memref<32xf32, #tpu.memory_space<vmem>>) dst(%dma_wait3A_388 : memref<32xf32, #tpu.memory_space<vmem_shared>>)
      tpu.yield
    }) : () -> ()
    %mul3A_342 = arith.constant 32 : i32
    %mul3A_343 = arith.muli %arg1, %mul3A_342 : i32
    "tpu.region"() ({
      %run_scoped3A = tpu.sem_alloc : memref<!tpu.dma_semaphore, #tpu.memory_space<semaphore_mem>>
      %dma_start3A = arith.constant 0 : i32
      %dma_start3A_381 = tpu.memref_slice %arg32[%dma_start3A] : memref<1296xf32, #tpu.memory_space<vmem>> -> memref<32xf32, #tpu.memory_space<vmem>>
      %dma_start3A_382 = tpu.memref_slice %arg15[%mul3A_343] : memref<20480xf32, #tpu.memory_space<vmem_shared>> -> memref<32xf32, #tpu.memory_space<vmem_shared>>
      %dma_start3A_383 = tpu.memref_slice %arg15[%mul3A_343] : memref<20480xf32, #tpu.memory_space<vmem_shared>> -> memref<32xf32, #tpu.memory_space<vmem_shared>>
      %dma_start3A_384 = arith.constant 0 : i32
      %dma_start3A_385 = tpu.memref_slice %arg32[%dma_start3A_384] : memref<1296xf32, #tpu.memory_space<vmem>> -> memref<32xf32, #tpu.memory_space<vmem>>
      tpu.enqueue_dma source(%dma_start3A_385 : memref<32xf32, #tpu.memory_space<vmem>>) target(%dma_start3A_383 : memref<32xf32, #tpu.memory_space<vmem_shared>>) target_semaphore(%run_scoped3A : memref<!tpu.dma_semaphore, #tpu.memory_space<semaphore_mem>>)
      %dma_wait3A = arith.constant 0 : i32
      %dma_wait3A_386 = tpu.memref_slice %arg32[%dma_wait3A] : memref<1296xf32, #tpu.memory_space<vmem>> -> memref<32xf32, #tpu.memory_space<vmem>>
      %dma_wait3A_387 = tpu.memref_slice %arg15[%mul3A_343] : memref<20480xf32, #tpu.memory_space<vmem_shared>> -> memref<32xf32, #tpu.memory_space<vmem_shared>>
      %dma_wait3A_388 = tpu.memref_slice %arg15[%mul3A_343] : memref<20480xf32, #tpu.memory_space<vmem_shared>> -> memref<32xf32, #tpu.memory_space<vmem_shared>>
      %dma_wait3A_389 = arith.constant 0 : i32
      %dma_wait3A_390 = tpu.memref_slice %arg32[%dma_wait3A_389] : memref<1296xf32, #tpu.memory_space<vmem>> -> memref<32xf32, #tpu.memory_space<vmem>>
      tpu.wait_dma2 semaphore(%run_scoped3A : memref<!tpu.dma_semaphore, #tpu.memory_space<semaphore_mem>>) src(%dma_wait3A_390 : memref<32xf32, #tpu.memory_space<vmem>>) dst(%dma_wait3A_388 : memref<32xf32, #tpu.memory_space<vmem_shared>>)
      tpu.yield
    }) : () -> ()
    %mul3A_344 = arith.constant 32 : i32
    %mul3A_345 = arith.muli %arg1, %mul3A_344 : i32
    "tpu.region"() ({
      %run_scoped3A = tpu.sem_alloc : memref<!tpu.dma_semaphore, #tpu.memory_space<semaphore_mem>>
      %dma_start3A = arith.constant 0 : i32
      %dma_start3A_381 = tpu.memref_slice %arg31[%dma_start3A] : memref<1296xf32, #tpu.memory_space<vmem>> -> memref<32xf32, #tpu.memory_space<vmem>>
      %dma_start3A_382 = tpu.memref_slice %arg13[%mul3A_345] : memref<20480xf32, #tpu.memory_space<vmem_shared>> -> memref<32xf32, #tpu.memory_space<vmem_shared>>
      %dma_start3A_383 = tpu.memref_slice %arg13[%mul3A_345] : memref<20480xf32, #tpu.memory_space<vmem_shared>> -> memref<32xf32, #tpu.memory_space<vmem_shared>>
      %dma_start3A_384 = arith.constant 0 : i32
      %dma_start3A_385 = tpu.memref_slice %arg31[%dma_start3A_384] : memref<1296xf32, #tpu.memory_space<vmem>> -> memref<32xf32, #tpu.memory_space<vmem>>
      tpu.enqueue_dma source(%dma_start3A_385 : memref<32xf32, #tpu.memory_space<vmem>>) target(%dma_start3A_383 : memref<32xf32, #tpu.memory_space<vmem_shared>>) target_semaphore(%run_scoped3A : memref<!tpu.dma_semaphore, #tpu.memory_space<semaphore_mem>>)
      %dma_wait3A = arith.constant 0 : i32
      %dma_wait3A_386 = tpu.memref_slice %arg31[%dma_wait3A] : memref<1296xf32, #tpu.memory_space<vmem>> -> memref<32xf32, #tpu.memory_space<vmem>>
      %dma_wait3A_387 = tpu.memref_slice %arg13[%mul3A_345] : memref<20480xf32, #tpu.memory_space<vmem_shared>> -> memref<32xf32, #tpu.memory_space<vmem_shared>>
      %dma_wait3A_388 = tpu.memref_slice %arg13[%mul3A_345] : memref<20480xf32, #tpu.memory_space<vmem_shared>> -> memref<32xf32, #tpu.memory_space<vmem_shared>>
      %dma_wait3A_389 = arith.constant 0 : i32
      %dma_wait3A_390 = tpu.memref_slice %arg31[%dma_wait3A_389] : memref<1296xf32, #tpu.memory_space<vmem>> -> memref<32xf32, #tpu.memory_space<vmem>>
      tpu.wait_dma2 semaphore(%run_scoped3A : memref<!tpu.dma_semaphore, #tpu.memory_space<semaphore_mem>>) src(%dma_wait3A_390 : memref<32xf32, #tpu.memory_space<vmem>>) dst(%dma_wait3A_388 : memref<32xf32, #tpu.memory_space<vmem_shared>>)
      tpu.yield
    }) : () -> ()
    %mul3A_346 = arith.constant 32 : i32
    %mul3A_347 = arith.muli %arg1, %mul3A_346 : i32
    "tpu.region"() ({
      %run_scoped3A = tpu.sem_alloc : memref<!tpu.dma_semaphore, #tpu.memory_space<semaphore_mem>>
      %dma_start3A = arith.constant 0 : i32
      %dma_start3A_381 = tpu.memref_slice %arg33[%dma_start3A] : memref<1296xf32, #tpu.memory_space<vmem>> -> memref<32xf32, #tpu.memory_space<vmem>>
      %dma_start3A_382 = tpu.memref_slice %arg17[%mul3A_347] : memref<20480xf32, #tpu.memory_space<vmem_shared>> -> memref<32xf32, #tpu.memory_space<vmem_shared>>
      %dma_start3A_383 = tpu.memref_slice %arg17[%mul3A_347] : memref<20480xf32, #tpu.memory_space<vmem_shared>> -> memref<32xf32, #tpu.memory_space<vmem_shared>>
      %dma_start3A_384 = arith.constant 0 : i32
      %dma_start3A_385 = tpu.memref_slice %arg33[%dma_start3A_384] : memref<1296xf32, #tpu.memory_space<vmem>> -> memref<32xf32, #tpu.memory_space<vmem>>
      tpu.enqueue_dma source(%dma_start3A_385 : memref<32xf32, #tpu.memory_space<vmem>>) target(%dma_start3A_383 : memref<32xf32, #tpu.memory_space<vmem_shared>>) target_semaphore(%run_scoped3A : memref<!tpu.dma_semaphore, #tpu.memory_space<semaphore_mem>>)
      %dma_wait3A = arith.constant 0 : i32
      %dma_wait3A_386 = tpu.memref_slice %arg33[%dma_wait3A] : memref<1296xf32, #tpu.memory_space<vmem>> -> memref<32xf32, #tpu.memory_space<vmem>>
      %dma_wait3A_387 = tpu.memref_slice %arg17[%mul3A_347] : memref<20480xf32, #tpu.memory_space<vmem_shared>> -> memref<32xf32, #tpu.memory_space<vmem_shared>>
      %dma_wait3A_388 = tpu.memref_slice %arg17[%mul3A_347] : memref<20480xf32, #tpu.memory_space<vmem_shared>> -> memref<32xf32, #tpu.memory_space<vmem_shared>>
      %dma_wait3A_389 = arith.constant 0 : i32
      %dma_wait3A_390 = tpu.memref_slice %arg33[%dma_wait3A_389] : memref<1296xf32, #tpu.memory_space<vmem>> -> memref<32xf32, #tpu.memory_space<vmem>>
      tpu.wait_dma2 semaphore(%run_scoped3A : memref<!tpu.dma_semaphore, #tpu.memory_space<semaphore_mem>>) src(%dma_wait3A_390 : memref<32xf32, #tpu.memory_space<vmem>>) dst(%dma_wait3A_388 : memref<32xf32, #tpu.memory_space<vmem_shared>>)
      tpu.yield
    }) : () -> ()
    %mul3A_348 = arith.constant 32 : i32
    %mul3A_349 = arith.muli %arg1, %mul3A_348 : i32
    "tpu.region"() ({
      %run_scoped3A = tpu.sem_alloc : memref<!tpu.dma_semaphore, #tpu.memory_space<semaphore_mem>>
      %dma_start3A = arith.constant 0 : i32
      %dma_start3A_381 = tpu.memref_slice %arg29[%dma_start3A] : memref<1296xf32, #tpu.memory_space<vmem>> -> memref<32xf32, #tpu.memory_space<vmem>>
      %dma_start3A_382 = tpu.memref_slice %arg9[%mul3A_349] : memref<20480xf32, #tpu.memory_space<vmem_shared>> -> memref<32xf32, #tpu.memory_space<vmem_shared>>
      %dma_start3A_383 = tpu.memref_slice %arg9[%mul3A_349] : memref<20480xf32, #tpu.memory_space<vmem_shared>> -> memref<32xf32, #tpu.memory_space<vmem_shared>>
      %dma_start3A_384 = arith.constant 0 : i32
      %dma_start3A_385 = tpu.memref_slice %arg29[%dma_start3A_384] : memref<1296xf32, #tpu.memory_space<vmem>> -> memref<32xf32, #tpu.memory_space<vmem>>
      tpu.enqueue_dma source(%dma_start3A_385 : memref<32xf32, #tpu.memory_space<vmem>>) target(%dma_start3A_383 : memref<32xf32, #tpu.memory_space<vmem_shared>>) target_semaphore(%run_scoped3A : memref<!tpu.dma_semaphore, #tpu.memory_space<semaphore_mem>>)
      %dma_wait3A = arith.constant 0 : i32
      %dma_wait3A_386 = tpu.memref_slice %arg29[%dma_wait3A] : memref<1296xf32, #tpu.memory_space<vmem>> -> memref<32xf32, #tpu.memory_space<vmem>>
      %dma_wait3A_387 = tpu.memref_slice %arg9[%mul3A_349] : memref<20480xf32, #tpu.memory_space<vmem_shared>> -> memref<32xf32, #tpu.memory_space<vmem_shared>>
      %dma_wait3A_388 = tpu.memref_slice %arg9[%mul3A_349] : memref<20480xf32, #tpu.memory_space<vmem_shared>> -> memref<32xf32, #tpu.memory_space<vmem_shared>>
      %dma_wait3A_389 = arith.constant 0 : i32
      %dma_wait3A_390 = tpu.memref_slice %arg29[%dma_wait3A_389] : memref<1296xf32, #tpu.memory_space<vmem>> -> memref<32xf32, #tpu.memory_space<vmem>>
      tpu.wait_dma2 semaphore(%run_scoped3A : memref<!tpu.dma_semaphore, #tpu.memory_space<semaphore_mem>>) src(%dma_wait3A_390 : memref<32xf32, #tpu.memory_space<vmem>>) dst(%dma_wait3A_388 : memref<32xf32, #tpu.memory_space<vmem_shared>>)
      tpu.yield
    }) : () -> ()
    %eq3A = arith.constant 0 : i32
    %eq3A_350 = vector.broadcast %eq3A : i32 to vector<16xi32>
    %eq3A_351 = arith.cmpi eq, %iota3A, %eq3A_350 : vector<16xi32>
    %convert_element_type3A_352 = arith.sitofp %scan3A_338 : i32 to f32
    %jit3A_353 = arith.constant 0.000000e+00 : f32
    %broadcast_in_dim3A_354 = vector.broadcast %convert_element_type3A_352 : f32 to vector<16xf32>
    %broadcast_in_dim3A_355 = vector.broadcast %jit3A_353 : f32 to vector<16xf32>
    %select_n3A_356 = arith.select %eq3A_351, %broadcast_in_dim3A_354, %broadcast_in_dim3A_355 : vector<16xi1>, vector<16xf32>
    %swap3A_357 = arith.constant 0 : index
    %swap3A_358 = tpu.vector_load %arg26[%swap3A_357] {strides = array<i32>} : memref<16xf32, #tpu.memory_space<vmem>>, vector<16xf32>,
    tpu.vector_store %arg26[%swap3A_357], %select_n3A_356 {strides = array<i32>} : memref<16xf32, #tpu.memory_space<vmem>>, vector<16xf32>,
    %mul3A_359 = arith.constant 16 : i32
    %mul3A_360 = arith.muli %arg1, %mul3A_359 : i32
    "tpu.region"() ({
      %run_scoped3A = tpu.sem_alloc : memref<!tpu.dma_semaphore, #tpu.memory_space<semaphore_mem>>
      %dma_start3A = tpu.memref_slice %arg25[%mul3A_360] : memref<256xf32, #tpu.memory_space<vmem_shared>> -> memref<16xf32, #tpu.memory_space<vmem_shared>>
      %dma_start3A_381 = tpu.memref_slice %arg25[%mul3A_360] : memref<256xf32, #tpu.memory_space<vmem_shared>> -> memref<16xf32, #tpu.memory_space<vmem_shared>>
      tpu.enqueue_dma source(%arg26 : memref<16xf32, #tpu.memory_space<vmem>>) target(%dma_start3A_381 : memref<16xf32, #tpu.memory_space<vmem_shared>>) target_semaphore(%run_scoped3A : memref<!tpu.dma_semaphore, #tpu.memory_space<semaphore_mem>>)
      %dma_wait3A = tpu.memref_slice %arg25[%mul3A_360] : memref<256xf32, #tpu.memory_space<vmem_shared>> -> memref<16xf32, #tpu.memory_space<vmem_shared>>
      %dma_wait3A_382 = tpu.memref_slice %arg25[%mul3A_360] : memref<256xf32, #tpu.memory_space<vmem_shared>> -> memref<16xf32, #tpu.memory_space<vmem_shared>>
      tpu.wait_dma2 semaphore(%run_scoped3A : memref<!tpu.dma_semaphore, #tpu.memory_space<semaphore_mem>>) src(%arg26 : memref<16xf32, #tpu.memory_space<vmem>>) dst(%dma_wait3A_382 : memref<16xf32, #tpu.memory_space<vmem_shared>>)
      tpu.yield
    }) : () -> ()
    %barrier3A_361 = arith.constant 0 : index
    tpu.barrier barrier_id(%barrier3A_361)
    %eq3A_362 = arith.constant 0 : i32
    %eq3A_363 = arith.cmpi eq, %arg1, %eq3A_362 : i32
    %convert_element_type3A_364 = arith.extui %eq3A_363 : i1 to i32
    %cond3A = arith.constant 0 : i32
    %cond3A_365 = arith.cmpi ne, %convert_element_type3A_364, %cond3A : i32
    scf.if %cond3A_365 {
      "tpu.region"() ({
        %run_scoped3A = tpu.sem_alloc : memref<!tpu.dma_semaphore, #tpu.memory_space<semaphore_mem>>
        %dma_start3A = arith.constant 0 : i32
        %dma_start3A_490 = tpu.memref_slice %arg12[%dma_start3A] : memref<20480xf32, #tpu.memory_space<vmem>> -> memref<512xf32, #tpu.memory_space<vmem>>
        %dma_start3A_491 = arith.constant 0 : i32
        %dma_start3A_492 = tpu.memref_slice %arg11[%dma_start3A_491] : memref<20480xf32, #tpu.memory_space<vmem_shared>> -> memref<512xf32, #tpu.memory_space<vmem_shared>>
        %dma_start3A_493 = arith.constant 0 : i32
        %dma_start3A_494 = tpu.memref_slice %arg12[%dma_start3A_493] : memref<20480xf32, #tpu.memory_space<vmem>> -> memref<512xf32, #tpu.memory_space<vmem>>
        %dma_start3A_495 = arith.constant 0 : i32
        %dma_start3A_496 = tpu.memref_slice %arg11[%dma_start3A_495] : memref<20480xf32, #tpu.memory_space<vmem_shared>> -> memref<512xf32, #tpu.memory_space<vmem_shared>>
        tpu.enqueue_dma source(%dma_start3A_496 : memref<512xf32, #tpu.memory_space<vmem_shared>>) target(%dma_start3A_494 : memref<512xf32, #tpu.memory_space<vmem>>) target_semaphore(%run_scoped3A : memref<!tpu.dma_semaphore, #tpu.memory_space<semaphore_mem>>)
        %dma_wait3A = arith.constant 0 : i32
        %dma_wait3A_497 = tpu.memref_slice %arg12[%dma_wait3A] : memref<20480xf32, #tpu.memory_space<vmem>> -> memref<512xf32, #tpu.memory_space<vmem>>
        %dma_wait3A_498 = arith.constant 0 : i32
        %dma_wait3A_499 = tpu.memref_slice %arg11[%dma_wait3A_498] : memref<20480xf32, #tpu.memory_space<vmem_shared>> -> memref<512xf32, #tpu.memory_space<vmem_shared>>
        %dma_wait3A_500 = arith.constant 0 : i32
        %dma_wait3A_501 = tpu.memref_slice %arg12[%dma_wait3A_500] : memref<20480xf32, #tpu.memory_space<vmem>> -> memref<512xf32, #tpu.memory_space<vmem>>
        %dma_wait3A_502 = arith.constant 0 : i32
        %dma_wait3A_503 = tpu.memref_slice %arg11[%dma_wait3A_502] : memref<20480xf32, #tpu.memory_space<vmem_shared>> -> memref<512xf32, #tpu.memory_space<vmem_shared>>
        tpu.wait_dma2 semaphore(%run_scoped3A : memref<!tpu.dma_semaphore, #tpu.memory_space<semaphore_mem>>) src(%dma_wait3A_503 : memref<512xf32, #tpu.memory_space<vmem_shared>>) dst(%dma_wait3A_501 : memref<512xf32, #tpu.memory_space<vmem>>)
        tpu.yield
      }) : () -> ()
      "tpu.region"() ({
        %run_scoped3A = tpu.sem_alloc : memref<!tpu.dma_semaphore, #tpu.memory_space<semaphore_mem>>
        %dma_start3A = arith.constant 0 : i32
        %dma_start3A_490 = tpu.memref_slice %arg16[%dma_start3A] : memref<20480xf32, #tpu.memory_space<vmem>> -> memref<512xf32, #tpu.memory_space<vmem>>
        %dma_start3A_491 = arith.constant 0 : i32
        %dma_start3A_492 = tpu.memref_slice %arg15[%dma_start3A_491] : memref<20480xf32, #tpu.memory_space<vmem_shared>> -> memref<512xf32, #tpu.memory_space<vmem_shared>>
        %dma_start3A_493 = arith.constant 0 : i32
        %dma_start3A_494 = tpu.memref_slice %arg16[%dma_start3A_493] : memref<20480xf32, #tpu.memory_space<vmem>> -> memref<512xf32, #tpu.memory_space<vmem>>
        %dma_start3A_495 = arith.constant 0 : i32
        %dma_start3A_496 = tpu.memref_slice %arg15[%dma_start3A_495] : memref<20480xf32, #tpu.memory_space<vmem_shared>> -> memref<512xf32, #tpu.memory_space<vmem_shared>>
        tpu.enqueue_dma source(%dma_start3A_496 : memref<512xf32, #tpu.memory_space<vmem_shared>>) target(%dma_start3A_494 : memref<512xf32, #tpu.memory_space<vmem>>) target_semaphore(%run_scoped3A : memref<!tpu.dma_semaphore, #tpu.memory_space<semaphore_mem>>)
        %dma_wait3A = arith.constant 0 : i32
        %dma_wait3A_497 = tpu.memref_slice %arg16[%dma_wait3A] : memref<20480xf32, #tpu.memory_space<vmem>> -> memref<512xf32, #tpu.memory_space<vmem>>
        %dma_wait3A_498 = arith.constant 0 : i32
        %dma_wait3A_499 = tpu.memref_slice %arg15[%dma_wait3A_498] : memref<20480xf32, #tpu.memory_space<vmem_shared>> -> memref<512xf32, #tpu.memory_space<vmem_shared>>
        %dma_wait3A_500 = arith.constant 0 : i32
        %dma_wait3A_501 = tpu.memref_slice %arg16[%dma_wait3A_500] : memref<20480xf32, #tpu.memory_space<vmem>> -> memref<512xf32, #tpu.memory_space<vmem>>
        %dma_wait3A_502 = arith.constant 0 : i32
        %dma_wait3A_503 = tpu.memref_slice %arg15[%dma_wait3A_502] : memref<20480xf32, #tpu.memory_space<vmem_shared>> -> memref<512xf32, #tpu.memory_space<vmem_shared>>
        tpu.wait_dma2 semaphore(%run_scoped3A : memref<!tpu.dma_semaphore, #tpu.memory_space<semaphore_mem>>) src(%dma_wait3A_503 : memref<512xf32, #tpu.memory_space<vmem_shared>>) dst(%dma_wait3A_501 : memref<512xf32, #tpu.memory_space<vmem>>)
        tpu.yield
      }) : () -> ()
      "tpu.region"() ({
        %run_scoped3A = tpu.sem_alloc : memref<!tpu.dma_semaphore, #tpu.memory_space<semaphore_mem>>
        %dma_start3A = arith.constant 0 : i32
        %dma_start3A_490 = tpu.memref_slice %arg14[%dma_start3A] : memref<20480xf32, #tpu.memory_space<vmem>> -> memref<512xf32, #tpu.memory_space<vmem>>
        %dma_start3A_491 = arith.constant 0 : i32
        %dma_start3A_492 = tpu.memref_slice %arg13[%dma_start3A_491] : memref<20480xf32, #tpu.memory_space<vmem_shared>> -> memref<512xf32, #tpu.memory_space<vmem_shared>>
        %dma_start3A_493 = arith.constant 0 : i32
        %dma_start3A_494 = tpu.memref_slice %arg14[%dma_start3A_493] : memref<20480xf32, #tpu.memory_space<vmem>> -> memref<512xf32, #tpu.memory_space<vmem>>
        %dma_start3A_495 = arith.constant 0 : i32
        %dma_start3A_496 = tpu.memref_slice %arg13[%dma_start3A_495] : memref<20480xf32, #tpu.memory_space<vmem_shared>> -> memref<512xf32, #tpu.memory_space<vmem_shared>>
        tpu.enqueue_dma source(%dma_start3A_496 : memref<512xf32, #tpu.memory_space<vmem_shared>>) target(%dma_start3A_494 : memref<512xf32, #tpu.memory_space<vmem>>) target_semaphore(%run_scoped3A : memref<!tpu.dma_semaphore, #tpu.memory_space<semaphore_mem>>)
        %dma_wait3A = arith.constant 0 : i32
        %dma_wait3A_497 = tpu.memref_slice %arg14[%dma_wait3A] : memref<20480xf32, #tpu.memory_space<vmem>> -> memref<512xf32, #tpu.memory_space<vmem>>
        %dma_wait3A_498 = arith.constant 0 : i32
        %dma_wait3A_499 = tpu.memref_slice %arg13[%dma_wait3A_498] : memref<20480xf32, #tpu.memory_space<vmem_shared>> -> memref<512xf32, #tpu.memory_space<vmem_shared>>
        %dma_wait3A_500 = arith.constant 0 : i32
        %dma_wait3A_501 = tpu.memref_slice %arg14[%dma_wait3A_500] : memref<20480xf32, #tpu.memory_space<vmem>> -> memref<512xf32, #tpu.memory_space<vmem>>
        %dma_wait3A_502 = arith.constant 0 : i32
        %dma_wait3A_503 = tpu.memref_slice %arg13[%dma_wait3A_502] : memref<20480xf32, #tpu.memory_space<vmem_shared>> -> memref<512xf32, #tpu.memory_space<vmem_shared>>
        tpu.wait_dma2 semaphore(%run_scoped3A : memref<!tpu.dma_semaphore, #tpu.memory_space<semaphore_mem>>) src(%dma_wait3A_503 : memref<512xf32, #tpu.memory_space<vmem_shared>>) dst(%dma_wait3A_501 : memref<512xf32, #tpu.memory_space<vmem>>)
        tpu.yield
      }) : () -> ()
      "tpu.region"() ({
        %run_scoped3A = tpu.sem_alloc : memref<!tpu.dma_semaphore, #tpu.memory_space<semaphore_mem>>
        %dma_start3A = arith.constant 0 : i32
        %dma_start3A_490 = tpu.memref_slice %arg18[%dma_start3A] : memref<20480xf32, #tpu.memory_space<vmem>> -> memref<512xf32, #tpu.memory_space<vmem>>
        %dma_start3A_491 = arith.constant 0 : i32
        %dma_start3A_492 = tpu.memref_slice %arg17[%dma_start3A_491] : memref<20480xf32, #tpu.memory_space<vmem_shared>> -> memref<512xf32, #tpu.memory_space<vmem_shared>>
        %dma_start3A_493 = arith.constant 0 : i32
        %dma_start3A_494 = tpu.memref_slice %arg18[%dma_start3A_493] : memref<20480xf32, #tpu.memory_space<vmem>> -> memref<512xf32, #tpu.memory_space<vmem>>
        %dma_start3A_495 = arith.constant 0 : i32
        %dma_start3A_496 = tpu.memref_slice %arg17[%dma_start3A_495] : memref<20480xf32, #tpu.memory_space<vmem_shared>> -> memref<512xf32, #tpu.memory_space<vmem_shared>>
        tpu.enqueue_dma source(%dma_start3A_496 : memref<512xf32, #tpu.memory_space<vmem_shared>>) target(%dma_start3A_494 : memref<512xf32, #tpu.memory_space<vmem>>) target_semaphore(%run_scoped3A : memref<!tpu.dma_semaphore, #tpu.memory_space<semaphore_mem>>)
        %dma_wait3A = arith.constant 0 : i32
        %dma_wait3A_497 = tpu.memref_slice %arg18[%dma_wait3A] : memref<20480xf32, #tpu.memory_space<vmem>> -> memref<512xf32, #tpu.memory_space<vmem>>
        %dma_wait3A_498 = arith.constant 0 : i32
        %dma_wait3A_499 = tpu.memref_slice %arg17[%dma_wait3A_498] : memref<20480xf32, #tpu.memory_space<vmem_shared>> -> memref<512xf32, #tpu.memory_space<vmem_shared>>
        %dma_wait3A_500 = arith.constant 0 : i32
        %dma_wait3A_501 = tpu.memref_slice %arg18[%dma_wait3A_500] : memref<20480xf32, #tpu.memory_space<vmem>> -> memref<512xf32, #tpu.memory_space<vmem>>
        %dma_wait3A_502 = arith.constant 0 : i32
        %dma_wait3A_503 = tpu.memref_slice %arg17[%dma_wait3A_502] : memref<20480xf32, #tpu.memory_space<vmem_shared>> -> memref<512xf32, #tpu.memory_space<vmem_shared>>
        tpu.wait_dma2 semaphore(%run_scoped3A : memref<!tpu.dma_semaphore, #tpu.memory_space<semaphore_mem>>) src(%dma_wait3A_503 : memref<512xf32, #tpu.memory_space<vmem_shared>>) dst(%dma_wait3A_501 : memref<512xf32, #tpu.memory_space<vmem>>)
        tpu.yield
      }) : () -> ()
      "tpu.region"() ({
        %run_scoped3A = tpu.sem_alloc : memref<!tpu.dma_semaphore, #tpu.memory_space<semaphore_mem>>
        %dma_start3A = arith.constant 0 : i32
        %dma_start3A_490 = tpu.memref_slice %arg10[%dma_start3A] : memref<20480xf32, #tpu.memory_space<vmem>> -> memref<512xf32, #tpu.memory_space<vmem>>
        %dma_start3A_491 = arith.constant 0 : i32
        %dma_start3A_492 = tpu.memref_slice %arg9[%dma_start3A_491] : memref<20480xf32, #tpu.memory_space<vmem_shared>> -> memref<512xf32, #tpu.memory_space<vmem_shared>>
        %dma_start3A_493 = arith.constant 0 : i32
        %dma_start3A_494 = tpu.memref_slice %arg10[%dma_start3A_493] : memref<20480xf32, #tpu.memory_space<vmem>> -> memref<512xf32, #tpu.memory_space<vmem>>
        %dma_start3A_495 = arith.constant 0 : i32
        %dma_start3A_496 = tpu.memref_slice %arg9[%dma_start3A_495] : memref<20480xf32, #tpu.memory_space<vmem_shared>> -> memref<512xf32, #tpu.memory_space<vmem_shared>>
        tpu.enqueue_dma source(%dma_start3A_496 : memref<512xf32, #tpu.memory_space<vmem_shared>>) target(%dma_start3A_494 : memref<512xf32, #tpu.memory_space<vmem>>) target_semaphore(%run_scoped3A : memref<!tpu.dma_semaphore, #tpu.memory_space<semaphore_mem>>)
        %dma_wait3A = arith.constant 0 : i32
        %dma_wait3A_497 = tpu.memref_slice %arg10[%dma_wait3A] : memref<20480xf32, #tpu.memory_space<vmem>> -> memref<512xf32, #tpu.memory_space<vmem>>
        %dma_wait3A_498 = arith.constant 0 : i32
        %dma_wait3A_499 = tpu.memref_slice %arg9[%dma_wait3A_498] : memref<20480xf32, #tpu.memory_space<vmem_shared>> -> memref<512xf32, #tpu.memory_space<vmem_shared>>
        %dma_wait3A_500 = arith.constant 0 : i32
        %dma_wait3A_501 = tpu.memref_slice %arg10[%dma_wait3A_500] : memref<20480xf32, #tpu.memory_space<vmem>> -> memref<512xf32, #tpu.memory_space<vmem>>
        %dma_wait3A_502 = arith.constant 0 : i32
        %dma_wait3A_503 = tpu.memref_slice %arg9[%dma_wait3A_502] : memref<20480xf32, #tpu.memory_space<vmem_shared>> -> memref<512xf32, #tpu.memory_space<vmem_shared>>
        tpu.wait_dma2 semaphore(%run_scoped3A : memref<!tpu.dma_semaphore, #tpu.memory_space<semaphore_mem>>) src(%dma_wait3A_503 : memref<512xf32, #tpu.memory_space<vmem_shared>>) dst(%dma_wait3A_501 : memref<512xf32, #tpu.memory_space<vmem>>)
        tpu.yield
      }) : () -> ()
      "tpu.region"() ({
        %run_scoped3A = tpu.sem_alloc : memref<!tpu.dma_semaphore, #tpu.memory_space<semaphore_mem>>
        tpu.enqueue_dma source(%arg25 : memref<256xf32, #tpu.memory_space<vmem_shared>>) target(%arg27 : memref<256xf32, #tpu.memory_space<vmem>>) target_semaphore(%run_scoped3A : memref<!tpu.dma_semaphore, #tpu.memory_space<semaphore_mem>>)
        tpu.wait_dma2 semaphore(%run_scoped3A : memref<!tpu.dma_semaphore, #tpu.memory_space<semaphore_mem>>) src(%arg25 : memref<256xf32, #tpu.memory_space<vmem_shared>>) dst(%arg27 : memref<256xf32, #tpu.memory_space<vmem>>)
        tpu.yield
      }) : () -> ()
      %mul3A_381 = arith.constant 16 : i32
      %mul3A_382 = vector.broadcast %mul3A_381 : i32 to vector<16xi32>
      %mul3A_383 = arith.muli %iota3A, %mul3A_382 : vector<16xi32>
      %gather3A = tpu.vector_load_idx %arg27[%mul3A_383] : memref<256xf32, #tpu.memory_space<vmem>>[vector<16xi32>], vector<16xf32>,
      %convert_element_type3A_384 = arith.fptosi %gather3A : vector<16xf32> to vector<16xi32>
      %reduce_max3A_385 = arith.constant true
      %reduce_max3A_386 = vector.broadcast %reduce_max3A_385 : i1 to vector<16xi1>
      %reduce_max3A_387 = arith.constant -2147483648 : i32
      %reduce_max3A_388 = vector.broadcast %reduce_max3A_387 : i32 to vector<16xi32>
      %reduce_max3A_389 = arith.xori %convert_element_type3A_384, %reduce_max3A_388 : vector<16xi32>
      %reduce_max3A_390 = tpu.scan <max>, %reduce_max3A_389 masked %reduce_max3A_386 : vector<16xi32>, vector<16xi1> -> vector<16xi32>
      %reduce_max3A_391 = arith.xori %reduce_max3A_390, %reduce_max3A_388 : vector<16xi32>
      %reduce_max3A_392 = vector.extract %reduce_max3A_391[15] : i32 from vector<16xi32>
      %gt3A_393 = arith.constant 32 : i32
      %gt3A_394 = arith.cmpi sgt, %reduce_max3A_392, %gt3A_393 : i32
      %scan3A_395 = arith.constant 0 : i32
      %scan3A_396 = arith.constant 0 : i32
      %scan3A_397 = arith.constant 32 : i32
      %scan3A_398 = arith.addi %scan3A_396, %scan3A_397 : i32
      %scan3A_399 = arith.constant 1 : i32
      %scan3A_400 = scf.for %scan3A_490 = %scan3A_396 to %scan3A_398 step %scan3A_399 iter_args(%scan3A_491 = %scan3A_395) -> (i32)  : i32 {
        %mul3A_492 = arith.constant 16 : i32
        %mul3A_493 = arith.muli %scan3A_490, %mul3A_492 : i32
        %get3A_494 = arith.index_cast %mul3A_493 : i32 to index
        %get3A_495 = tpu.vector_load %arg10[%get3A_494] {strides = array<i32>} : memref<20480xf32, #tpu.memory_space<vmem>>, vector<16xf32>,
        %gt3A_496 = vector.broadcast %mul3A_321 : f32 to vector<16xf32>
        %gt3A_497 = arith.cmpf ogt, %get3A_495, %gt3A_496 : vector<16xf32>
        %get3A_498 = arith.index_cast %mul3A_493 : i32 to index
        %get3A_499 = tpu.vector_load %arg12[%get3A_498] {strides = array<i32>} : memref<20480xf32, #tpu.memory_space<vmem>>, vector<16xf32>,
        %get3A_500 = arith.index_cast %mul3A_493 : i32 to index
        %get3A_501 = tpu.vector_load %arg16[%get3A_500] {strides = array<i32>} : memref<20480xf32, #tpu.memory_space<vmem>>, vector<16xf32>,
        %get3A_502 = arith.index_cast %mul3A_493 : i32 to index
        %get3A_503 = tpu.vector_load %arg14[%get3A_502] {strides = array<i32>} : memref<20480xf32, #tpu.memory_space<vmem>>, vector<16xf32>,
        %get3A_504 = arith.index_cast %mul3A_493 : i32 to index
        %get3A_505 = tpu.vector_load %arg18[%get3A_504] {strides = array<i32>} : memref<20480xf32, #tpu.memory_space<vmem>>, vector<16xf32>,
        %swap3A_506 = arith.index_cast %scan3A_491 : i32 to index
        %swap3A_507 = tpu.vector_load %arg10[%swap3A_506] masked %gt3A_497 {strides = array<i32>} : memref<20480xf32, #tpu.memory_space<vmem>>, vector<16xf32>, vector<16xi1>
        tpu.vector_store %arg10[%swap3A_506], %get3A_495 masked %gt3A_497 {strides = array<i32>} : memref<20480xf32, #tpu.memory_space<vmem>>, vector<16xf32>, vector<16xi1>
        %swap3A_508 = arith.index_cast %scan3A_491 : i32 to index
        %swap3A_509 = tpu.vector_load %arg12[%swap3A_508] masked %gt3A_497 {strides = array<i32>} : memref<20480xf32, #tpu.memory_space<vmem>>, vector<16xf32>, vector<16xi1>
        tpu.vector_store %arg12[%swap3A_508], %get3A_499 masked %gt3A_497 {strides = array<i32>} : memref<20480xf32, #tpu.memory_space<vmem>>, vector<16xf32>, vector<16xi1>
        %swap3A_510 = arith.index_cast %scan3A_491 : i32 to index
        %swap3A_511 = tpu.vector_load %arg16[%swap3A_510] masked %gt3A_497 {strides = array<i32>} : memref<20480xf32, #tpu.memory_space<vmem>>, vector<16xf32>, vector<16xi1>
        tpu.vector_store %arg16[%swap3A_510], %get3A_501 masked %gt3A_497 {strides = array<i32>} : memref<20480xf32, #tpu.memory_space<vmem>>, vector<16xf32>, vector<16xi1>
        %swap3A_512 = arith.index_cast %scan3A_491 : i32 to index
        %swap3A_513 = tpu.vector_load %arg14[%swap3A_512] masked %gt3A_497 {strides = array<i32>} : memref<20480xf32, #tpu.memory_space<vmem>>, vector<16xf32>, vector<16xi1>
        tpu.vector_store %arg14[%swap3A_512], %get3A_503 masked %gt3A_497 {strides = array<i32>} : memref<20480xf32, #tpu.memory_space<vmem>>, vector<16xf32>, vector<16xi1>
        %swap3A_514 = arith.index_cast %scan3A_491 : i32 to index
        %swap3A_515 = tpu.vector_load %arg18[%swap3A_514] masked %gt3A_497 {strides = array<i32>} : memref<20480xf32, #tpu.memory_space<vmem>>, vector<16xf32>, vector<16xi1>
        tpu.vector_store %arg18[%swap3A_514], %get3A_505 masked %gt3A_497 {strides = array<i32>} : memref<20480xf32, #tpu.memory_space<vmem>>, vector<16xf32>, vector<16xi1>
        %sub3A_516 = arith.subf %get3A_503, %get3A_499 : vector<16xf32>
        %sub3A_517 = arith.subf %get3A_505, %get3A_501 : vector<16xf32>
        %mul3A_518 = arith.mulf %sub3A_516, %sub3A_517 : vector<16xf32>
        %swap3A_519 = arith.index_cast %scan3A_491 : i32 to index
        %swap3A_520 = tpu.vector_load %arg8[%swap3A_519] masked %gt3A_497 {strides = array<i32>} : memref<544xf32, #tpu.memory_space<vmem>>, vector<16xf32>, vector<16xi1>
        tpu.vector_store %arg8[%swap3A_519], %mul3A_518 masked %gt3A_497 {strides = array<i32>} : memref<544xf32, #tpu.memory_space<vmem>>, vector<16xf32>, vector<16xi1>
        %all_reduce_population_count3A = tpu.all_reduce %gt3A_497 {dim = 0 : i64, kind = #tpu.reduction_kind<sum>} : vector<16xi1> -> vector<16xi32>
        %reduce_max3A_521 = arith.constant true
        %reduce_max3A_522 = vector.broadcast %reduce_max3A_521 : i1 to vector<16xi1>
        %reduce_max3A_523 = arith.constant -2147483648 : i32
        %reduce_max3A_524 = vector.broadcast %reduce_max3A_523 : i32 to vector<16xi32>
        %reduce_max3A_525 = arith.xori %all_reduce_population_count3A, %reduce_max3A_524 : vector<16xi32>
        %reduce_max3A_526 = tpu.scan <max>, %reduce_max3A_525 masked %reduce_max3A_522 : vector<16xi32>, vector<16xi1> -> vector<16xi32>
        %reduce_max3A_527 = arith.xori %reduce_max3A_526, %reduce_max3A_524 : vector<16xi32>
        %reduce_max3A_528 = vector.extract %reduce_max3A_527[15] : i32 from vector<16xi32>
        %add3A_529 = arith.addi %scan3A_491, %reduce_max3A_528 : i32
        scf.yield %add3A_529 : i32
      }
      %scan3A_401 = arith.constant 32 : i32
      %jit3A_402 = arith.constant 16 : i32
      %div3A = arith.divsi %scan3A_400, %jit3A_402 : i32
      %sign3A = arith.constant 0 : i32
      %sign3A_403 = arith.cmpi sgt, %scan3A_400, %sign3A : i32
      %sign3A_404 = arith.extui %sign3A_403 : i1 to i32
      %sign3A_405 = arith.constant 0 : i32
      %sign3A_406 = arith.cmpi slt, %scan3A_400, %sign3A_405 : i32
      %sign3A_407 = arith.extui %sign3A_406 : i1 to i32
      %sign3A_408 = arith.subi %sign3A_404, %sign3A_407 : i32
      %sign3A_409 = arith.constant 0 : i32
      %sign3A_410 = arith.cmpi sgt, %jit3A_402, %sign3A_409 : i32
      %sign3A_411 = arith.extui %sign3A_410 : i1 to i32
      %sign3A_412 = arith.constant 0 : i32
      %sign3A_413 = arith.cmpi slt, %jit3A_402, %sign3A_412 : i32
      %sign3A_414 = arith.extui %sign3A_413 : i1 to i32
      %sign3A_415 = arith.subi %sign3A_411, %sign3A_414 : i32
      %ne3A = arith.cmpi ne, %sign3A_408, %sign3A_415 : i32
      %rem3A = arith.remsi %scan3A_400, %jit3A_402 : i32
      %ne3A_416 = arith.constant 0 : i32
      %ne3A_417 = arith.cmpi ne, %rem3A, %ne3A_416 : i32
      %and3A = arith.andi %ne3A, %ne3A_417 : i1
      %sub3A = arith.constant 1 : i32
      %sub3A_418 = arith.subi %div3A, %sub3A : i32
      %select_n3A_419 = arith.select %and3A, %sub3A_418, %div3A : i32
      %mul3A_420 = arith.constant 16 : i32
      %mul3A_421 = arith.muli %select_n3A_419, %mul3A_420 : i32
      %multiple_of3A = tpu.assume_multiple %mul3A_421, 16 : i32
      %get3A_422 = arith.index_cast %multiple_of3A : i32 to index
      %get3A_423 = tpu.vector_load %arg10[%get3A_422] {strides = array<i32>} : memref<20480xf32, #tpu.memory_space<vmem>>, vector<16xf32>,
      %sub3A_424 = arith.subi %scan3A_400, %multiple_of3A : i32
      %lt3A = vector.broadcast %sub3A_424 : i32 to vector<16xi32>
      %lt3A_425 = arith.cmpi slt, %iota3A, %lt3A : vector<16xi32>
      %jit3A_426 = arith.constant 0xFF800000 : f32
      %broadcast_in_dim3A_427 = vector.broadcast %jit3A_426 : f32 to vector<16xf32>
      %select_n3A_428 = arith.select %lt3A_425, %get3A_423, %broadcast_in_dim3A_427 : vector<16xi1>, vector<16xf32>
      %swap3A_429 = arith.index_cast %multiple_of3A : i32 to index
      %swap3A_430 = tpu.vector_load %arg10[%swap3A_429] {strides = array<i32>} : memref<20480xf32, #tpu.memory_space<vmem>>, vector<16xf32>,
      tpu.vector_store %arg10[%swap3A_429], %select_n3A_428 {strides = array<i32>} : memref<20480xf32, #tpu.memory_space<vmem>>, vector<16xf32>,
      %jit3A_431 = arith.constant 16 : i32
      %div3A_432 = arith.divsi %multiple_of3A, %jit3A_431 : i32
      %sign3A_433 = arith.constant 0 : i32
      %sign3A_434 = arith.cmpi sgt, %multiple_of3A, %sign3A_433 : i32
      %sign3A_435 = arith.extui %sign3A_434 : i1 to i32
      %sign3A_436 = arith.constant 0 : i32
      %sign3A_437 = arith.cmpi slt, %multiple_of3A, %sign3A_436 : i32
      %sign3A_438 = arith.extui %sign3A_437 : i1 to i32
      %sign3A_439 = arith.subi %sign3A_435, %sign3A_438 : i32
      %sign3A_440 = arith.constant 0 : i32
      %sign3A_441 = arith.cmpi sgt, %jit3A_431, %sign3A_440 : i32
      %sign3A_442 = arith.extui %sign3A_441 : i1 to i32
      %sign3A_443 = arith.constant 0 : i32
      %sign3A_444 = arith.cmpi slt, %jit3A_431, %sign3A_443 : i32
      %sign3A_445 = arith.extui %sign3A_444 : i1 to i32
      %sign3A_446 = arith.subi %sign3A_442, %sign3A_445 : i32
      %ne3A_447 = arith.cmpi ne, %sign3A_439, %sign3A_446 : i32
      %rem3A_448 = arith.remsi %multiple_of3A, %jit3A_431 : i32
      %ne3A_449 = arith.constant 0 : i32
      %ne3A_450 = arith.cmpi ne, %rem3A_448, %ne3A_449 : i32
      %and3A_451 = arith.andi %ne3A_447, %ne3A_450 : i1
      %sub3A_452 = arith.constant 1 : i32
      %sub3A_453 = arith.subi %div3A_432, %sub3A_452 : i32
      %select_n3A_454 = arith.select %and3A_451, %sub3A_453, %div3A_432 : i32
      %sub3A_455 = arith.constant 24 : i32
      %sub3A_456 = arith.subi %sub3A_455, %select_n3A_454 : i32
      %sub3A_457 = arith.constant 1 : i32
      %sub3A_458 = arith.subi %sub3A_456, %sub3A_457 : i32
      %max3A_459 = arith.constant 0 : i32
      %max3A_460 = arith.maxsi %sub3A_458, %max3A_459 : i32
      %while3A = arith.constant 0 : i32
      %while3A_461 = arith.constant 0 : i32
      %while3A_462 = arith.subi %max3A_460, %while3A_461 : i32
      %while3A_463 = arith.addi %while3A_461, %while3A_462 : i32
      %while3A_464 = arith.constant 1 : i32
      %while3A_465 = arith.divsi %while3A_462, %while3A_464 : i32
      %while3A_466 = arith.muli %while3A_465, %while3A_464 : i32
      %while3A_467 = arith.addi %while3A_461, %while3A_466 : i32
      %while3A_468 = arith.constant 1 : i32
      scf.for %while3A_490 = %while3A_461 to %while3A_467 step %while3A_468  : i32 {
        %broadcast_in_dim3A_491 = arith.constant 0xFF800000 : f32
        %broadcast_in_dim3A_492 = vector.broadcast %broadcast_in_dim3A_491 : f32 to vector<16xf32>
        %add3A_493 = arith.constant 16 : i32
        %add3A_494 = arith.addi %multiple_of3A, %add3A_493 : i32
        %mul3A_495 = arith.constant 16 : i32
        %mul3A_496 = arith.muli %while3A_490, %mul3A_495 : i32
        %add3A_497 = arith.addi %add3A_494, %mul3A_496 : i32
        %multiple_of3A_498 = tpu.assume_multiple %add3A_497, 16 : i32
        %swap3A_499 = arith.index_cast %multiple_of3A_498 : i32 to index
        %swap3A_500 = tpu.vector_load %arg10[%swap3A_499] {strides = array<i32>} : memref<20480xf32, #tpu.memory_space<vmem>>, vector<16xf32>,
        tpu.vector_store %arg10[%swap3A_499], %broadcast_in_dim3A_492 {strides = array<i32>} : memref<20480xf32, #tpu.memory_space<vmem>>, vector<16xf32>,
      }
      %while3A_469 = arith.constant 1 : i32
      scf.for %while3A_490 = %while3A_467 to %while3A_463 step %while3A_469  : i32 {
        %broadcast_in_dim3A_491 = arith.constant 0xFF800000 : f32
        %broadcast_in_dim3A_492 = vector.broadcast %broadcast_in_dim3A_491 : f32 to vector<16xf32>
        %add3A_493 = arith.constant 16 : i32
        %add3A_494 = arith.addi %multiple_of3A, %add3A_493 : i32
        %mul3A_495 = arith.constant 16 : i32
        %mul3A_496 = arith.muli %while3A_490, %mul3A_495 : i32
        %add3A_497 = arith.addi %add3A_494, %mul3A_496 : i32
        %multiple_of3A_498 = tpu.assume_multiple %add3A_497, 16 : i32
        %swap3A_499 = arith.index_cast %multiple_of3A_498 : i32 to index
        %swap3A_500 = tpu.vector_load %arg10[%swap3A_499] {strides = array<i32>} : memref<20480xf32, #tpu.memory_space<vmem>>, vector<16xf32>,
        tpu.vector_store %arg10[%swap3A_499], %broadcast_in_dim3A_492 {strides = array<i32>} : memref<20480xf32, #tpu.memory_space<vmem>>, vector<16xf32>,
      }
      %not3A = arith.constant true
      %not3A_470 = arith.xori %gt3A_394, %not3A : i1
      %le3A = arith.constant 384 : i32
      %le3A_471 = arith.cmpi sle, %scan3A_400, %le3A : i32
      %and3A_472 = arith.andi %not3A_470, %le3A_471 : i1
      %convert_element_type3A_473 = arith.extui %and3A_472 : i1 to i32
      %cond3A_474 = arith.constant 0 : i32
      %cond3A_475 = arith.cmpi ne, %convert_element_type3A_473, %cond3A_474 : i32
      %cond3A_476 = scf.if %cond3A_475 -> (i32) {
        %broadcast_in_dim3A_490 = arith.constant -4.000000e+03 : f32
        %broadcast_in_dim3A_491 = vector.broadcast %broadcast_in_dim3A_490 : f32 to vector<16xf32>
        %broadcast_in_dim3A_492 = arith.constant -4.000000e+03 : f32
        %broadcast_in_dim3A_493 = vector.broadcast %broadcast_in_dim3A_492 : f32 to vector<16xf32>
        %broadcast_in_dim3A_494 = arith.constant -4.000000e+03 : f32
        %broadcast_in_dim3A_495 = vector.broadcast %broadcast_in_dim3A_494 : f32 to vector<16xf32>
        %broadcast_in_dim3A_496 = arith.constant -4.000000e+03 : f32
        %broadcast_in_dim3A_497 = vector.broadcast %broadcast_in_dim3A_496 : f32 to vector<16xf32>
        %broadcast_in_dim3A_498 = arith.constant 0.000000e+00 : f32
        %broadcast_in_dim3A_499 = vector.broadcast %broadcast_in_dim3A_498 : f32 to vector<16xf32>
        %scan3A_500 = arith.constant 0 : i32
        %scan3A_501 = arith.constant 0 : i32
        %scan3A_502 = arith.constant 100 : i32
        %scan3A_503 = arith.addi %scan3A_501, %scan3A_502 : i32
        %scan3A_504 = arith.constant 1 : i32
        %scan3A_505:6 = scf.for %scan3A_507 = %scan3A_501 to %scan3A_503 step %scan3A_504 iter_args(%scan3A_508 = %broadcast_in_dim3A_491, %scan3A_509 = %broadcast_in_dim3A_493, %scan3A_510 = %broadcast_in_dim3A_495, %scan3A_511 = %broadcast_in_dim3A_497, %scan3A_512 = %broadcast_in_dim3A_499, %scan3A_513 = %scan3A_500) -> (vector<16xf32>, vector<16xf32>, vector<16xf32>, vector<16xf32>, vector<16xf32>, i32)  : i32 {
          %broadcast_in_dim3A_514 = arith.constant 0xFF800000 : f32
          %broadcast_in_dim3A_515 = vector.broadcast %broadcast_in_dim3A_514 : f32 to vector<16xf32>
          %broadcast_in_dim3A_516 = arith.constant 0 : i32
          %broadcast_in_dim3A_517 = vector.broadcast %broadcast_in_dim3A_516 : i32 to vector<16xi32>
          %parallel_loop3A_518 = arith.constant 0 : i32
          %parallel_loop3A_519 = arith.constant 24 : i32
          %parallel_loop3A_520 = arith.constant 1 : i32
          %parallel_loop3A_521:2 = scf.for %parallel_loop3A_592 = %parallel_loop3A_518 to %parallel_loop3A_519 step %parallel_loop3A_520 iter_args(%parallel_loop3A_593 = %broadcast_in_dim3A_515, %parallel_loop3A_594 = %broadcast_in_dim3A_517) -> (vector<16xf32>, vector<16xi32>)  : i32 {
            %parallel_loop3A_595 = arith.constant 16 : i32
            %parallel_loop3A_596 = arith.muli %parallel_loop3A_592, %parallel_loop3A_595 : i32
            %parallel_loop3A_597 = arith.index_cast %parallel_loop3A_596 : i32 to index
            %parallel_loop3A_598 = tpu.vector_load %arg12[%parallel_loop3A_597] {strides = array<i32>} : memref<20480xf32, #tpu.memory_space<vmem>>, vector<16xf32>,
            %parallel_loop3A_599 = arith.index_cast %parallel_loop3A_596 : i32 to index
            %parallel_loop3A_600 = tpu.vector_load %arg16[%parallel_loop3A_599] {strides = array<i32>} : memref<20480xf32, #tpu.memory_space<vmem>>, vector<16xf32>,
            %parallel_loop3A_601 = arith.index_cast %parallel_loop3A_596 : i32 to index
            %parallel_loop3A_602 = tpu.vector_load %arg14[%parallel_loop3A_601] {strides = array<i32>} : memref<20480xf32, #tpu.memory_space<vmem>>, vector<16xf32>,
            %parallel_loop3A_603 = arith.index_cast %parallel_loop3A_596 : i32 to index
            %parallel_loop3A_604 = tpu.vector_load %arg18[%parallel_loop3A_603] {strides = array<i32>} : memref<20480xf32, #tpu.memory_space<vmem>>, vector<16xf32>,
            %parallel_loop3A_605 = arith.index_cast %parallel_loop3A_596 : i32 to index
            %parallel_loop3A_606 = tpu.vector_load %arg10[%parallel_loop3A_605] {strides = array<i32>} : memref<20480xf32, #tpu.memory_space<vmem>>, vector<16xf32>,
            %parallel_loop3A_607 = arith.index_cast %parallel_loop3A_596 : i32 to index
            %parallel_loop3A_608 = tpu.vector_load %arg8[%parallel_loop3A_607] {strides = array<i32>} : memref<544xf32, #tpu.memory_space<vmem>>, vector<16xf32>,
            %parallel_loop3A_609 = arith.minimumf %scan3A_510, %parallel_loop3A_602 : vector<16xf32>
            %parallel_loop3A_610 = arith.maximumf %scan3A_508, %parallel_loop3A_598 : vector<16xf32>
            %parallel_loop3A_611 = arith.subf %parallel_loop3A_609, %parallel_loop3A_610 : vector<16xf32>
            %parallel_loop3A_612 = arith.constant 0.000000e+00 : f32
            %parallel_loop3A_613 = vector.broadcast %parallel_loop3A_612 : f32 to vector<16xf32>
            %parallel_loop3A_614 = arith.maximumf %parallel_loop3A_611, %parallel_loop3A_613 : vector<16xf32>
            %parallel_loop3A_615 = arith.minimumf %scan3A_511, %parallel_loop3A_604 : vector<16xf32>
            %parallel_loop3A_616 = arith.maximumf %scan3A_509, %parallel_loop3A_600 : vector<16xf32>
            %parallel_loop3A_617 = arith.subf %parallel_loop3A_615, %parallel_loop3A_616 : vector<16xf32>
            %parallel_loop3A_618 = arith.constant 0.000000e+00 : f32
            %parallel_loop3A_619 = vector.broadcast %parallel_loop3A_618 : f32 to vector<16xf32>
            %parallel_loop3A_620 = arith.maximumf %parallel_loop3A_617, %parallel_loop3A_619 : vector<16xf32>
            %parallel_loop3A_621 = arith.mulf %parallel_loop3A_614, %parallel_loop3A_620 : vector<16xf32>
            %parallel_loop3A_622 = arith.addf %scan3A_512, %parallel_loop3A_608 : vector<16xf32>
            %parallel_loop3A_623 = arith.subf %parallel_loop3A_622, %parallel_loop3A_621 : vector<16xf32>
            %parallel_loop3A_624 = arith.constant 9.99999971E-10 : f32
            %parallel_loop3A_625 = vector.broadcast %parallel_loop3A_624 : f32 to vector<16xf32>
            %parallel_loop3A_626 = arith.maximumf %parallel_loop3A_623, %parallel_loop3A_625 : vector<16xf32>
            %parallel_loop3A_627 = arith.divf %parallel_loop3A_621, %parallel_loop3A_626 : vector<16xf32>
            %parallel_loop3A_628 = arith.constant 5.000000e-01 : f32
            %parallel_loop3A_629 = vector.broadcast %parallel_loop3A_628 : f32 to vector<16xf32>
            %parallel_loop3A_630 = arith.cmpf ogt, %parallel_loop3A_627, %parallel_loop3A_629 : vector<16xf32>
            %parallel_loop3A_631 = arith.constant 0xFF800000 : f32
            %parallel_loop3A_632 = vector.broadcast %parallel_loop3A_631 : f32 to vector<16xf32>
            %parallel_loop3A_633 = arith.select %parallel_loop3A_630, %parallel_loop3A_632, %parallel_loop3A_606 : vector<16xi1>, vector<16xf32>
            %parallel_loop3A_634 = arith.index_cast %parallel_loop3A_596 : i32 to index
            %parallel_loop3A_635 = tpu.vector_load %arg10[%parallel_loop3A_634] {strides = array<i32>} : memref<20480xf32, #tpu.memory_space<vmem>>, vector<16xf32>,
            tpu.vector_store %arg10[%parallel_loop3A_634], %parallel_loop3A_633 {strides = array<i32>} : memref<20480xf32, #tpu.memory_space<vmem>>, vector<16xf32>,
            %parallel_loop3A_636 = vector.broadcast %parallel_loop3A_592 : i32 to vector<16xi32>
            %parallel_loop3A_637 = arith.cmpf ogt, %parallel_loop3A_633, %parallel_loop3A_593 : vector<16xf32>
            %parallel_loop3A_638 = arith.cmpf oeq, %parallel_loop3A_633, %parallel_loop3A_593 : vector<16xf32>
            %parallel_loop3A_639 = arith.cmpi slt, %parallel_loop3A_636, %parallel_loop3A_594 : vector<16xi32>
            %parallel_loop3A_640 = arith.andi %parallel_loop3A_638, %parallel_loop3A_639 : vector<16xi1>
            %parallel_loop3A_641 = arith.ori %parallel_loop3A_637, %parallel_loop3A_640 : vector<16xi1>
            %parallel_loop3A_642 = arith.select %parallel_loop3A_641, %parallel_loop3A_633, %parallel_loop3A_593 : vector<16xi1>, vector<16xf32>
            %parallel_loop3A_643 = arith.select %parallel_loop3A_641, %parallel_loop3A_636, %parallel_loop3A_594 : vector<16xi1>, vector<16xi32>
            scf.yield %parallel_loop3A_642, %parallel_loop3A_643 : vector<16xf32>, vector<16xi32>
          } {sc.loop_unroll_factor = 12 : i64, sc.parallel_access}
          %reduce_max3A_522 = arith.constant true
          %reduce_max3A_523 = vector.broadcast %reduce_max3A_522 : i1 to vector<16xi1>
          %reduce_max3A_524 = tpu.scan <max>, %parallel_loop3A_521#0 masked %reduce_max3A_523 : vector<16xf32>, vector<16xi1> -> vector<16xf32>
          %reduce_max3A_525 = vector.extract %reduce_max3A_524[15] : f32 from vector<16xf32>
          %eq3A_526 = vector.broadcast %reduce_max3A_525 : f32 to vector<16xf32>
          %eq3A_527 = arith.cmpf oeq, %parallel_loop3A_521#0, %eq3A_526 : vector<16xf32>
          %mul3A_528 = arith.constant 16 : i32
          %mul3A_529 = vector.broadcast %mul3A_528 : i32 to vector<16xi32>
          %mul3A_530 = arith.muli %parallel_loop3A_521#1, %mul3A_529 : vector<16xi32>
          %add3A_531 = arith.addi %mul3A_530, %iota3A : vector<16xi32>
          %jit3A_532 = arith.constant 1073741824 : i32
          %broadcast_in_dim3A_533 = vector.broadcast %jit3A_532 : i32 to vector<16xi32>
          %select_n3A_534 = arith.select %eq3A_527, %add3A_531, %broadcast_in_dim3A_533 : vector<16xi1>, vector<16xi32>
          %reduce_min3A = arith.constant true
          %reduce_min3A_535 = vector.broadcast %reduce_min3A : i1 to vector<16xi1>
          %reduce_min3A_536 = arith.constant -2147483648 : i32
          %reduce_min3A_537 = vector.broadcast %reduce_min3A_536 : i32 to vector<16xi32>
          %reduce_min3A_538 = arith.xori %select_n3A_534, %reduce_min3A_537 : vector<16xi32>
          %reduce_min3A_539 = tpu.scan <min>, %reduce_min3A_538 masked %reduce_min3A_535 : vector<16xi32>, vector<16xi1> -> vector<16xi32>
          %reduce_min3A_540 = arith.xori %reduce_min3A_539, %reduce_min3A_537 : vector<16xi32>
          %reduce_min3A_541 = vector.extract %reduce_min3A_540[15] : i32 from vector<16xi32>
          %jit3A_542 = arith.constant 0 : i32
          %jit3A_543 = arith.constant 383 : i32
          %max3A_544 = arith.maxsi %jit3A_542, %reduce_min3A_541 : i32
          %min3A = arith.minsi %jit3A_543, %max3A_544 : i32
          %broadcast_in_dim3A_545 = vector.broadcast %min3A : i32 to vector<16xi32>
          %gather3A_546 = tpu.vector_load_idx %arg12[%broadcast_in_dim3A_545] : memref<20480xf32, #tpu.memory_space<vmem>>[vector<16xi32>], vector<16xf32>,
          %gather3A_547 = tpu.vector_load_idx %arg16[%broadcast_in_dim3A_545] : memref<20480xf32, #tpu.memory_space<vmem>>[vector<16xi32>], vector<16xf32>,
          %gather3A_548 = tpu.vector_load_idx %arg14[%broadcast_in_dim3A_545] : memref<20480xf32, #tpu.memory_space<vmem>>[vector<16xi32>], vector<16xf32>,
          %gather3A_549 = tpu.vector_load_idx %arg18[%broadcast_in_dim3A_545] : memref<20480xf32, #tpu.memory_space<vmem>>[vector<16xi32>], vector<16xf32>,
          %gather3A_550 = tpu.vector_load_idx %arg8[%broadcast_in_dim3A_545] : memref<544xf32, #tpu.memory_space<vmem>>[vector<16xi32>], vector<16xf32>,
          %gt3A_551 = arith.constant 0xFF800000 : f32
          %gt3A_552 = arith.cmpf ogt, %reduce_max3A_525, %gt3A_551 : f32
          %jit3A_553 = arith.constant 1.000000e+00 : f32
          %jit3A_554 = arith.constant 0.000000e+00 : f32
          %select_n3A_555 = arith.select %gt3A_552, %jit3A_553, %jit3A_554 : f32
          %broadcast_in_dim3A_556 = vector.broadcast %select_n3A_555 : f32 to vector<16xf32>
          %eq3A_557 = arith.constant 0 : i32
          %eq3A_558 = vector.broadcast %eq3A_557 : i32 to vector<16xi32>
          %eq3A_559 = arith.cmpi eq, %iota3A, %eq3A_558 : vector<16xi32>
          %jit3A_560 = arith.constant 0.000000e+00 : f32
          %broadcast_in_dim3A_561 = vector.broadcast %jit3A_560 : f32 to vector<16xf32>
          %select_n3A_562 = arith.select %eq3A_559, %gather3A_546, %broadcast_in_dim3A_561 : vector<16xi1>, vector<16xf32>
          %eq3A_563 = arith.constant 1 : i32
          %eq3A_564 = vector.broadcast %eq3A_563 : i32 to vector<16xi32>
          %eq3A_565 = arith.cmpi eq, %iota3A, %eq3A_564 : vector<16xi32>
          %select_n3A_566 = arith.select %eq3A_565, %gather3A_547, %select_n3A_562 : vector<16xi1>, vector<16xf32>
          %eq3A_567 = arith.constant 2 : i32
          %eq3A_568 = vector.broadcast %eq3A_567 : i32 to vector<16xi32>
          %eq3A_569 = arith.cmpi eq, %iota3A, %eq3A_568 : vector<16xi32>
          %select_n3A_570 = arith.select %eq3A_569, %gather3A_548, %select_n3A_566 : vector<16xi1>, vector<16xf32>
          %eq3A_571 = arith.constant 3 : i32
          %eq3A_572 = vector.broadcast %eq3A_571 : i32 to vector<16xi32>
          %eq3A_573 = arith.cmpi eq, %iota3A, %eq3A_572 : vector<16xi32>
          %select_n3A_574 = arith.select %eq3A_573, %gather3A_549, %select_n3A_570 : vector<16xi1>, vector<16xf32>
          %eq3A_575 = arith.constant 4 : i32
          %eq3A_576 = vector.broadcast %eq3A_575 : i32 to vector<16xi32>
          %eq3A_577 = arith.cmpi eq, %iota3A, %eq3A_576 : vector<16xi32>
          %broadcast_in_dim3A_578 = vector.broadcast %reduce_max3A_525 : f32 to vector<16xf32>
          %select_n3A_579 = arith.select %eq3A_577, %broadcast_in_dim3A_578, %select_n3A_574 : vector<16xi1>, vector<16xf32>
          %gt3A_580 = arith.constant 5.000000e-01 : f32
          %gt3A_581 = vector.broadcast %gt3A_580 : f32 to vector<16xf32>
          %gt3A_582 = arith.cmpf ogt, %broadcast_in_dim3A_556, %gt3A_581 : vector<16xf32>
          %jit3A_583 = arith.constant 0.000000e+00 : f32
          %broadcast_in_dim3A_584 = vector.broadcast %jit3A_583 : f32 to vector<16xf32>
          %select_n3A_585 = arith.select %gt3A_582, %select_n3A_579, %broadcast_in_dim3A_584 : vector<16xi1>, vector<16xf32>
          %mul3A_586 = arith.constant 16 : i32
          %mul3A_587 = arith.muli %scan3A_507, %mul3A_586 : i32
          %swap3A_588 = arith.index_cast %mul3A_587 : i32 to index
          %swap3A_589 = tpu.vector_load %arg24[%swap3A_588] {strides = array<i32>} : memref<1600xf32, #tpu.memory_space<vmem>>, vector<16xf32>,
          tpu.vector_store %arg24[%swap3A_588], %select_n3A_585 {strides = array<i32>} : memref<1600xf32, #tpu.memory_space<vmem>>, vector<16xf32>,
          %convert_element_type3A_590 = arith.extui %gt3A_552 : i1 to i32
          %add3A_591 = arith.addi %scan3A_513, %convert_element_type3A_590 : i32
          scf.yield %gather3A_546, %gather3A_547, %gather3A_548, %gather3A_549, %gather3A_550, %add3A_591 : vector<16xf32>, vector<16xf32>, vector<16xf32>, vector<16xf32>, vector<16xf32>, i32
        }
        %scan3A_506 = arith.constant 100 : i32
        scf.yield %scan3A_505#5 : i32
      } else {
        %cond3A_490 = arith.constant 0 : i32
        scf.yield %cond3A_490 : i32
      }
      %not3A_477 = arith.constant true
      %not3A_478 = arith.xori %and3A_472, %not3A_477 : i1
      %lt3A_479 = arith.constant 100 : i32
      %lt3A_480 = arith.cmpi slt, %cond3A_476, %lt3A_479 : i32
      %ge3A_481 = arith.constant 7 : i32
      %ge3A_482 = arith.cmpi sge, %max3A_313, %ge3A_481 : i32
      %and3A_483 = arith.andi %lt3A_480, %ge3A_482 : i1
      %or3A = arith.ori %not3A_478, %and3A_483 : i1
      %jit3A_484 = arith.constant 1.000000e+00 : f32
      %jit3A_485 = arith.constant 0.000000e+00 : f32
      %select_n3A_486 = arith.select %or3A, %jit3A_484, %jit3A_485 : f32
      %broadcast_in_dim3A_487 = vector.broadcast %select_n3A_486 : f32 to vector<16xf32>
      %swap3A_488 = arith.constant 0 : index
      %swap3A_489 = tpu.vector_load %arg20[%swap3A_488] {strides = array<i32>} : memref<16xf32, #tpu.memory_space<vmem>>, vector<16xf32>,
      tpu.vector_store %arg20[%swap3A_488], %broadcast_in_dim3A_487 {strides = array<i32>} : memref<16xf32, #tpu.memory_space<vmem>>, vector<16xf32>,
      "tpu.region"() ({
        %run_scoped3A = tpu.sem_alloc : memref<!tpu.dma_semaphore, #tpu.memory_space<semaphore_mem>>
        tpu.enqueue_dma source(%arg20 : memref<16xf32, #tpu.memory_space<vmem>>) target(%arg19 : memref<16xf32, #tpu.memory_space<vmem_shared>>) target_semaphore(%run_scoped3A : memref<!tpu.dma_semaphore, #tpu.memory_space<semaphore_mem>>)
        tpu.wait_dma2 semaphore(%run_scoped3A : memref<!tpu.dma_semaphore, #tpu.memory_space<semaphore_mem>>) src(%arg20 : memref<16xf32, #tpu.memory_space<vmem>>) dst(%arg19 : memref<16xf32, #tpu.memory_space<vmem_shared>>)
        tpu.yield
      }) : () -> ()
    } else {
    }
    %barrier3A_366 = arith.constant 0 : index
    tpu.barrier barrier_id(%barrier3A_366)
    "tpu.region"() ({
      %run_scoped3A = tpu.sem_alloc : memref<!tpu.dma_semaphore, #tpu.memory_space<semaphore_mem>>
      tpu.enqueue_dma source(%arg19 : memref<16xf32, #tpu.memory_space<vmem_shared>>) target(%arg20 : memref<16xf32, #tpu.memory_space<vmem>>) target_semaphore(%run_scoped3A : memref<!tpu.dma_semaphore, #tpu.memory_space<semaphore_mem>>)
      tpu.wait_dma2 semaphore(%run_scoped3A : memref<!tpu.dma_semaphore, #tpu.memory_space<semaphore_mem>>) src(%arg19 : memref<16xf32, #tpu.memory_space<vmem_shared>>) dst(%arg20 : memref<16xf32, #tpu.memory_space<vmem>>)
      tpu.yield
    }) : () -> ()
    %get3A = arith.constant 0 : index
    %get3A_367 = tpu.vector_load %arg20[%get3A] {strides = array<i32>} : memref<16xf32, #tpu.memory_space<vmem>>, vector<16xf32>,
    %reduce_max3A_368 = arith.constant true
    %reduce_max3A_369 = vector.broadcast %reduce_max3A_368 : i1 to vector<16xi1>
    %reduce_max3A_370 = tpu.scan <max>, %get3A_367 masked %reduce_max3A_369 : vector<16xf32>, vector<16xi1> -> vector<16xf32>
    %reduce_max3A_371 = vector.extract %reduce_max3A_370[15] : f32 from vector<16xf32>
    %gt3A = arith.constant 5.000000e-01 : f32
    %gt3A_372 = arith.cmpf ogt, %reduce_max3A_371, %gt3A : f32
    %convert_element_type3A_373 = arith.extui %gt3A_372 : i1 to i32
    %cond3A_374 = arith.constant 0 : i32
    %cond3A_375 = arith.cmpi ne, %convert_element_type3A_373, %cond3A_374 : i32
    scf.if %cond3A_375 {
      "tpu.region"() ({
        %run_scoped3A = tpu.sem_alloc : memref<!tpu.dma_semaphore, #tpu.memory_space<semaphore_mem>>
        %dma_start3A = tpu.memref_slice %arg11[%mul3A_0] : memref<20480xf32, #tpu.memory_space<vmem_shared>> -> memref<1280xf32, #tpu.memory_space<vmem_shared>>
        %dma_start3A_387 = tpu.memref_slice %arg11[%mul3A_0] : memref<20480xf32, #tpu.memory_space<vmem_shared>> -> memref<1280xf32, #tpu.memory_space<vmem_shared>>
        tpu.enqueue_dma source(%arg34 : memref<1280xf32, #tpu.memory_space<vmem>>) target(%dma_start3A_387 : memref<1280xf32, #tpu.memory_space<vmem_shared>>) target_semaphore(%run_scoped3A : memref<!tpu.dma_semaphore, #tpu.memory_space<semaphore_mem>>)
        %dma_wait3A = tpu.memref_slice %arg11[%mul3A_0] : memref<20480xf32, #tpu.memory_space<vmem_shared>> -> memref<1280xf32, #tpu.memory_space<vmem_shared>>
        %dma_wait3A_388 = tpu.memref_slice %arg11[%mul3A_0] : memref<20480xf32, #tpu.memory_space<vmem_shared>> -> memref<1280xf32, #tpu.memory_space<vmem_shared>>
        tpu.wait_dma2 semaphore(%run_scoped3A : memref<!tpu.dma_semaphore, #tpu.memory_space<semaphore_mem>>) src(%arg34 : memref<1280xf32, #tpu.memory_space<vmem>>) dst(%dma_wait3A_388 : memref<1280xf32, #tpu.memory_space<vmem_shared>>)
        tpu.yield
      }) : () -> ()
      "tpu.region"() ({
        %run_scoped3A = tpu.sem_alloc : memref<!tpu.dma_semaphore, #tpu.memory_space<semaphore_mem>>
        %dma_start3A = tpu.memref_slice %arg15[%mul3A_0] : memref<20480xf32, #tpu.memory_space<vmem_shared>> -> memref<1280xf32, #tpu.memory_space<vmem_shared>>
        %dma_start3A_387 = tpu.memref_slice %arg15[%mul3A_0] : memref<20480xf32, #tpu.memory_space<vmem_shared>> -> memref<1280xf32, #tpu.memory_space<vmem_shared>>
        tpu.enqueue_dma source(%arg36 : memref<1280xf32, #tpu.memory_space<vmem>>) target(%dma_start3A_387 : memref<1280xf32, #tpu.memory_space<vmem_shared>>) target_semaphore(%run_scoped3A : memref<!tpu.dma_semaphore, #tpu.memory_space<semaphore_mem>>)
        %dma_wait3A = tpu.memref_slice %arg15[%mul3A_0] : memref<20480xf32, #tpu.memory_space<vmem_shared>> -> memref<1280xf32, #tpu.memory_space<vmem_shared>>
        %dma_wait3A_388 = tpu.memref_slice %arg15[%mul3A_0] : memref<20480xf32, #tpu.memory_space<vmem_shared>> -> memref<1280xf32, #tpu.memory_space<vmem_shared>>
        tpu.wait_dma2 semaphore(%run_scoped3A : memref<!tpu.dma_semaphore, #tpu.memory_space<semaphore_mem>>) src(%arg36 : memref<1280xf32, #tpu.memory_space<vmem>>) dst(%dma_wait3A_388 : memref<1280xf32, #tpu.memory_space<vmem_shared>>)
        tpu.yield
      }) : () -> ()
      "tpu.region"() ({
        %run_scoped3A = tpu.sem_alloc : memref<!tpu.dma_semaphore, #tpu.memory_space<semaphore_mem>>
        %dma_start3A = tpu.memref_slice %arg13[%mul3A_0] : memref<20480xf32, #tpu.memory_space<vmem_shared>> -> memref<1280xf32, #tpu.memory_space<vmem_shared>>
        %dma_start3A_387 = tpu.memref_slice %arg13[%mul3A_0] : memref<20480xf32, #tpu.memory_space<vmem_shared>> -> memref<1280xf32, #tpu.memory_space<vmem_shared>>
        tpu.enqueue_dma source(%arg35 : memref<1280xf32, #tpu.memory_space<vmem>>) target(%dma_start3A_387 : memref<1280xf32, #tpu.memory_space<vmem_shared>>) target_semaphore(%run_scoped3A : memref<!tpu.dma_semaphore, #tpu.memory_space<semaphore_mem>>)
        %dma_wait3A = tpu.memref_slice %arg13[%mul3A_0] : memref<20480xf32, #tpu.memory_space<vmem_shared>> -> memref<1280xf32, #tpu.memory_space<vmem_shared>>
        %dma_wait3A_388 = tpu.memref_slice %arg13[%mul3A_0] : memref<20480xf32, #tpu.memory_space<vmem_shared>> -> memref<1280xf32, #tpu.memory_space<vmem_shared>>
        tpu.wait_dma2 semaphore(%run_scoped3A : memref<!tpu.dma_semaphore, #tpu.memory_space<semaphore_mem>>) src(%arg35 : memref<1280xf32, #tpu.memory_space<vmem>>) dst(%dma_wait3A_388 : memref<1280xf32, #tpu.memory_space<vmem_shared>>)
        tpu.yield
      }) : () -> ()
      "tpu.region"() ({
        %run_scoped3A = tpu.sem_alloc : memref<!tpu.dma_semaphore, #tpu.memory_space<semaphore_mem>>
        %dma_start3A = tpu.memref_slice %arg17[%mul3A_0] : memref<20480xf32, #tpu.memory_space<vmem_shared>> -> memref<1280xf32, #tpu.memory_space<vmem_shared>>
        %dma_start3A_387 = tpu.memref_slice %arg17[%mul3A_0] : memref<20480xf32, #tpu.memory_space<vmem_shared>> -> memref<1280xf32, #tpu.memory_space<vmem_shared>>
        tpu.enqueue_dma source(%arg37 : memref<1280xf32, #tpu.memory_space<vmem>>) target(%dma_start3A_387 : memref<1280xf32, #tpu.memory_space<vmem_shared>>) target_semaphore(%run_scoped3A : memref<!tpu.dma_semaphore, #tpu.memory_space<semaphore_mem>>)
        %dma_wait3A = tpu.memref_slice %arg17[%mul3A_0] : memref<20480xf32, #tpu.memory_space<vmem_shared>> -> memref<1280xf32, #tpu.memory_space<vmem_shared>>
        %dma_wait3A_388 = tpu.memref_slice %arg17[%mul3A_0] : memref<20480xf32, #tpu.memory_space<vmem_shared>> -> memref<1280xf32, #tpu.memory_space<vmem_shared>>
        tpu.wait_dma2 semaphore(%run_scoped3A : memref<!tpu.dma_semaphore, #tpu.memory_space<semaphore_mem>>) src(%arg37 : memref<1280xf32, #tpu.memory_space<vmem>>) dst(%dma_wait3A_388 : memref<1280xf32, #tpu.memory_space<vmem_shared>>)
        tpu.yield
      }) : () -> ()
      "tpu.region"() ({
        %run_scoped3A = tpu.sem_alloc : memref<!tpu.dma_semaphore, #tpu.memory_space<semaphore_mem>>
        %dma_start3A = tpu.memref_slice %arg9[%mul3A_0] : memref<20480xf32, #tpu.memory_space<vmem_shared>> -> memref<1280xf32, #tpu.memory_space<vmem_shared>>
        %dma_start3A_387 = tpu.memref_slice %arg9[%mul3A_0] : memref<20480xf32, #tpu.memory_space<vmem_shared>> -> memref<1280xf32, #tpu.memory_space<vmem_shared>>
        tpu.enqueue_dma source(%arg28 : memref<1280xf32, #tpu.memory_space<vmem>>) target(%dma_start3A_387 : memref<1280xf32, #tpu.memory_space<vmem_shared>>) target_semaphore(%run_scoped3A : memref<!tpu.dma_semaphore, #tpu.memory_space<semaphore_mem>>)
        %dma_wait3A = tpu.memref_slice %arg9[%mul3A_0] : memref<20480xf32, #tpu.memory_space<vmem_shared>> -> memref<1280xf32, #tpu.memory_space<vmem_shared>>
        %dma_wait3A_388 = tpu.memref_slice %arg9[%mul3A_0] : memref<20480xf32, #tpu.memory_space<vmem_shared>> -> memref<1280xf32, #tpu.memory_space<vmem_shared>>
        tpu.wait_dma2 semaphore(%run_scoped3A : memref<!tpu.dma_semaphore, #tpu.memory_space<semaphore_mem>>) src(%arg28 : memref<1280xf32, #tpu.memory_space<vmem>>) dst(%dma_wait3A_388 : memref<1280xf32, #tpu.memory_space<vmem_shared>>)
        tpu.yield
      }) : () -> ()
      %barrier3A_381 = arith.constant 0 : index
      tpu.barrier barrier_id(%barrier3A_381)
      %eq3A_382 = arith.constant 0 : i32
      %eq3A_383 = arith.cmpi eq, %arg1, %eq3A_382 : i32
      %convert_element_type3A_384 = arith.extui %eq3A_383 : i1 to i32
      %cond3A_385 = arith.constant 0 : i32
      %cond3A_386 = arith.cmpi ne, %convert_element_type3A_384, %cond3A_385 : i32
      scf.if %cond3A_386 {
        "tpu.region"() ({
          %run_scoped3A = tpu.sem_alloc : memref<!tpu.dma_semaphore, #tpu.memory_space<semaphore_mem>>
          tpu.enqueue_dma source(%arg11 : memref<20480xf32, #tpu.memory_space<vmem_shared>>) target(%arg12 : memref<20480xf32, #tpu.memory_space<vmem>>) target_semaphore(%run_scoped3A : memref<!tpu.dma_semaphore, #tpu.memory_space<semaphore_mem>>)
          tpu.wait_dma2 semaphore(%run_scoped3A : memref<!tpu.dma_semaphore, #tpu.memory_space<semaphore_mem>>) src(%arg11 : memref<20480xf32, #tpu.memory_space<vmem_shared>>) dst(%arg12 : memref<20480xf32, #tpu.memory_space<vmem>>)
          tpu.yield
        }) : () -> ()
        "tpu.region"() ({
          %run_scoped3A = tpu.sem_alloc : memref<!tpu.dma_semaphore, #tpu.memory_space<semaphore_mem>>
          tpu.enqueue_dma source(%arg15 : memref<20480xf32, #tpu.memory_space<vmem_shared>>) target(%arg16 : memref<20480xf32, #tpu.memory_space<vmem>>) target_semaphore(%run_scoped3A : memref<!tpu.dma_semaphore, #tpu.memory_space<semaphore_mem>>)
          tpu.wait_dma2 semaphore(%run_scoped3A : memref<!tpu.dma_semaphore, #tpu.memory_space<semaphore_mem>>) src(%arg15 : memref<20480xf32, #tpu.memory_space<vmem_shared>>) dst(%arg16 : memref<20480xf32, #tpu.memory_space<vmem>>)
          tpu.yield
        }) : () -> ()
        "tpu.region"() ({
          %run_scoped3A = tpu.sem_alloc : memref<!tpu.dma_semaphore, #tpu.memory_space<semaphore_mem>>
          tpu.enqueue_dma source(%arg13 : memref<20480xf32, #tpu.memory_space<vmem_shared>>) target(%arg14 : memref<20480xf32, #tpu.memory_space<vmem>>) target_semaphore(%run_scoped3A : memref<!tpu.dma_semaphore, #tpu.memory_space<semaphore_mem>>)
          tpu.wait_dma2 semaphore(%run_scoped3A : memref<!tpu.dma_semaphore, #tpu.memory_space<semaphore_mem>>) src(%arg13 : memref<20480xf32, #tpu.memory_space<vmem_shared>>) dst(%arg14 : memref<20480xf32, #tpu.memory_space<vmem>>)
          tpu.yield
        }) : () -> ()
        "tpu.region"() ({
          %run_scoped3A = tpu.sem_alloc : memref<!tpu.dma_semaphore, #tpu.memory_space<semaphore_mem>>
          tpu.enqueue_dma source(%arg17 : memref<20480xf32, #tpu.memory_space<vmem_shared>>) target(%arg18 : memref<20480xf32, #tpu.memory_space<vmem>>) target_semaphore(%run_scoped3A : memref<!tpu.dma_semaphore, #tpu.memory_space<semaphore_mem>>)
          tpu.wait_dma2 semaphore(%run_scoped3A : memref<!tpu.dma_semaphore, #tpu.memory_space<semaphore_mem>>) src(%arg17 : memref<20480xf32, #tpu.memory_space<vmem_shared>>) dst(%arg18 : memref<20480xf32, #tpu.memory_space<vmem>>)
          tpu.yield
        }) : () -> ()
        "tpu.region"() ({
          %run_scoped3A = tpu.sem_alloc : memref<!tpu.dma_semaphore, #tpu.memory_space<semaphore_mem>>
          tpu.enqueue_dma source(%arg9 : memref<20480xf32, #tpu.memory_space<vmem_shared>>) target(%arg10 : memref<20480xf32, #tpu.memory_space<vmem>>) target_semaphore(%run_scoped3A : memref<!tpu.dma_semaphore, #tpu.memory_space<semaphore_mem>>)
          tpu.wait_dma2 semaphore(%run_scoped3A : memref<!tpu.dma_semaphore, #tpu.memory_space<semaphore_mem>>) src(%arg9 : memref<20480xf32, #tpu.memory_space<vmem_shared>>) dst(%arg10 : memref<20480xf32, #tpu.memory_space<vmem>>)
          tpu.yield
        }) : () -> ()
        %broadcast_in_dim3A_387 = arith.constant -4.000000e+03 : f32
        %broadcast_in_dim3A_388 = vector.broadcast %broadcast_in_dim3A_387 : f32 to vector<16xf32>
        %broadcast_in_dim3A_389 = arith.constant -4.000000e+03 : f32
        %broadcast_in_dim3A_390 = vector.broadcast %broadcast_in_dim3A_389 : f32 to vector<16xf32>
        %broadcast_in_dim3A_391 = arith.constant -4.000000e+03 : f32
        %broadcast_in_dim3A_392 = vector.broadcast %broadcast_in_dim3A_391 : f32 to vector<16xf32>
        %broadcast_in_dim3A_393 = arith.constant -4.000000e+03 : f32
        %broadcast_in_dim3A_394 = vector.broadcast %broadcast_in_dim3A_393 : f32 to vector<16xf32>
        %broadcast_in_dim3A_395 = arith.constant 0.000000e+00 : f32
        %broadcast_in_dim3A_396 = vector.broadcast %broadcast_in_dim3A_395 : f32 to vector<16xf32>
        %scan3A_397 = arith.constant 0 : i32
        %scan3A_398 = arith.constant 0 : i32
        %scan3A_399 = arith.constant 100 : i32
        %scan3A_400 = arith.addi %scan3A_398, %scan3A_399 : i32
        %scan3A_401 = arith.constant 1 : i32
        %scan3A_402:6 = scf.for %scan3A_404 = %scan3A_398 to %scan3A_400 step %scan3A_401 iter_args(%scan3A_405 = %broadcast_in_dim3A_388, %scan3A_406 = %broadcast_in_dim3A_390, %scan3A_407 = %broadcast_in_dim3A_392, %scan3A_408 = %broadcast_in_dim3A_394, %scan3A_409 = %broadcast_in_dim3A_396, %scan3A_410 = %scan3A_397) -> (vector<16xf32>, vector<16xf32>, vector<16xf32>, vector<16xf32>, vector<16xf32>, i32)  : i32 {
          %broadcast_in_dim3A_411 = arith.constant 0xFF800000 : f32
          %broadcast_in_dim3A_412 = vector.broadcast %broadcast_in_dim3A_411 : f32 to vector<16xf32>
          %broadcast_in_dim3A_413 = arith.constant 0 : i32
          %broadcast_in_dim3A_414 = vector.broadcast %broadcast_in_dim3A_413 : i32 to vector<16xi32>
          %parallel_loop3A_415 = arith.constant 0 : i32
          %parallel_loop3A_416 = arith.constant 1280 : i32
          %parallel_loop3A_417 = arith.constant 1 : i32
          %parallel_loop3A_418:2 = scf.for %parallel_loop3A_489 = %parallel_loop3A_415 to %parallel_loop3A_416 step %parallel_loop3A_417 iter_args(%parallel_loop3A_490 = %broadcast_in_dim3A_412, %parallel_loop3A_491 = %broadcast_in_dim3A_414) -> (vector<16xf32>, vector<16xi32>)  : i32 {
            %parallel_loop3A_492 = arith.constant 16 : i32
            %parallel_loop3A_493 = arith.muli %parallel_loop3A_489, %parallel_loop3A_492 : i32
            %parallel_loop3A_494 = arith.index_cast %parallel_loop3A_493 : i32 to index
            %parallel_loop3A_495 = tpu.vector_load %arg12[%parallel_loop3A_494] {strides = array<i32>} : memref<20480xf32, #tpu.memory_space<vmem>>, vector<16xf32>,
            %parallel_loop3A_496 = arith.index_cast %parallel_loop3A_493 : i32 to index
            %parallel_loop3A_497 = tpu.vector_load %arg16[%parallel_loop3A_496] {strides = array<i32>} : memref<20480xf32, #tpu.memory_space<vmem>>, vector<16xf32>,
            %parallel_loop3A_498 = arith.index_cast %parallel_loop3A_493 : i32 to index
            %parallel_loop3A_499 = tpu.vector_load %arg14[%parallel_loop3A_498] {strides = array<i32>} : memref<20480xf32, #tpu.memory_space<vmem>>, vector<16xf32>,
            %parallel_loop3A_500 = arith.index_cast %parallel_loop3A_493 : i32 to index
            %parallel_loop3A_501 = tpu.vector_load %arg18[%parallel_loop3A_500] {strides = array<i32>} : memref<20480xf32, #tpu.memory_space<vmem>>, vector<16xf32>,
            %parallel_loop3A_502 = arith.index_cast %parallel_loop3A_493 : i32 to index
            %parallel_loop3A_503 = tpu.vector_load %arg10[%parallel_loop3A_502] {strides = array<i32>} : memref<20480xf32, #tpu.memory_space<vmem>>, vector<16xf32>,
            %parallel_loop3A_504 = arith.subf %parallel_loop3A_499, %parallel_loop3A_495 : vector<16xf32>
            %parallel_loop3A_505 = arith.subf %parallel_loop3A_501, %parallel_loop3A_497 : vector<16xf32>
            %parallel_loop3A_506 = arith.mulf %parallel_loop3A_504, %parallel_loop3A_505 : vector<16xf32>
            %parallel_loop3A_507 = arith.minimumf %scan3A_407, %parallel_loop3A_499 : vector<16xf32>
            %parallel_loop3A_508 = arith.maximumf %scan3A_405, %parallel_loop3A_495 : vector<16xf32>
            %parallel_loop3A_509 = arith.subf %parallel_loop3A_507, %parallel_loop3A_508 : vector<16xf32>
            %parallel_loop3A_510 = arith.constant 0.000000e+00 : f32
            %parallel_loop3A_511 = vector.broadcast %parallel_loop3A_510 : f32 to vector<16xf32>
            %parallel_loop3A_512 = arith.maximumf %parallel_loop3A_509, %parallel_loop3A_511 : vector<16xf32>
            %parallel_loop3A_513 = arith.minimumf %scan3A_408, %parallel_loop3A_501 : vector<16xf32>
            %parallel_loop3A_514 = arith.maximumf %scan3A_406, %parallel_loop3A_497 : vector<16xf32>
            %parallel_loop3A_515 = arith.subf %parallel_loop3A_513, %parallel_loop3A_514 : vector<16xf32>
            %parallel_loop3A_516 = arith.constant 0.000000e+00 : f32
            %parallel_loop3A_517 = vector.broadcast %parallel_loop3A_516 : f32 to vector<16xf32>
            %parallel_loop3A_518 = arith.maximumf %parallel_loop3A_515, %parallel_loop3A_517 : vector<16xf32>
            %parallel_loop3A_519 = arith.mulf %parallel_loop3A_512, %parallel_loop3A_518 : vector<16xf32>
            %parallel_loop3A_520 = arith.addf %scan3A_409, %parallel_loop3A_506 : vector<16xf32>
            %parallel_loop3A_521 = arith.subf %parallel_loop3A_520, %parallel_loop3A_519 : vector<16xf32>
            %parallel_loop3A_522 = arith.constant 9.99999971E-10 : f32
            %parallel_loop3A_523 = vector.broadcast %parallel_loop3A_522 : f32 to vector<16xf32>
            %parallel_loop3A_524 = arith.maximumf %parallel_loop3A_521, %parallel_loop3A_523 : vector<16xf32>
            %parallel_loop3A_525 = arith.divf %parallel_loop3A_519, %parallel_loop3A_524 : vector<16xf32>
            %parallel_loop3A_526 = arith.constant 5.000000e-01 : f32
            %parallel_loop3A_527 = vector.broadcast %parallel_loop3A_526 : f32 to vector<16xf32>
            %parallel_loop3A_528 = arith.cmpf ogt, %parallel_loop3A_525, %parallel_loop3A_527 : vector<16xf32>
            %parallel_loop3A_529 = arith.constant 0xFF800000 : f32
            %parallel_loop3A_530 = vector.broadcast %parallel_loop3A_529 : f32 to vector<16xf32>
            %parallel_loop3A_531 = arith.select %parallel_loop3A_528, %parallel_loop3A_530, %parallel_loop3A_503 : vector<16xi1>, vector<16xf32>
            %parallel_loop3A_532 = arith.index_cast %parallel_loop3A_493 : i32 to index
            %parallel_loop3A_533 = tpu.vector_load %arg10[%parallel_loop3A_532] {strides = array<i32>} : memref<20480xf32, #tpu.memory_space<vmem>>, vector<16xf32>,
            tpu.vector_store %arg10[%parallel_loop3A_532], %parallel_loop3A_531 {strides = array<i32>} : memref<20480xf32, #tpu.memory_space<vmem>>, vector<16xf32>,
            %parallel_loop3A_534 = vector.broadcast %parallel_loop3A_489 : i32 to vector<16xi32>
            %parallel_loop3A_535 = arith.cmpf ogt, %parallel_loop3A_531, %parallel_loop3A_490 : vector<16xf32>
            %parallel_loop3A_536 = arith.cmpf oeq, %parallel_loop3A_531, %parallel_loop3A_490 : vector<16xf32>
            %parallel_loop3A_537 = arith.cmpi slt, %parallel_loop3A_534, %parallel_loop3A_491 : vector<16xi32>
            %parallel_loop3A_538 = arith.andi %parallel_loop3A_536, %parallel_loop3A_537 : vector<16xi1>
            %parallel_loop3A_539 = arith.ori %parallel_loop3A_535, %parallel_loop3A_538 : vector<16xi1>
            %parallel_loop3A_540 = arith.select %parallel_loop3A_539, %parallel_loop3A_531, %parallel_loop3A_490 : vector<16xi1>, vector<16xf32>
            %parallel_loop3A_541 = arith.select %parallel_loop3A_539, %parallel_loop3A_534, %parallel_loop3A_491 : vector<16xi1>, vector<16xi32>
            scf.yield %parallel_loop3A_540, %parallel_loop3A_541 : vector<16xf32>, vector<16xi32>
          } {sc.loop_unroll_factor = 1 : i64, sc.parallel_access}
          %reduce_max3A_419 = arith.constant true
          %reduce_max3A_420 = vector.broadcast %reduce_max3A_419 : i1 to vector<16xi1>
          %reduce_max3A_421 = tpu.scan <max>, %parallel_loop3A_418#0 masked %reduce_max3A_420 : vector<16xf32>, vector<16xi1> -> vector<16xf32>
          %reduce_max3A_422 = vector.extract %reduce_max3A_421[15] : f32 from vector<16xf32>
          %eq3A_423 = vector.broadcast %reduce_max3A_422 : f32 to vector<16xf32>
          %eq3A_424 = arith.cmpf oeq, %parallel_loop3A_418#0, %eq3A_423 : vector<16xf32>
          %mul3A_425 = arith.constant 16 : i32
          %mul3A_426 = vector.broadcast %mul3A_425 : i32 to vector<16xi32>
          %mul3A_427 = arith.muli %parallel_loop3A_418#1, %mul3A_426 : vector<16xi32>
          %add3A_428 = arith.addi %mul3A_427, %iota3A : vector<16xi32>
          %jit3A_429 = arith.constant 1073741824 : i32
          %broadcast_in_dim3A_430 = vector.broadcast %jit3A_429 : i32 to vector<16xi32>
          %select_n3A_431 = arith.select %eq3A_424, %add3A_428, %broadcast_in_dim3A_430 : vector<16xi1>, vector<16xi32>
          %reduce_min3A = arith.constant true
          %reduce_min3A_432 = vector.broadcast %reduce_min3A : i1 to vector<16xi1>
          %reduce_min3A_433 = arith.constant -2147483648 : i32
          %reduce_min3A_434 = vector.broadcast %reduce_min3A_433 : i32 to vector<16xi32>
          %reduce_min3A_435 = arith.xori %select_n3A_431, %reduce_min3A_434 : vector<16xi32>
          %reduce_min3A_436 = tpu.scan <min>, %reduce_min3A_435 masked %reduce_min3A_432 : vector<16xi32>, vector<16xi1> -> vector<16xi32>
          %reduce_min3A_437 = arith.xori %reduce_min3A_436, %reduce_min3A_434 : vector<16xi32>
          %reduce_min3A_438 = vector.extract %reduce_min3A_437[15] : i32 from vector<16xi32>
          %jit3A_439 = arith.constant 0 : i32
          %jit3A_440 = arith.constant 20479 : i32
          %max3A_441 = arith.maxsi %jit3A_439, %reduce_min3A_438 : i32
          %min3A = arith.minsi %jit3A_440, %max3A_441 : i32
          %broadcast_in_dim3A_442 = vector.broadcast %min3A : i32 to vector<16xi32>
          %gather3A = tpu.vector_load_idx %arg12[%broadcast_in_dim3A_442] : memref<20480xf32, #tpu.memory_space<vmem>>[vector<16xi32>], vector<16xf32>,
          %gather3A_443 = tpu.vector_load_idx %arg16[%broadcast_in_dim3A_442] : memref<20480xf32, #tpu.memory_space<vmem>>[vector<16xi32>], vector<16xf32>,
          %gather3A_444 = tpu.vector_load_idx %arg14[%broadcast_in_dim3A_442] : memref<20480xf32, #tpu.memory_space<vmem>>[vector<16xi32>], vector<16xf32>,
          %gather3A_445 = tpu.vector_load_idx %arg18[%broadcast_in_dim3A_442] : memref<20480xf32, #tpu.memory_space<vmem>>[vector<16xi32>], vector<16xf32>,
          %sub3A = arith.subf %gather3A_444, %gather3A : vector<16xf32>
          %sub3A_446 = arith.subf %gather3A_445, %gather3A_443 : vector<16xf32>
          %mul3A_447 = arith.mulf %sub3A, %sub3A_446 : vector<16xf32>
          %gt3A_448 = arith.constant 0xFF800000 : f32
          %gt3A_449 = arith.cmpf ogt, %reduce_max3A_422, %gt3A_448 : f32
          %jit3A_450 = arith.constant 1.000000e+00 : f32
          %jit3A_451 = arith.constant 0.000000e+00 : f32
          %select_n3A_452 = arith.select %gt3A_449, %jit3A_450, %jit3A_451 : f32
          %broadcast_in_dim3A_453 = vector.broadcast %select_n3A_452 : f32 to vector<16xf32>
          %eq3A_454 = arith.constant 0 : i32
          %eq3A_455 = vector.broadcast %eq3A_454 : i32 to vector<16xi32>
          %eq3A_456 = arith.cmpi eq, %iota3A, %eq3A_455 : vector<16xi32>
          %jit3A_457 = arith.constant 0.000000e+00 : f32
          %broadcast_in_dim3A_458 = vector.broadcast %jit3A_457 : f32 to vector<16xf32>
          %select_n3A_459 = arith.select %eq3A_456, %gather3A, %broadcast_in_dim3A_458 : vector<16xi1>, vector<16xf32>
          %eq3A_460 = arith.constant 1 : i32
          %eq3A_461 = vector.broadcast %eq3A_460 : i32 to vector<16xi32>
          %eq3A_462 = arith.cmpi eq, %iota3A, %eq3A_461 : vector<16xi32>
          %select_n3A_463 = arith.select %eq3A_462, %gather3A_443, %select_n3A_459 : vector<16xi1>, vector<16xf32>
          %eq3A_464 = arith.constant 2 : i32
          %eq3A_465 = vector.broadcast %eq3A_464 : i32 to vector<16xi32>
          %eq3A_466 = arith.cmpi eq, %iota3A, %eq3A_465 : vector<16xi32>
          %select_n3A_467 = arith.select %eq3A_466, %gather3A_444, %select_n3A_463 : vector<16xi1>, vector<16xf32>
          %eq3A_468 = arith.constant 3 : i32
          %eq3A_469 = vector.broadcast %eq3A_468 : i32 to vector<16xi32>
          %eq3A_470 = arith.cmpi eq, %iota3A, %eq3A_469 : vector<16xi32>
          %select_n3A_471 = arith.select %eq3A_470, %gather3A_445, %select_n3A_467 : vector<16xi1>, vector<16xf32>
          %eq3A_472 = arith.constant 4 : i32
          %eq3A_473 = vector.broadcast %eq3A_472 : i32 to vector<16xi32>
          %eq3A_474 = arith.cmpi eq, %iota3A, %eq3A_473 : vector<16xi32>
          %broadcast_in_dim3A_475 = vector.broadcast %reduce_max3A_422 : f32 to vector<16xf32>
          %select_n3A_476 = arith.select %eq3A_474, %broadcast_in_dim3A_475, %select_n3A_471 : vector<16xi1>, vector<16xf32>
          %gt3A_477 = arith.constant 5.000000e-01 : f32
          %gt3A_478 = vector.broadcast %gt3A_477 : f32 to vector<16xf32>
          %gt3A_479 = arith.cmpf ogt, %broadcast_in_dim3A_453, %gt3A_478 : vector<16xf32>
          %jit3A_480 = arith.constant 0.000000e+00 : f32
          %broadcast_in_dim3A_481 = vector.broadcast %jit3A_480 : f32 to vector<16xf32>
          %select_n3A_482 = arith.select %gt3A_479, %select_n3A_476, %broadcast_in_dim3A_481 : vector<16xi1>, vector<16xf32>
          %mul3A_483 = arith.constant 16 : i32
          %mul3A_484 = arith.muli %scan3A_404, %mul3A_483 : i32
          %swap3A_485 = arith.index_cast %mul3A_484 : i32 to index
          %swap3A_486 = tpu.vector_load %arg24[%swap3A_485] {strides = array<i32>} : memref<1600xf32, #tpu.memory_space<vmem>>, vector<16xf32>,
          tpu.vector_store %arg24[%swap3A_485], %select_n3A_482 {strides = array<i32>} : memref<1600xf32, #tpu.memory_space<vmem>>, vector<16xf32>,
          %convert_element_type3A_487 = arith.extui %gt3A_449 : i1 to i32
          %add3A_488 = arith.addi %scan3A_410, %convert_element_type3A_487 : i32
          scf.yield %gather3A, %gather3A_443, %gather3A_444, %gather3A_445, %mul3A_447, %add3A_488 : vector<16xf32>, vector<16xf32>, vector<16xf32>, vector<16xf32>, vector<16xf32>, i32
        }
        %scan3A_403 = arith.constant 100 : i32
      } else {
      }
    } else {
    }
    %eq3A_376 = arith.constant 0 : i32
    %eq3A_377 = arith.cmpi eq, %arg1, %eq3A_376 : i32
    %convert_element_type3A_378 = arith.extui %eq3A_377 : i1 to i32
    %cond3A_379 = arith.constant 0 : i32
    %cond3A_380 = arith.cmpi ne, %convert_element_type3A_378, %cond3A_379 : i32
    scf.if %cond3A_380 {
      "tpu.region"() ({
        %run_scoped3A = tpu.sem_alloc : memref<!tpu.dma_semaphore, #tpu.memory_space<semaphore_mem>>
        tpu.enqueue_dma source(%arg24 : memref<1600xf32, #tpu.memory_space<vmem>>) target(%arg7 : memref<1600xf32, #tpu.memory_space<hbm>>) target_semaphore(%run_scoped3A : memref<!tpu.dma_semaphore, #tpu.memory_space<semaphore_mem>>)
        tpu.wait_dma2 semaphore(%run_scoped3A : memref<!tpu.dma_semaphore, #tpu.memory_space<semaphore_mem>>) src(%arg24 : memref<1600xf32, #tpu.memory_space<vmem>>) dst(%arg7 : memref<1600xf32, #tpu.memory_space<hbm>>)
        tpu.yield
      }) : () -> ()
    } else {
    }
    return
  }
}

</mosaic_0001>

<sc_bundles>
// kernel: kernel.3.cloned.1.call-start
scs
__scs_entry_jumppad:
0x0: {  	(pc) =	sbr.rel $0x88, $3  }
0x1: {  	(tag) =	ssettag $0x0;
	lr =	simm.s32 $0x1  }
0x2: {  	[smem:$0x3F9F] =	sst lr;
	_ =	strace $0xD0000000  }
0x3: {  	_ = 	snop  }
0x4: {  	_ = 	snop  }
0x5: {  	_ = 	snop  }
0x6: {  	_ = 	snop  }
0x7: {  	_ = 	snop  }
__scs_overlays_trampoline_lowered:
0x8: {  	[smem:$0x3FAE] =	sst s0  }
0x9: {  	[smem:$0x3FAF] =	sst s1  }
0xa: {  	[smem:$0x3FB0] =	sst s2  }
0xb: {  	[smem:$0x3FB1] =	sst s3  }
0xc: {  	[smem:$0x3FB2] =	sst s4  }
0xd: {  	[smem:$0x3FB3] =	sst s5  }
0xe: {  	[smem:$0x3FB4] =	sst s6  }
0xf: {  	[smem:$0x3FB5] =	sst s7  }
0x10: {  	[smem:$0x3FB6] =	sst s8  }
0x11: {  	[smem:$0x3FB7] =	sst s9;
	s0 =	simm.s32 @!p0 $0x0  }
0x12: {  	s1 =	sld [smem:$0x3F9D];
	s0 =	simm.s32 @p0 $0x1  }
0x13: {  	[smem:$0x3FB8] =	sst s0;
	s0 =	simm.s32 @!p1 $0x0  }
0x14: {  	s2 =	sld [smem:$0x3F9C];
	s0 =	simm.s32 @p1 $0x1  }
0x15: {  	[smem:$0x3FB9] =	sst s0;
	s0 =	simm.s32 @!p2 $0x0  }
0x16: {  	s3 =	sld [smem:$0x3FDB];
	s0 =	simm.s32 @p2 $0x1  }
0x17: {  	s4 =	simm.s32 $0x1BF5;
	[smem:$0x3FBB] =	sst s0  }
0x18: {  	s0 =	sld [smem:$0x3F9E];
	_ =	swait.ge [sflag:s4], $0x0  }
0x19: {  	s7 =	sld [smem:$0x3F9F]  }
0x1a: {  	s8 =	sadd.s32 $0xFFFFE003, lr  }
0x1b: {  	s9 =	sadd.s32 $0xFFFFFEF7, lr;
	s5 =	simm.s32 $0xFFFFFFFF;
	p2 =	slt.u32 s8, $0xFFFFF086  }
0x1c: {  	p1 =	slt.u32 s9, $0xF7A;
	s5 =	simm.s32 @!p2 $0x0  }
0x1d: {  	s5 =	simm.s32 @p1 $0x1;
	p0 =	seq.s32 s7, s2  }
0x1e: {  	s7 =	smul.u32 @!p0 $0xF7A, s2;
	p2 =	seq.s32 @!p0 s5, $0x0  }
0x1f: {  	s9 =	smul.u32 $0xF7A, s1;
	s8 =	simm.s32 @!p0 $0x1BF5;
	p2 =	por !p2, p0  }
0x20: {  	[sflag:s8] =	ssyncset.s32 @!p0 $0xFFFFF086;
	s6 =	sadd.s32 @!p0 s3, s7;
	s7 =	simm.s32 @!p0 $0x108  }
0x21: {  	s3 =	sadd.s32 s3, s9;
	s6 =	sadd.s32 @!p0 $0x88, s6;
	s7 =	simm.s32 @p2 $0x1082  }
0x22: {  	[simem:s7], [sflag:s8] =	dma.local @!p0 [hbm:s6], $0xF7A  }
0x23: {  	s9 =	sor.u32 $0xD0000000, s2;
	s6 =	simm.s32 $0x108;
	_ =	swait.ge @!p0 [sflag:s8], $0x0  }
0x24: {  	s3 =	sadd.s32 $0x88, s3;
	s6 =	simm.s32 @!p1 $0x1082;
	[sflag:s4] =	ssyncset.s32 $0xFFFFF086  }
0x25: {  	[simem:s6], [sflag:s4] =	dma.local [hbm:s3], $0xF7A  }
0x26: {  	[smem:$0x3F9F] =	sst s1;
	(tag) =	ssettag s2;
	_ =	strace s9  }
0x27: {  	s1 =	sld [smem:$0x3FAF]  }
0x28: {  	s2 =	sld [smem:$0x3FB0]  }
0x29: {  	s4 =	sld [smem:$0x3FB2]  }
0x2a: {  	p0 =	seq.s32 s5, $0x0;
	s5 =	sld [smem:$0x3FB3]  }
0x2b: {  	s6 =	sld [smem:$0x3FB4]  }
0x2c: {  	s7 =	sld [smem:$0x3FB5]  }
0x2d: {  	s3 =	simm.s32 $0x108;
	s8 =	sld [smem:$0x3FB6]  }
0x2e: {  	s3 =	simm.s32 @!p0 $0x1082;
	s9 =	sld [smem:$0x3FB7]  }
0x2f: {  	lr =	sadd.s32 s0, s3;
	s0 =	sld [smem:$0x3FAE]  }
0x30: {  	s3 =	sld [smem:$0x3FB1]  }
0x31: {  	[smem:$0x3FBA] =	sst s10  }
0x32: {  	s10 =	sld [smem:$0x3FB8];
	_ =	sdelay $0x3  }
0x33: {  	p0 =	seq.s32 s10, $0x1;
	s10 =	sld [smem:$0x3FBA];
	_ =	sdelay $0x3  }
0x34: {  	[smem:$0x3FBA] =	sst s10  }
0x35: {  	s10 =	sld [smem:$0x3FB9];
	_ =	sdelay $0x3  }
0x36: {  	p1 =	seq.s32 s10, $0x1;
	s10 =	sld [smem:$0x3FBA];
	_ =	sdelay $0x3  }
0x37: {  	[smem:$0x3FBA] =	sst s10  }
0x38: {  	s10 =	sld [smem:$0x3FBB]  }
0x39: {  	_ = 	snop;
	(pc) =	sbr.ind lr, $3  }
0x3a: {  	_ = 	snop  }
0x3b: {  	_ = 	snop  }
0x3c: {  	p2 =	seq.s32 s10, $0x1;
	s10 =	sld [smem:$0x3FBA]  }
0x3d: {  	_ =	shalt  }
0x3e: {  	_ =	shalt  }
0x3f: {  	_ =	shalt  }
0x40: {  	_ =	shalt  }
0x41: {  	_ =	shalt  }
0x42: {  	_ =	shalt  }
0x43: {  	_ =	shalt  }
0x44: {  	_ =	shalt  }
0x45: {  	_ =	shalt  }
0x46: {  	_ =	shalt  }
0x47: {  	_ =	shalt  }
0x48: {  	_ =	shalt  }
0x49: {  	_ =	shalt  }
0x4a: {  	_ =	shalt  }
0x4b: {  	_ =	shalt  }
0x4c: {  	_ =	shalt  }
0x4d: {  	_ =	shalt  }
0x4e: {  	_ =	shalt  }
0x4f: {  	_ =	shalt  }
0x50: {  	_ =	shalt  }
0x51: {  	_ =	shalt  }
0x52: {  	_ =	shalt  }
0x53: {  	_ =	shalt  }
0x54: {  	_ =	shalt  }
0x55: {  	_ =	shalt  }
0x56: {  	_ =	shalt  }
0x57: {  	_ =	shalt  }
0x58: {  	_ =	shalt  }
0x59: {  	_ =	shalt  }
0x5a: {  	_ =	shalt  }
0x5b: {  	_ =	shalt  }
0x5c: {  	_ =	shalt  }
0x5d: {  	_ =	shalt  }
0x5e: {  	_ =	shalt  }
0x5f: {  	_ =	shalt  }
0x60: {  	_ =	shalt  }
0x61: {  	_ =	shalt  }
0x62: {  	_ =	shalt  }
0x63: {  	_ =	shalt  }
0x64: {  	_ =	shalt  }
0x65: {  	_ =	shalt  }
0x66: {  	_ =	shalt  }
0x67: {  	_ =	shalt  }
0x68: {  	_ =	shalt  }
0x69: {  	_ =	shalt  }
0x6a: {  	_ =	shalt  }
0x6b: {  	_ =	shalt  }
0x6c: {  	_ =	shalt  }
0x6d: {  	_ =	shalt  }
0x6e: {  	_ =	shalt  }
0x6f: {  	_ =	shalt  }
0x70: {  	_ =	shalt  }
0x71: {  	_ =	shalt  }
0x72: {  	_ =	shalt  }
0x73: {  	_ =	shalt  }
0x74: {  	_ =	shalt  }
0x75: {  	_ =	shalt  }
0x76: {  	_ =	shalt  }
0x77: {  	_ =	shalt  }
0x78: {  	_ =	shalt  }
0x79: {  	_ =	shalt  }
0x7a: {  	_ =	shalt  }
0x7b: {  	_ =	shalt  }
0x7c: {  	_ =	shalt  }
0x7d: {  	_ =	shalt  }
0x7e: {  	_ =	shalt  }
0x7f: {  	_ =	shalt  }
0x80: {  	_ =	shalt  }
0x81: {  	_ =	shalt  }
0x82: {  	_ =	shalt  }
0x83: {  	_ =	shalt  }
0x84: {  	_ =	shalt  }
0x85: {  	_ =	shalt  }
0x86: {  	_ =	shalt  }
0x87: {  	_ =	shalt  }
.Lfunc_end0:
.L_simem_size_0:
called_computation_lowered:
.L_overlay_start_0:
0x88: {  	s0 =	sld [smem:$0x3FD9]  }
0x89: {  	s1 =	sld [smem:$0x3FFE];
	_ =	sdelay $0x3  }
0x8a: {  	s0 =	sadd.s32 s1, s0  }
0x8b: {  	[smem:$0x3FC6] =	sst s0  }
0x8c: {  	_ = 	snop  }
0x8d: {  	(tm) =	ssettm $0x1  }
0x8e: {  	s15 =	sld [smem:$0x3FFB];
	_ =	sdelay $0x3  }
0x8f: {  	_ =	strace s15  }
0x90: {  	s0 =	sld [smem:$0x3FFC];
	_ =	sdelay $0x3  }
0x91: {  	_ =	strace s0  }
0x92: {  	s0 =	sld [smem:$0x3FFD];
	_ =	sdelay $0x3  }
0x93: {  	_ =	strace s0  }
0x94: {  	_ =	strace $0x8FFFFFFF  }
0x95: {  	s16 =	sld [smem:$0x3FDB];
	_ =	sdelay $0x1  }
0x96: {  	s17 =	simm.s32 $_scs_section_size  }
0x97: {  	s2 =	simm.s32 $_size__tile_overlayer_lowered;
	s3 =	simm.s32 $_tile_overlayer_lowered  }
0x98: {  	s20 =	simm.s32 $0x1BFF;
	s19 =	sshll.u32 s3, $0x1;
	s0 =	sadd.s32 s17, s16  }
0x99: {  	s4 =	simm.s32 $0x0;
	s18 =	sshll.u32 s2, $0x1;
	s2 =	sadd.s32 s19, s0  }
0x9a: {  	[timem:s4], [sflag:s20] =	dma.local [hbm:s2], s18  }
0x9b: {  	_ =	swait.ge [sflag:s20], s18  }
0x9c: {  	s1 =	ssub.s32 $0x0, s18;
	[sflag:s20] =	ssyncset.done $0x0  }
0x9d: {  	[sflag:s20] =	ssyncadd.s32 s1;
	_ =	sdelay $0x1  }
0x9e: {  	s21 =	simm.s32 $0x1B8B  }
0x9f: {  	_ =	swait.ge [sflag:s21], $0x1  }
0xa0: {  	[sflag:s21] =	ssyncset.done $0x0  }
0xa1: {  	s23 =	simm.s32 $0x1B8E;
	s22 =	sld [smem:$0x3FFE];
	[sflag:s21] =	ssyncadd.s32 $0xFFFFFFFF  }
0xa2: {  	s24 =	simm.s32 $execute0_lowered;
	[smem:$0x3FD2] =	sst s23  }
0xa3: {  	s2 =	sshll.u32 s24, $0x1;
	_ =	strace $0x80000046;
	[dreg:$0x1] =	wrdreg $0xFFFFFFFF  }
0xa4: {  	s25 =	simm.s32 $_size_execute0_lowered;
	s0 =	sadd.s32 s0, s2;
	[dreg:$0x0] =	wrdreg $0x0  }
0xa5: {  	s2 =	sshll.u32 s25, $0x1;
	[dreg:$0x2] =	wrdreg s0  }
0xa6: {  	[dreg:$0x3] =	wrdreg s2  }
0xa7: {  	[dreg:$0x4] =	wrdreg $0xC0  }
0xa8: {  	_ =	task [dreg:s4], $0x5FFFF  }
0xa9: {  	[dreg:$0x1] =	wrdreg $0xFFFFFFFF  }
0xaa: {  	[dreg:$0x0] =	wrdreg $0x60  }
0xab: {  	[dreg:$0x2] =	wrdreg s22  }
0xac: {  	[dreg:$0x3] =	wrdreg $0x1AC080  }
0xad: {  	[dreg:$0x4] =	wrdreg $0x57800  }
0xae: {  	[dreg:$0x5] =	wrdreg $0x101800  }
0xaf: {  	[dreg:$0x6] =	wrdreg $0xAC800  }
0xb0: {  	[dreg:$0x7] =	wrdreg $0x156800  }
0xb1: {  	[dreg:$0x8] =	wrdreg $0x2800  }
0xb2: {  	[dreg:$0x9] =	wrdreg $0x1BB880  }
0xb3: {  	[dreg:$0xa] =	wrdreg $0x1AB800  }
0xb4: {  	[dreg:$0xb] =	wrdreg $0x9  }
0xb5: {  	_ =	task.clear_ibuf [dreg:s4], $0xCFFFF;
	_ =	strace $0x90000046  }
0xb6: {  	s26 =	simm.s32 $0x9;
	_ =	strace $0x80000048  }
0xb7: {  	_ =	swait.ge [sflag:s26], $0x1  }
0xb8: {  	[sflag:s26] =	ssyncadd.s32 $0xFFFFFFFF  }
0xb9: {  	_ =	strace $0x90000048  }
0xba: {  	_ =	sfence  }
0xbb: {  	s28 =	sld [smem:$0x0];
	_ =	sdelay $0x1  }
0xbc: {  	s29 =	srdreg.scid  }
0xbd: {  	s30 =	sshll.u32 s29, $0xD;
	s31 =	sshrl.u32 s29, $0x2  }
0xbe: {  	s1 =	sand.u32 $0x1, s29;
	s2 =	sand.u32 $0x4000, s30;
	s0 =	sadd.s32 s31, s28  }
0xbf: {  	s1 =	sor.u32 s2, s1;
	s0 =	sshll.u32 s0, $0x11  }
0xc0: {  	s0 =	sor.u32 s0, s1  }
0xc1: {  	s0 =	sadd.s32 $0x8F2B, s0  }
0xc2: {  	[sflag:s0] =	ssyncadd.remote.s32 $0x1  }
0xc3: {  	_ =	sfence.sel $0xFFFF  }
0xc4: {  	[dreg:$0x0] =	wrdreg $0xFFFFFFFF;
	(pc) =	sbr.abs _section_cstart, $3  }
0xc5: {  	[dreg:$0x1] =	wrdreg $0xFFFFFFFF  }
0xc6: {  	_ =	task.clear_ibuf [dreg:s4], $0x2FFFF;
	_ =	strace $0x9FFFFFFF  }
0xc7: {  	(tm) =	ssettm $0x7FFFFFFF  }
tec
execute0_lowered:
.L_overlay_start_1:
0x0: {  	(tag) =	ssettag $0x1  }
0x1: {  	s1 =	rddreg [dreg:$0x0]  }
0x2: {  	s9 =	rddreg [dreg:$0x1]  }
0x3: {  	s6 =	rddreg [dreg:$0x2]  }
0x4: {  	s5 =	rddreg [dreg:$0x3]  }
0x5: {  	s4 =	rddreg [dreg:$0x4]  }
0x6: {  	s3 =	rddreg [dreg:$0x5]  }
0x7: {  	s2 =	rddreg [dreg:$0x6]  }
0x8: {  	s11 =	rddreg [dreg:$0x7];
	s12 =	stileid.u32  }
0x9: {  	s8 =	rddreg [dreg:$0x8];
	s7 =	smul.u32 $0x500, s12  }
0xa: {  	s0 =	rddreg [dreg:$0x9];
	s10 =	simm.s32 $0x0  }
0xb: {  	s14 =	simm.s32 $0x1DD98;
	[smem:$0x7FF] =	sst s10;
	s13 =	sshrl.u32 s7, $0x3  }
0xc: {  	s24 =	simm.s32 $0x1;
	_ =	strace $0x80000047;
	s13 =	sadd.s32 s1, s13  }
0xd: {  	[tilespmem:s14], [sflag:$0x1] =	stream.linear.gather [hbm4b:s13+s10], $0x500, $0x38;
	[tilespmem:$0x1F198] =	vst v63  }
0xe: {  	_ =	swait.ge [sflag:s24], $0x500  }
0xf: {  	[sflag:s24] =	ssyncset.done $0x0  }
0x10: {  	s16 =	simm.s32 $0x1E798;
	s15 =	sadd.s32 $0xA00, s13;
	[sflag:s24] =	ssyncadd.s32 $0xFFFFFB00  }
0x11: {  	[tilespmem:s16], [sflag:$0x1] =	stream.linear.gather [hbm4b:s15+s10], $0x500, $0x38;
	[tilespmem:$0x1F198] =	vst v63  }
0x12: {  	_ =	swait.ge [sflag:s24], $0x500  }
0x13: {  	[sflag:s24] =	ssyncset.done $0x0  }
0x14: {  	s26 =	simm.s32 $0x1E298;
	s25 =	sadd.s32 $0x1400, s13;
	[sflag:s24] =	ssyncadd.s32 $0xFFFFFB00  }
0x15: {  	[tilespmem:s26], [sflag:$0x1] =	stream.linear.gather [hbm4b:s25+s10], $0x500, $0x38;
	[tilespmem:$0x1F198] =	vst v63  }
0x16: {  	_ =	swait.ge [sflag:s24], $0x500  }
0x17: {  	[sflag:s24] =	ssyncset.done $0x0  }
0x18: {  	s29 =	simm.s32 $0x1EC98;
	s28 =	sadd.s32 $0x1E00, s13;
	[sflag:s24] =	ssyncadd.s32 $0xFFFFFB00  }
0x19: {  	[tilespmem:s29], [sflag:$0x1] =	stream.linear.gather [hbm4b:s28+s10], $0x500, $0x38;
	[tilespmem:$0x1F198] =	vst v63  }
0x1a: {  	_ =	swait.ge [sflag:s24], $0x500  }
0x1b: {  	[sflag:s24] =	ssyncset.done $0x0  }
0x1c: {  	s30 =	simm.s32 $0x1BD18;
	s13 =	sadd.s32 $0x2800, s13;
	[sflag:s24] =	ssyncadd.s32 $0xFFFFFB00  }
0x1d: {  	[tilespmem:s30], [sflag:$0x1] =	stream.linear.gather [hbm4b:s13+s10], $0x500, $0x38;
	[tilespmem:$0x1F198] =	vst v63  }
0x1e: {  	_ =	swait.ge [sflag:s24], $0x500  }
0x1f: {  	[sflag:s24] =	ssyncset.done $0x0  }
0x20: {  	v0 =	vimm.f32 $0.0e+00;
	[sflag:s24] =	ssyncadd.s32 $0xFFFFFB00  }
0x21: {  	[tilespmem:$0x1AC88] =	vst v0  }
0x22: {  	[tilespmem:$0x1AC98] =	vst v0  }
0x23: {  	[tilespmem:$0x1ACA8] =	vst v0  }
0x24: {  	[tilespmem:$0x1ACB8] =	vst v0  }
0x25: {  	[tilespmem:$0x1ACC8] =	vst v0  }
0x26: {  	[tilespmem:$0x1ACD8] =	vst v0  }
0x27: {  	[tilespmem:$0x1ACE8] =	vst v0  }
0x28: {  	s31 =	simm.s32 $0x1BD38;
	[tilespmem:$0x1ACF8] =	vst v0  }
0x29: {  	v0 =	vld [tilespmem:s31+$0x10]  }
0x2a: {  	v1 =	vld [tilespmem:s31+$0xFFFFFFF0]  }
0x2b: {  	v2 =	vld [tilespmem:s31+$0x0]  }
0x2c: {  	s10 =	simm.s32 $0x1BD78;
	v3 =	vld [tilespmem:s31+$0xFFFFFFE0]  }
0x2d: {  	v9 =	vld [tilespmem:s10+$0x10]  }
0x2e: {  	v12 =	vld [tilespmem:s10+$0xFFFFFFE0];
	_ =	sdelay $0x2  }
0x2f: {  	vm0 =	vgt.f32 v0, $5.000000070e-02  }
0x30: {  	vm1 =	vgt.f32 v1, $5.000000070e-02;
	vm3 =	vgt.f32 v2, $5.000000070e-02;
	vm5 =	vgt.f32 v3, $5.000000070e-02  }
0x31: {  	vm6 =	vgt.f32 v9, $5.000000070e-02;
	vm7 =	vgt.f32 v12, $5.000000070e-02;
	v4 =	vnsel vm0, $0xFF800000, v0  }
0x32: {  	v1 =	vnsel vm1, $0xFF800000, v1;
	v2 =	vnsel vm3, $0xFF800000, v2;
	v0 =	vmul.f32 $1.280000000e+02, v4  }
0x33: {  	v3 =	vnsel vm5, $0xFF800000, v3;
	vm2 =	vmmov vm0;
	v5 =	vmul.f32 $1.280000000e+02, v1  }
0x34: {  	vm4 =	vmmov vm3;
	v6 =	vmul.f32 $1.280000000e+02, v2;
	v7 =	vtrunc.f32 v0  }
0x35: {  	vm5 =	vmmov vm5;
	v8 =	vmul.f32 $1.280000000e+02, v3;
	v7 =	vcvt.f32.s32 v7  }
0x36: {  	v10 =	vld [tilespmem:s10+$0xFFFFFFF0];
	vm1 =	vmmov vm1;
	v5 =	vtrunc.f32 v5;
	v6 =	vtrunc.f32 v6  }
0x37: {  	v8 =	vtrunc.f32 v8;
	v5 =	vcvt.f32.s32 v5;
	vm0 =	vgt.s32 v7, $0x0  }
0x38: {  	v11 =	vld [tilespmem:s10+$0x0];
	v8 =	vcvt.f32.s32 v8;
	v6 =	vcvt.f32.s32 v6;
	v7 =	vnsel vm0, $0x0, v7  }
0x39: {  	[tilespmem:s31+$0xFFFFFFE0] =	vst v3;
	v3 =	vnsel vm6, $0xFF800000, v9;
	vm0 =	vgt.s32 v5, $0x0;
	v7 =	vmin.u32 v7, $0x7F  }
0x3a: {  	[tilespmem:s31+$0xFFFFFFF0] =	vst v1;
	vm3 =	vgt.s32 v8, $0x0;
	v1 =	vnsel vm0, $0x0, v5;
	vm0 =	vgt.s32 v6, $0x0  }
0x3b: {  	[tilespmem:s31+$0x0] =	vst v2;
	v2 =	vnsel vm3, $0x0, v8;
	v5 =	vnsel vm0, $0x0, v6;
	vm0 =	vgt.f32 v10, $5.000000070e-02  }
0x3c: {  	[tilespmem:s31+$0x10] =	vst v4;
	v0 =	vimm.f32 $1.000000000e+00;
	v8 =	vmin.u32 v2, $0x7F;
	v4 =	vnsel vm0, $0xFF800000, v10  }
0x3d: {  	s13 =	simm.s32 $0x1AC88;
	vm3 =	vgt.f32 v11, $5.000000070e-02;
	v2 =	vmin.u32 v5, $0x7F;
	v5 =	vmul.f32 $1.280000000e+02, v3;
	[tilespmem:s10+$0xFFFFFFF0] =	vst v4  }
0x3e: {  	v1 =	vmin.u32 v1, $0x7F;
	[tilespmem:v7+s13+$0x0] =	vst.idx.add.f32.msk vm2, v0;
	v7 =	vmul.f32 $1.280000000e+02, v4;
	v4 =	vnsel vm3, $0xFF800000, v11  }
0x3f: {  	v6 =	vnsel vm7, $0xFF800000, v12;
	[tilespmem:s10+$0x0] =	vst v4;
	v63 =	vmul.f32 $1.280000000e+02, v4;
	v4 =	vtrunc.f32 v5  }
0x40: {  	[tilespmem:s10+$0xFFFFFFE0] =	vst v6;
	v6 =	vmul.f32 $1.280000000e+02, v6;
	vm2 =	vmmov vm6;
	v4 =	vcvt.f32.s32 v4  }
0x41: {  	s1 =	sadd.s32 $0x3200, s1;
	s14 =	simm.s32 $0x4;
	s15 =	simm.s32 $0x1BDB8;
	[tilespmem:v8+s13+$0x0] =	vst.idx.add.f32.msk vm5, v0;
	vm5 =	vmmov vm4;
	v7 =	vtrunc.f32 v7;
	v5 =	vtrunc.f32 v63  }
.LBB2_1:
0x42: {  	v6 =	vtrunc.f32 v6;
	v7 =	vcvt.f32.s32 v7  }
0x43: {  	v8 =	vld [tilespmem:s15+$0x10];
	s14 =	sadd.s32 $0x4, s14;
	vm8 =	vgt.s32 v4, $0x0;
	vm4 =	vmmov vm3;
	vm6 =	vmmov vm7  }
0x44: {  	v5 =	vcvt.f32.s32 v5;
	v9 =	vld [tilespmem:s15+$0xFFFFFFF0];
	p0 =	slt.u32 s14, $0x4C;
	v6 =	vcvt.f32.s32 v6;
	v4 =	vnsel vm8, $0x0, v4  }
0x45: {  	v10 =	vld [tilespmem:s15+$0x0];
	vm3 =	vgt.s32 v7, $0x0;
	v4 =	vmin.u32 v4, $0x7F  }
0x46: {  	v11 =	vld [tilespmem:s15+$0xFFFFFFE0];
	vm7 =	vgt.s32 v6, $0x0;
	v7 =	vnsel vm3, $0x0, v7;
	vm3 =	vgt.s32 v5, $0x0  }
0x47: {  	v6 =	vnsel vm7, $0x0, v6;
	v5 =	vnsel vm3, $0x0, v5;
	[tilespmem:v1+s13+$0x0] =	vst.idx.add.f32.msk vm1, v0;
	v1 =	vmin.u32 v7, $0x7F  }
0x48: {  	vm8 =	vgt.f32 v8, $5.000000070e-02;
	v12 =	vmin.u32 v6, $0x7F;
	[tilespmem:v2+s13+$0x0] =	vst.idx.add.f32.msk vm5, v0;
	v2 =	vmin.u32 v5, $0x7F  }
0x49: {  	vm1 =	vmmov vm0;
	[tilespmem:s10+$0x10] =	vst v3;
	v3 =	vnsel vm8, $0xFF800000, v8;
	vm0 =	vgt.f32 v9, $5.000000070e-02;
	s10 =	smov.u32 s15  }
.Ltmp0:
0x4a: {  	v5 =	vnsel vm0, $0xFF800000, v9;
	vm3 =	vgt.f32 v10, $5.000000070e-02;
	v6 =	vmul.f32 $1.280000000e+02, v3;
	[tilespmem:v4+s13+$0x0] =	vst.idx.add.f32.msk vm2, v0;
	(pc) =	sbr.rel @p0 .LBB2_1-.Ltmp0, $4  }
0x4b: {  	vm7 =	vgt.f32 v11, $5.000000070e-02;
	[tilespmem:s15+$0xFFFFFFF0] =	vst v5;
	v5 =	vmul.f32 $1.280000000e+02, v5;
	v4 =	vnsel vm3, $0xFF800000, v10  }
0x4c: {  	v7 =	vnsel vm7, $0xFF800000, v11;
	[tilespmem:s15+$0x0] =	vst v4;
	v8 =	vmul.f32 $1.280000000e+02, v4;
	v4 =	vtrunc.f32 v6  }
0x4d: {  	vm2 =	vmmov vm8;
	[tilespmem:s15+$0xFFFFFFE0] =	vst v7;
	v6 =	vmul.f32 $1.280000000e+02, v7;
	v4 =	vcvt.f32.s32 v4  }
0x4e: {  	vm5 =	vmmov vm4;
	v7 =	vtrunc.f32 v5;
	s15 =	sadd.s32 $0x40, s15;
	v5 =	vtrunc.f32 v8;
	[tilespmem:v12+s13+$0x0] =	vst.idx.add.f32.msk vm6, v0  }
0x4f: {  	v6 =	vtrunc.f32 v6;
	v7 =	vcvt.f32.s32 v7;
	vm4 =	vgt.s32 v4, $0x0  }
0x50: {  	vm3 =	vmmov vm3;
	v5 =	vcvt.f32.s32 v5;
	vm0 =	vmmov vm0  }
0x51: {  	v6 =	vcvt.f32.s32 v6;
	v4 =	vnsel vm4, $0x0, v4;
	vm12 =	vgt.s32 v7, $0x0  }
0x52: {  	v4 =	vmin.u32 v4, $0x7F;
	vm14 =	vgt.s32 v5, $0x0;
	v7 =	vnsel vm12, $0x0, v7  }
0x53: {  	vm13 =	vgt.s32 v6, $0x0;
	v5 =	vnsel vm14, $0x0, v5;
	v7 =	vmin.u32 v7, $0x7F  }
0x54: {  	vm6 =	vmmov vm7;
	[tilespmem:v1+s13+$0x0] =	vst.idx.add.f32.msk vm1, v0;
	v6 =	vnsel vm13, $0x0, v6;
	v1 =	vmin.u32 v5, $0x7F  }
0x55: {  	[tilespmem:v2+s13+$0x0] =	vst.idx.add.f32.msk vm5, v0;
	v6 =	vmin.u32 v6, $0x7F  }
0x56: {  	[tilespmem:s10+$0x10] =	vst v3  }
0x57: {  	[tilespmem:v4+s13+$0x0] =	vst.idx.add.f32.msk vm2, v0  }
0x58: {  	[tilespmem:v7+s13+$0x0] =	vst.idx.add.f32.msk vm0, v0  }
0x59: {  	s26 =	sshll.u32 s12, $0x7;
	[tilespmem:v1+s13+$0x0] =	vst.idx.add.f32.msk vm3, v0  }
0x5a: {  	s28 =	simm.s32 $0x1AC88;
	s29 =	simm.s32 $0x1;
	s10 =	sadd.s32 s26, s9;
	[tilespmem:v6+s13+$0x0] =	vst.idx.add.f32.msk vm6, v0  }
0x5b: {  	[spmem:s10] =	stream.linear.scatter [tilespmem:s28], [sflag:$0x1], $0x80, $0x38;
	[tilespmem:$0x1F198] =	vst v63  }
0x5c: {  	_ =	swait.ge [sflag:s29], $0x80  }
0x5d: {  	[sflag:s29] =	ssyncset.done $0x0  }
0x5e: {  	[sflag:s29] =	ssyncadd.s32 $0xFFFFFF80  }
0x5f: {  	s30 =	simm.s32 $0x1AD08;
	[bflag:$0x0] =	sbarrier.arrive $0xFFFF  }
0x60: {  	[tilespmem:s30], [sflag:$0x1] =	stream.linear.gather [spmem:s9], $0x800, $0x38;
	[tilespmem:$0x1F198] =	vst v63  }
0x61: {  	_ =	swait.ge [sflag:s29], $0x800  }
0x62: {  	[sflag:s29] =	ssyncset.done $0x0  }
0x63: {  	s31 =	simm.s32 $0x0;
	[sflag:s29] =	ssyncadd.s32 $0xFFFFF800  }
0x64: {  	v0 =	vld [tilespmem:s31+$0x1AD78]  }
0x65: {  	v1 =	vld [tilespmem:s31+$0x1AD08]  }
0x66: {  	v2 =	vld [tilespmem:s31+$0x1AD18]  }
0x67: {  	v5 =	vld [tilespmem:s31+$0x1AD28]  }
0x68: {  	v7 =	vld [tilespmem:s31+$0x1AD38]  }
0x69: {  	v9 =	vimm.f32 $0.0e+00;
	v10 =	vimm.f32 $0.0e+00;
	v4 =	vimm.f32 $0.0e+00;
	v8 =	vld [tilespmem:s31+$0x1AD48]  }
0x6a: {  	v12 =	vimm.f32 $0.0e+00;
	vm15 =	vmmov vm3;
	v11 =	vld [tilespmem:s31+$0x1AD58];
	v3 =	vadd.f32 v0, v4  }
0x6b: {  	v6 =	vimm.f32 $0.0e+00;
	s10 =	simm.s32 $0x400;
	s9 =	simm.s32 $0x80;
	v13 =	vld [tilespmem:s31+$0x1AD68];
	v0 =	vadd.f32 v1, v4;
	v1 =	vadd.f32 v2, v4  }
.LBB2_3:
0x6c: {  	p0 =	sne.s32 s10, $0x1E00;
	v2 =	vld [tilespmem:s9+$0x1AD78];
	v4 =	vadd.f32 v5, v4  }
0x6d: {  	v14 =	vld [tilespmem:s9+$0x1AD08];
	v6 =	vadd.f32 v7, v6  }
0x6e: {  	v15 =	vld [tilespmem:s9+$0x1AD18];
	v9 =	vadd.f32 v8, v9  }
.Ltmp1:
0x6f: {  	v5 =	vld [tilespmem:s9+$0x1AD28];
	v10 =	vadd.f32 v11, v10;
	(pc) =	sbr.rel @p0 .LBB2_3-.Ltmp1, $4  }
0x70: {  	v7 =	vld [tilespmem:s9+$0x1AD38];
	v12 =	vadd.f32 v13, v12  }
0x71: {  	v8 =	vld [tilespmem:s9+$0x1AD48];
	v3 =	vadd.f32 v2, v3  }
0x72: {  	v0 =	vadd.f32 v14, v0;
	v11 =	vld [tilespmem:s9+$0x1AD58]  }
0x73: {  	v1 =	vadd.f32 v15, v1;
	v13 =	vld [tilespmem:s9+$0x1AD68];
	s9 =	sshra.s32 s10, $0x2;
	s10 =	sadd.s32 $0x200, s10  }
0x74: {  	v14 =	vld [tilespmem:s9+$0x1AD78];
	_ =	sdelay $0x2  }
0x75: {  	v2 =	vlaneseq.u32  }
0x76: {  	v15 =	vmul.u32 $0xFFFFFFFF, v2  }
0x77: {  	v14 =	vadd.f32 v14, v3  }
0x78: {  	v3 =	vadd.s32 $0xF, v15  }
0x79: {  	v15 =	vperm.xlane v14, v3;
	_ =	sdelay $0x1  }
0x7a: {  	(xrf2) =	vadd.scan.msk.f32 $0xffff, v15;
	_ =	sdelay $0x9  }
0x7b: {  	v15, _, _ =	vpop (xrf2)  }
0x7c: {  	v15 =	vperm.xlane v15, v3  }
0x7d: {  	(xrf2) =	vadd.scan.msk.f32 $0xffff, v14  }
0x7e: {  	v33 =	vor.u32 $0x80000070, v2;
	vm0 =	vge.f32 v15, $1.920000000e+02  }
0x7f: {  	v14 =	vnsel vm0, $0x7FFFFFFF, v33  }
0x80: {  	(xrf0) =	vmax.scan.msk.u32 $0xffff, v14;
	_ =	sdelay $0x3  }
0x81: {  	v34 =	vld [tilespmem:s9+$0x1AD68];
	_ =	sdelay $0x1  }
0x82: {  	v35, _, _ =	vpop (xrf0)  }
0x83: {  	v12 =	vadd.f32 v13, v12;
	v36, _, _ =	vpop (xrf2);
	(v2sf) =	vpush v35, $0xF  }
0x84: {  	(v2sf) =	vpush v36, $0xF  }
0x85: {  	v12 =	vadd.f32 v34, v12;
	_ =	sdelay $0x1  }
0x86: {  	v37 =	vperm.xlane v12, v3;
	_ =	sdelay $0x1  }
0x87: {  	(xrf2) =	vadd.scan.msk.f32 $0xffff, v37;
	_ =	sdelay $0x8  }
0x88: {  	s10 =	spop (v2sf)  }
0x89: {  	v13, _, _ =	vpop (xrf2);
	s13 =	spop (v2sf)  }
0x8a: {  	v13 =	vperm.xlane v13, v3;
	s14 =	sadd.f32 $0.0e+00, s13;
	_ =	sdelay $0x1  }
0x8b: {  	v13 =	vadd.f32 s14, v13  }
0x8c: {  	(xrf2) =	vadd.scan.msk.f32 $0xffff, v12  }
0x8d: {  	v38 =	vor.u32 $0x80000060, v2;
	vm8 =	vge.f32 v13, $1.920000000e+02  }
0x8e: {  	v12 =	vnsel vm8, $0x7FFFFFFF, v38  }
0x8f: {  	(xrf0) =	vmax.scan.msk.u32 $0xffff, v12;
	_ =	sdelay $0x3  }
0x90: {  	v39 =	vld [tilespmem:s9+$0x1AD58];
	_ =	sdelay $0x1  }
0x91: {  	v40, _, _ =	vpop (xrf0)  }
0x92: {  	v10 =	vadd.f32 v11, v10;
	v41, _, _ =	vpop (xrf2);
	(v2sf) =	vpush v40, $0xF  }
0x93: {  	(v2sf) =	vpush v41, $0xF  }
0x94: {  	v10 =	vadd.f32 v39, v10;
	_ =	sdelay $0x1  }
0x95: {  	v42 =	vperm.xlane v10, v3;
	_ =	sdelay $0x1  }
0x96: {  	(xrf2) =	vadd.scan.msk.f32 $0xffff, v42;
	_ =	sdelay $0x8  }
0x97: {  	s22 =	spop (v2sf)  }
0x98: {  	v11, _, _ =	vpop (xrf2);
	s15 =	spop (v2sf)  }
0x99: {  	v11 =	vperm.xlane v11, v3;
	s15 =	sadd.f32 s14, s15;
	_ =	sdelay $0x1  }
0x9a: {  	v11 =	vadd.f32 s15, v11  }
0x9b: {  	(xrf2) =	vadd.scan.msk.f32 $0xffff, v10  }
0x9c: {  	v43 =	vor.u32 $0x80000050, v2;
	vm9 =	vge.f32 v11, $1.920000000e+02  }
0x9d: {  	v10 =	vnsel vm9, $0x7FFFFFFF, v43  }
0x9e: {  	(xrf0) =	vmax.scan.msk.u32 $0xffff, v10;
	_ =	sdelay $0x3  }
0x9f: {  	v44 =	vld [tilespmem:s9+$0x1AD48];
	_ =	sdelay $0x1  }
0xa0: {  	v45, _, _ =	vpop (xrf0)  }
0xa1: {  	v8 =	vadd.f32 v8, v9;
	v46, _, _ =	vpop (xrf2);
	(v2sf) =	vpush v45, $0xF  }
0xa2: {  	(v2sf) =	vpush v46, $0xF  }
0xa3: {  	v8 =	vadd.f32 v44, v8;
	_ =	sdelay $0x1  }
0xa4: {  	v47 =	vperm.xlane v8, v3;
	_ =	sdelay $0x1  }
0xa5: {  	(xrf2) =	vadd.scan.msk.f32 $0xffff, v47;
	_ =	sdelay $0x8  }
0xa6: {  	s23 =	spop (v2sf)  }
0xa7: {  	v9, _, _ =	vpop (xrf2);
	s16 =	spop (v2sf)  }
0xa8: {  	v9 =	vperm.xlane v9, v3;
	s16 =	sadd.f32 s15, s16;
	_ =	sdelay $0x1  }
0xa9: {  	v9 =	vadd.f32 s16, v9  }
0xaa: {  	(xrf2) =	vadd.scan.msk.f32 $0xffff, v8  }
0xab: {  	v48 =	vor.u32 $0x80000040, v2;
	vm10 =	vge.f32 v9, $1.920000000e+02  }
0xac: {  	v8 =	vnsel vm10, $0x7FFFFFFF, v48  }
0xad: {  	(xrf0) =	vmax.scan.msk.u32 $0xffff, v8;
	_ =	sdelay $0x3  }
0xae: {  	v49 =	vld [tilespmem:s9+$0x1AD38];
	_ =	sdelay $0x1  }
0xaf: {  	v50, _, _ =	vpop (xrf0)  }
0xb0: {  	v6 =	vadd.f32 v7, v6;
	v51, _, _ =	vpop (xrf2);
	(v2sf) =	vpush v50, $0xF  }
0xb1: {  	(v2sf) =	vpush v51, $0xF  }
0xb2: {  	v6 =	vadd.f32 v49, v6;
	_ =	sdelay $0x1  }
0xb3: {  	v52 =	vperm.xlane v6, v3;
	_ =	sdelay $0x1  }
0xb4: {  	(xrf2) =	vadd.scan.msk.f32 $0xffff, v52;
	_ =	sdelay $0x8  }
0xb5: {  	s24 =	spop (v2sf)  }
0xb6: {  	v7, _, _ =	vpop (xrf2);
	s17 =	spop (v2sf)  }
0xb7: {  	v7 =	vperm.xlane v7, v3;
	s16 =	sadd.f32 s16, s17;
	_ =	sdelay $0x1  }
0xb8: {  	v7 =	vadd.f32 s16, v7  }
0xb9: {  	(xrf2) =	vadd.scan.msk.f32 $0xffff, v6  }
0xba: {  	v53 =	vor.u32 $0x80000030, v2;
	vm11 =	vge.f32 v7, $1.920000000e+02  }
0xbb: {  	v6 =	vnsel vm11, $0x7FFFFFFF, v53  }
0xbc: {  	(xrf0) =	vmax.scan.msk.u32 $0xffff, v6;
	_ =	sdelay $0x3  }
0xbd: {  	v54 =	vld [tilespmem:s9+$0x1AD28];
	_ =	sdelay $0x1  }
0xbe: {  	v55, _, _ =	vpop (xrf0)  }
0xbf: {  	v4 =	vadd.f32 v5, v4;
	v56, _, _ =	vpop (xrf2);
	(v2sf) =	vpush v55, $0xF  }
0xc0: {  	(v2sf) =	vpush v56, $0xF  }
0xc1: {  	v4 =	vadd.f32 v54, v4;
	_ =	sdelay $0x1  }
0xc2: {  	v57 =	vperm.xlane v4, v3;
	_ =	sdelay $0x1  }
0xc3: {  	(xrf2) =	vadd.scan.msk.f32 $0xffff, v57;
	_ =	sdelay $0x8  }
0xc4: {  	s25 =	spop (v2sf)  }
0xc5: {  	v5, _, _ =	vpop (xrf2);
	s18 =	spop (v2sf)  }
0xc6: {  	v5 =	vperm.xlane v5, v3;
	s16 =	sadd.f32 s16, s18;
	_ =	sdelay $0x1  }
0xc7: {  	v5 =	vadd.f32 s16, v5  }
0xc8: {  	(xrf2) =	vadd.scan.msk.f32 $0xffff, v4  }
0xc9: {  	v58 =	vor.u32 $0x80000020, v2;
	vm12 =	vge.f32 v5, $1.920000000e+02  }
0xca: {  	v4 =	vnsel vm12, $0x7FFFFFFF, v58  }
0xcb: {  	(xrf0) =	vmax.scan.msk.u32 $0xffff, v4;
	_ =	sdelay $0x3  }
0xcc: {  	v59 =	vld [tilespmem:s9+$0x1AD18];
	_ =	sdelay $0x1  }
0xcd: {  	v60, _, _ =	vpop (xrf0)  }
0xce: {  	v61, _, _ =	vpop (xrf2);
	(v2sf) =	vpush v60, $0xF  }
0xcf: {  	(v2sf) =	vpush v61, $0xF  }
0xd0: {  	v1 =	vadd.f32 v59, v1;
	_ =	sdelay $0x1  }
0xd1: {  	v4 =	vperm.xlane v1, v3;
	_ =	sdelay $0x1  }
0xd2: {  	(xrf2) =	vadd.scan.msk.f32 $0xffff, v4;
	_ =	sdelay $0x8  }
0xd3: {  	s26 =	spop (v2sf)  }
0xd4: {  	v4, _, _ =	vpop (xrf2);
	s19 =	spop (v2sf)  }
0xd5: {  	v4 =	vperm.xlane v4, v3;
	s16 =	sadd.f32 s16, s19;
	_ =	sdelay $0x1  }
0xd6: {  	v4 =	vadd.f32 s16, v4  }
0xd7: {  	(xrf2) =	vadd.scan.msk.f32 $0xffff, v1  }
0xd8: {  	v1 =	vor.u32 $0x80000010, v2;
	vm13 =	vge.f32 v4, $1.920000000e+02  }
0xd9: {  	v1 =	vnsel vm13, $0x7FFFFFFF, v1  }
0xda: {  	(xrf0) =	vmax.scan.msk.u32 $0xffff, v1;
	_ =	sdelay $0x3  }
0xdb: {  	v1 =	vld [tilespmem:s9+$0x1AD08];
	_ =	sdelay $0x1  }
0xdc: {  	v62, _, _ =	vpop (xrf0)  }
0xdd: {  	v63, _, _ =	vpop (xrf2);
	(v2sf) =	vpush v62, $0xF  }
0xde: {  	(v2sf) =	vpush v63, $0xF  }
0xdf: {  	v0 =	vadd.f32 v1, v0;
	_ =	sdelay $0x1  }
0xe0: {  	v0 =	vperm.xlane v0, v3;
	_ =	sdelay $0x1  }
0xe1: {  	(xrf2) =	vadd.scan.msk.f32 $0xffff, v0;
	_ =	sdelay $0x8  }
0xe2: {  	s28 =	spop (v2sf)  }
0xe3: {  	v0, _, _ =	vpop (xrf2);
	s29 =	spop (v2sf)  }
0xe4: {  	v0 =	vperm.xlane v0, v3;
	s16 =	sadd.f32 s16, s29;
	_ =	sdelay $0x1  }
0xe5: {  	v0 =	vadd.f32 s16, v0;
	_ =	sdelay $0x1  }
0xe6: {  	vm14 =	vge.f32 v0, $1.920000000e+02;
	v0 =	vor.u32 $0x80000000, v2  }
0xe7: {  	v0 =	vnsel vm14, $0x7FFFFFFF, v0  }
0xe8: {  	(xrf0) =	vmax.scan.msk.u32 $0xffff, v0;
	_ =	sdelay $0x5  }
0xe9: {  	v0, _, _ =	vpop (xrf0)  }
0xea: {  	(v2sf) =	vpush v0, $0xF;
	_ =	sdelay $0x3  }
0xeb: {  	s10 =	sxor.u32 $0x80000000, s10;
	s13 =	sxor.u32 $0x80000000, s22  }
0xec: {  	p0 =	sgt.s32 s10, s13  }
0xed: {  	s13 =	smov.u32 @p0 s10;
	s10 =	sxor.u32 $0x80000000, s23  }
0xee: {  	p0 =	sgt.s32 s13, s10  }
0xef: {  	s10 =	smov.u32 @p0 s13;
	s13 =	sxor.u32 $0x80000000, s24  }
0xf0: {  	p0 =	sgt.s32 s10, s13  }
0xf1: {  	s13 =	smov.u32 @p0 s10;
	s10 =	sxor.u32 $0x80000000, s25  }
0xf2: {  	p0 =	sgt.s32 s13, s10  }
0xf3: {  	s10 =	smov.u32 @p0 s13;
	s13 =	sxor.u32 $0x80000000, s26  }
0xf4: {  	p0 =	sgt.s32 s10, s13  }
0xf5: {  	s13 =	smov.u32 @p0 s10;
	s10 =	sxor.u32 $0x80000000, s28  }
0xf6: {  	p0 =	sgt.s32 s13, s10;
	s30 =	spop (v2sf)  }
0xf7: {  	s10 =	smov.u32 @p0 s13;
	s9 =	sxor.u32 $0x80000000, s30  }
0xf8: {  	v0 =	vimm.f32 $-Inf;
	p0 =	sgt.s32 s10, s9  }
0xf9: {  	[tilespmem:$0x1C218] =	vst v0;
	s9 =	smov.u32 @p0 s10  }
0xfa: {  	[tilespmem:$0x1C228] =	vst v0;
	s10 =	sshra.s32 s9, $0x1F  }
0xfb: {  	s31 =	simm.s32 $0x0;
	[tilespmem:$0x1C238] =	vst v0;
	s10 =	sor.u32 s10, s9  }
0xfc: {  	v1 =	vld [tilespmem:s31+$0x1BD18];
	s10 =	scvt.s32.f32 s10;
	_ =	sdelay $0x1  }
0xfd: {  	s10 =	smul.f32 $7.812500000e-03, s10;
	_ =	sdelay $0x1  }
0xfe: {  	v0 =	vmov s10  }
0xff: {  	s10 =	simm.s32 $0x0;
	vm15 =	vgt.f32 v1, v0  }
0x100: {  	[tilespmem:s10+$0x1C218] =	vst.msk vm15, v1;
	v2 =	vmpcnt.ones.xlane vm15  }
0x101: {  	v1 =	vld [tilespmem:s31+$0x1DD98]  }
0x102: {  	v2 =	vxor.u32 $0x80000000, v2  }
0x103: {  	(xrf0) =	vmax.scan.msk.u32 $0xffff, v2;
	_ =	sdelay $0x2  }
0x104: {  	[tilespmem:s10+$0x1C798] =	vst.msk vm15, v1  }
0x105: {  	v1 =	vld [tilespmem:s31+$0x1E798];
	_ =	sdelay $0x1  }
0x106: {  	v2, _, _ =	vpop (xrf0)  }
0x107: {  	(v2sf) =	vpush v2, $0xF;
	_ =	sdelay $0x1  }
0x108: {  	[tilespmem:s10+$0x1D298] =	vst.msk vm15, v1  }
0x109: {  	v1 =	vld [tilespmem:s31+$0x1E298];
	_ =	sdelay $0x4  }
0x10a: {  	[tilespmem:s10+$0x1CD18] =	vst.msk vm15, v1  }
0x10b: {  	v1 =	vld [tilespmem:s31+$0x1EC98];
	_ =	sdelay $0x4  }
0x10c: {  	s14 =	simm.s32 $0x80;
	s13 =	simm.s32 $0x10;
	[tilespmem:s10+$0x1D818] =	vst.msk vm15, v1  }
.LBB2_5:
0x10d: {  	p0 =	sne.s32 s14, $0x13C0;
	v1 =	vld [tilespmem:s13+$0x1BD18];
	s15 =	spop (v2sf)  }
0x10e: {  	s10 =	sadd.s32 s15, s10  }
0x10f: {  	s10 =	sadd.s32 $0x80000000, s10;
	_ =	sdelay $0x2  }
0x110: {  	vm0 =	vgt.f32 v1, v0  }
0x111: {  	[tilespmem:s10+$0x1C218] =	vst.msk vm0, v1;
	v1 =	vmpcnt.ones.xlane vm0  }
0x112: {  	v2 =	vld [tilespmem:s13+$0x1DD98]  }
0x113: {  	v1 =	vxor.u32 $0x80000000, v1  }
0x114: {  	(xrf0) =	vmax.scan.msk.u32 $0xffff, v1;
	_ =	sdelay $0x2  }
0x115: {  	[tilespmem:s10+$0x1C798] =	vst.msk vm0, v2  }
0x116: {  	v1 =	vld [tilespmem:s13+$0x1E798];
	_ =	sdelay $0x1  }
0x117: {  	v2, _, _ =	vpop (xrf0)  }
0x118: {  	(v2sf) =	vpush v2, $0xF;
	_ =	sdelay $0x1  }
0x119: {  	[tilespmem:s10+$0x1D298] =	vst.msk vm0, v1  }
0x11a: {  	v1 =	vld [tilespmem:s13+$0x1E298];
	_ =	sdelay $0x4  }
0x11b: {  	[tilespmem:s10+$0x1CD18] =	vst.msk vm0, v1  }
0x11c: {  	v1 =	vld [tilespmem:s13+$0x1EC98]  }
.Ltmp2:
0x11d: {  	(pc) =	sbr.rel @p0 .LBB2_5-.Ltmp2, $2  }
0x11e: {  	_ =	sdelay $0x2  }
0x11f: {  	s13 =	sshra.s32 s14, $0x2;
	s14 =	sadd.s32 $0x40, s14;
	[tilespmem:s10+$0x1D818] =	vst.msk vm0, v1  }
0x120: {  	v1 =	vld [tilespmem:s13+$0x1BD18];
	_ =	sdelay $0x2  }
0x121: {  	s14 =	spop (v2sf)  }
0x122: {  	s10 =	sadd.s32 s14, s10  }
0x123: {  	s14 =	sadd.s32 $0x80000000, s10;
	vm0 =	vgt.f32 v1, v0  }
0x124: {  	[tilespmem:s14+$0x1C218] =	vst.msk vm0, v1  }
0x125: {  	v1 =	vmpcnt.ones.xlane vm0;
	v2 =	vld [tilespmem:s13+$0x1DD98];
	_ =	sdelay $0x1  }
0x126: {  	v1 =	vxor.u32 $0x80000000, v1  }
0x127: {  	(xrf0) =	vmax.scan.msk.u32 $0xffff, v1;
	_ =	sdelay $0x1  }
0x128: {  	[tilespmem:s14+$0x1C798] =	vst.msk vm0, v2  }
0x129: {  	v1 =	vld [tilespmem:s13+$0x1E798];
	_ =	sdelay $0x2  }
0x12a: {  	v2, _, _ =	vpop (xrf0)  }
0x12b: {  	(v2sf) =	vpush v2, $0xF  }
0x12c: {  	[tilespmem:s14+$0x1D298] =	vst.msk vm0, v1  }
0x12d: {  	v1 =	vld [tilespmem:s13+$0x1E298];
	_ =	sdelay $0x4  }
0x12e: {  	[tilespmem:s14+$0x1CD18] =	vst.msk vm0, v1  }
0x12f: {  	v1 =	vld [tilespmem:s13+$0x1EC98];
	_ =	sdelay $0x3  }
0x130: {  	s20 =	sshll.u32 s12, $0x5  }
0x131: {  	s15 =	simm.s32 $0x1C798;
	s21 =	sadd.s32 s20, s6;
	[tilespmem:s14+$0x1D818] =	vst.msk vm0, v1  }
0x132: {  	[spmem:s21] =	stream.linear.scatter [tilespmem:s15], [sflag:$0x1], $0x20, $0x38;
	[tilespmem:$0x1F198] =	vst v63  }
0x133: {  	s10 =	simm.s32 $0x1;
	s22 =	spop (v2sf)  }
0x134: {  	_ =	swait.ge [sflag:s10], $0x20  }
0x135: {  	[sflag:s10] =	ssyncset.done $0x0  }
0x136: {  	s17 =	simm.s32 $0x1D298;
	s16 =	sadd.s32 s20, s5;
	[sflag:s10] =	ssyncadd.s32 $0xFFFFFFE0  }
0x137: {  	[spmem:s16] =	stream.linear.scatter [tilespmem:s17], [sflag:$0x1], $0x20, $0x38;
	[tilespmem:$0x1F198] =	vst v63  }
0x138: {  	_ =	swait.ge [sflag:s10], $0x20  }
0x139: {  	[sflag:s10] =	ssyncset.done $0x0  }
0x13a: {  	s24 =	simm.s32 $0x1CD18;
	s23 =	sadd.s32 s20, s4;
	[sflag:s10] =	ssyncadd.s32 $0xFFFFFFE0  }
0x13b: {  	[spmem:s23] =	stream.linear.scatter [tilespmem:s24], [sflag:$0x1], $0x20, $0x38;
	[tilespmem:$0x1F198] =	vst v63  }
0x13c: {  	_ =	swait.ge [sflag:s10], $0x20  }
0x13d: {  	[sflag:s10] =	ssyncset.done $0x0  }
0x13e: {  	s26 =	simm.s32 $0x1D818;
	s25 =	sadd.s32 s20, s3;
	[sflag:s10] =	ssyncadd.s32 $0xFFFFFFE0  }
0x13f: {  	[spmem:s25] =	stream.linear.scatter [tilespmem:s26], [sflag:$0x1], $0x20, $0x38;
	[tilespmem:$0x1F198] =	vst v63  }
0x140: {  	s14 =	sadd.s32 s22, s14;
	_ =	swait.ge [sflag:s10], $0x20  }
0x141: {  	s28 =	simm.s32 $0x1C218;
	s14 =	sadd.s32 $0x80000000, s14;
	[sflag:s10] =	ssyncset.done $0x0  }
0x142: {  	s13 =	sadd.s32 s20, s2;
	s29 =	scvt.s32.f32 s14;
	[sflag:s10] =	ssyncadd.s32 $0xFFFFFFE0  }
0x143: {  	[spmem:s13] =	stream.linear.scatter [tilespmem:s28], [sflag:$0x1], $0x20, $0x38;
	[tilespmem:$0x1F198] =	vst v63  }
0x144: {  	_ =	swait.ge [sflag:s10], $0x20  }
0x145: {  	vm15 =	vcmask $0x300;
	v1 =	vmov s29;
	[sflag:s10] =	ssyncset.done $0x0  }
0x146: {  	s30 =	sshll.u32 s12, $0x4;
	v1 =	vnsel vm15, $0x0, v1;
	[sflag:s10] =	ssyncadd.s32 $0xFFFFFFE0  }
0x147: {  	s31 =	simm.s32 $0x1BB98;
	p0 =	sne.s32 s12, $0x0;
	s13 =	sadd.s32 s30, s11;
	[tilespmem:$0x1BB98] =	vst v1  }
0x148: {  	[spmem:s13] =	stream.linear.scatter [tilespmem:s31], [sflag:$0x1], $0x10, $0x38;
	[tilespmem:$0x1F198] =	vst v63  }
.Ltmp3:
0x149: {  	_ =	swait.ge [sflag:s10], $0x10;
	(pc) =	sbr.rel @p0 .LBB2_19-.Ltmp3, $3  }
0x14a: {  	[sflag:s10] =	ssyncset.done $0x0  }
0x14b: {  	[sflag:s10] =	ssyncadd.s32 $0xFFFFFFF0  }
0x14c: {  	[bflag:$0x0] =	sbarrier.arrive $0xFFFF;
	_ =	sdelay $0x1  }
0x14d: {  	s12 =	simm.s32 $0x5C80  }
0x14e: {  	[tilespmem:s12], [sflag:$0x1] =	stream.linear.gather [spmem:s6], $0x200, $0x38;
	[tilespmem:$0x1F198] =	vst v63  }
0x14f: {  	_ =	swait.ge [sflag:s10], $0x200  }
0x150: {  	[sflag:s10] =	ssyncset.done $0x0  }
0x151: {  	s23 =	simm.s32 $0x10680;
	[sflag:s10] =	ssyncadd.s32 $0xFFFFFE00  }
0x152: {  	[tilespmem:s23], [sflag:$0x1] =	stream.linear.gather [spmem:s5], $0x200, $0x38;
	[tilespmem:$0x1F198] =	vst v63  }
0x153: {  	_ =	swait.ge [sflag:s10], $0x200  }
0x154: {  	[sflag:s10] =	ssyncset.done $0x0  }
0x155: {  	s24 =	simm.s32 $0xB180;
	[sflag:s10] =	ssyncadd.s32 $0xFFFFFE00  }
0x156: {  	[tilespmem:s24], [sflag:$0x1] =	stream.linear.gather [spmem:s4], $0x200, $0x38;
	[tilespmem:$0x1F198] =	vst v63  }
0x157: {  	_ =	swait.ge [sflag:s10], $0x200  }
0x158: {  	[sflag:s10] =	ssyncset.done $0x0  }
0x159: {  	s25 =	simm.s32 $0x15B80;
	[sflag:s10] =	ssyncadd.s32 $0xFFFFFE00  }
0x15a: {  	[tilespmem:s25], [sflag:$0x1] =	stream.linear.gather [spmem:s3], $0x200, $0x38;
	[tilespmem:$0x1F198] =	vst v63  }
0x15b: {  	_ =	swait.ge [sflag:s10], $0x200  }
0x15c: {  	[sflag:s10] =	ssyncset.done $0x0  }
0x15d: {  	s26 =	simm.s32 $0x780;
	[sflag:s10] =	ssyncadd.s32 $0xFFFFFE00  }
0x15e: {  	[tilespmem:s26], [sflag:$0x1] =	stream.linear.gather [spmem:s2], $0x200, $0x38;
	[tilespmem:$0x1F198] =	vst v63  }
0x15f: {  	_ =	swait.ge [sflag:s10], $0x200  }
0x160: {  	[sflag:s10] =	ssyncset.done $0x0  }
0x161: {  	s28 =	simm.s32 $0x1BC18;
	[sflag:s10] =	ssyncadd.s32 $0xFFFFFE00  }
0x162: {  	[tilespmem:s28], [sflag:$0x1] =	stream.linear.gather [spmem:s11], $0x100, $0x38;
	[tilespmem:$0x1F198] =	vst v63  }
0x163: {  	_ =	swait.ge [sflag:s10], $0x100  }
0x164: {  	[sflag:s10] =	ssyncset.done $0x0  }
0x165: {  	s29 =	simm.s32 $0x0;
	[sflag:s10] =	ssyncadd.s32 $0xFFFFFF00  }
0x166: {  	v2 =	vld [tilespmem:s29+$0x780];
	_ =	sdelay $0x4  }
0x167: {  	vm0 =	vgt.f32 v2, v0  }
0x168: {  	v1 =	vmpcnt.ones.xlane vm0;
	_ =	sdelay $0x1  }
0x169: {  	v3 =	vlaneseq.u32;
	v4 =	vld [tilespmem:s29+$0x15B80];
	v1 =	vxor.u32 $0x80000000, v1  }
0x16a: {  	v5 =	vld [tilespmem:s29+$0x10680];
	(xrf0) =	vmax.scan.msk.u32 $0xffff, v1;
	v1 =	vmul.u32 $0x10, v3  }
0x16b: {  	v6 =	vld [tilespmem:s29+$0x5C80]  }
0x16c: {  	v3 =	vld [tilespmem:s29+$0xB180];
	_ =	sdelay $0x2  }
0x16d: {  	s30 =	simm.s32 $0x0  }
0x16e: {  	v7, _, _ =	vpop (xrf0);
	v1 =	vld.idx.msk [tilespmem:v1+s28+$0x0], $0xffff;
	[tilespmem:s30+$0x780] =	vst.msk vm0, v2;
	v2 =	vsub.f32 v4, v5  }
0x16f: {  	(v2sf) =	vpush v7, $0xF;
	[tilespmem:s30+$0x5C80] =	vst.msk vm0, v6;
	v6 =	vsub.f32 v3, v6  }
0x170: {  	[tilespmem:s30+$0x10680] =	vst.msk vm0, v5  }
0x171: {  	[tilespmem:s30+$0xB180] =	vst.msk vm0, v3;
	v2 =	vmul.f32 v2, v6  }
0x172: {  	[tilespmem:s30+$0x15B80] =	vst.msk vm0, v4  }
0x173: {  	s31 =	simm.s32 $0x10;
	[tilespmem:s30+$0x0] =	vst.msk vm0, v2  }
0x174: {  	v4 =	vld [tilespmem:s31+$0x780];
	_ =	sdelay $0x4  }
0x175: {  	vm0 =	vgt.f32 v4, v0  }
0x176: {  	v5 =	vmpcnt.ones.xlane vm0  }
0x177: {  	v3 =	vld [tilespmem:s31+$0xB180]  }
0x178: {  	v2 =	vld [tilespmem:s31+$0x15B80];
	v6 =	vxor.u32 $0x80000000, v5  }
0x179: {  	v5 =	vld [tilespmem:s31+$0x10680];
	(xrf0) =	vmax.scan.msk.u32 $0xffff, v6  }
0x17a: {  	v6 =	vld [tilespmem:s31+$0x5C80];
	s13 =	spop (v2sf)  }
0x17b: {  	s11 =	simm.s32 $0x80;
	s12 =	sadd.s32 $0x0, s13  }
.LBB2_8:
0x17c: {  	p1 =	sne.s32 s11, $0x7C0  }
0x17d: {  	s12 =	sadd.s32 $0x80000000, s12;
	s13 =	smov.u32 s11;
	s11 =	sadd.s32 $0x40, s11  }
0x17e: {  	[tilespmem:s12+$0x780] =	vst.msk vm0, v4;
	v4 =	vsub.f32 v2, v5  }
0x17f: {  	[tilespmem:s12+$0x5C80] =	vst.msk vm0, v6;
	v6 =	vsub.f32 v3, v6;
	v7, _, _ =	vpop (xrf0)  }
0x180: {  	[tilespmem:s12+$0x10680] =	vst.msk vm0, v5;
	(v2sf) =	vpush v7, $0xF  }
0x181: {  	[tilespmem:s12+$0xB180] =	vst.msk vm0, v3;
	v3 =	vmul.f32 v4, v6  }
0x182: {  	[tilespmem:s12+$0x15B80] =	vst.msk vm0, v2  }
0x183: {  	s13 =	sshra.s32 s13, $0x2;
	[tilespmem:s12+$0x0] =	vst.msk vm0, v3  }
0x184: {  	v4 =	vld [tilespmem:s13+$0x780];
	_ =	sdelay $0x4  }
0x185: {  	vm0 =	vgt.f32 v4, v0  }
0x186: {  	v5 =	vmpcnt.ones.xlane vm0  }
0x187: {  	v3 =	vld [tilespmem:s13+$0xB180]  }
.Ltmp4:
0x188: {  	v2 =	vld [tilespmem:s13+$0x15B80];
	v6 =	vxor.u32 $0x80000000, v5;
	(pc) =	sbr.rel @p1 .LBB2_8-.Ltmp4, $4  }
0x189: {  	v5 =	vld [tilespmem:s13+$0x10680];
	(xrf0) =	vmax.scan.msk.u32 $0xffff, v6  }
0x18a: {  	v6 =	vld [tilespmem:s13+$0x5C80]  }
0x18b: {  	s13 =	spop (v2sf)  }
0x18c: {  	s12 =	sadd.s32 s13, s12  }
0x18d: {  	_ =	sdelay $0x1  }
0x18e: {  	v0, _, _ =	vpop (xrf0)  }
0x18f: {  	(v2sf) =	vpush v0, $0xF;
	_ =	sdelay $0x4  }
0x190: {  	v59 =	vtrunc.f32 v1  }
0x191: {  	v0 =	vcvt.f32.s32 v59;
	_ =	sdelay $0x1  }
0x192: {  	v0 =	vxor.u32 $0x80000000, v0  }
0x193: {  	(xrf0) =	vmax.scan.msk.u32 $0xffff, v0;
	_ =	sdelay $0x5  }
0x194: {  	s12 =	sadd.s32 $0x80000000, s12;
	v0, _, _ =	vpop (xrf0);
	s11 =	spop (v2sf)  }
0x195: {  	(v2sf) =	vpush v0, $0xF;
	s11 =	sadd.s32 s11, s12  }
0x196: {  	s11 =	sadd.s32 $0x80000000, s11  }
0x197: {  	s13 =	sand.u32 $0xF, s11  }
0x198: {  	[tilespmem:s12+$0x780] =	vst.msk vm0, v4;
	s14 =	sshra.s32 s11, $0x1F;
	p1 =	slt.s32 s11, $0x1;
	p2 =	sne.s32 s13, $0x0  }
0x199: {  	v60 =	vsub.f32 v2, v5;
	[tilespmem:s12+$0x5C80] =	vst.msk vm0, v6;
	v61 =	vsub.f32 v3, v6;
	s30 =	sshrl.u32 s14, $0x1C;
	p1 =	por !p1, !p2  }
0x19a: {  	[tilespmem:s12+$0x10680] =	vst.msk vm0, v5;
	s14 =	simm.s32 $0x1;
	s13 =	sadd.s32 s30, s11;
	p1 =	por !p1, !p1  }
0x19b: {  	[tilespmem:s12+$0xB180] =	vst.msk vm0, v3;
	v0 =	vmul.f32 v60, v61;
	s13 =	sshrl.u32 s13, $0x4;
	s14 =	simm.s32 @!p1 $0x0  }
0x19c: {  	[tilespmem:s12+$0x15B80] =	vst.msk vm0, v2;
	s13 =	ssub.s32 s13, s14  }
0x19d: {  	[tilespmem:s12+$0x0] =	vst.msk vm0, v0;
	s13 =	sshll.u32 s13, $0x4  }
0x19e: {  	v0 =	vld [tilespmem:s13+$0x780];
	s14 =	sshra.s32 s13, $0x4  }
0x19f: {  	p1 =	sgt.s32 s14, $0x16  }
.Ltmp5:
0x1a0: {  	s31 =	ssub.s32 s11, s13;
	(pc) =	sbr.rel @p1 .LBB2_12-.Ltmp5, $4  }
0x1a1: {  	v63 =	vlaneseq.u32;
	v62 =	vmov s31  }
0x1a2: {  	vm15 =	vgt.s32 v62, v63  }
0x1a3: {  	v0 =	vnsel vm15, $0xFF800000, v0  }
0x1a4: {  	s12 =	spop (v2sf);
	[tilespmem:s13+$0x780] =	vst v0  }
0x1a5: {  	s14 =	ssub.s32 $0x17, s14  }
0x1a6: {  	p1 =	sne.s32 s14, $0x1  }
.Ltmp6:
0x1a7: {  	_ = 	snop;
	(pc) =	sbr.rel @!p1 .LBB2_12-.Ltmp6, $3  }
0x1a8: {  	_ =	sdelay $0x1  }
0x1a9: {  	s13 =	sadd.s32 $0x790, s13;
	v0 =	vimm.f32 $-Inf  }
0x1aa: {  	s14 =	sadd.s32 $0xFFFFFFFF, s14;
	[tilespmem:s13+$0x0] =	vst v0  }
.LBB2_11:
0x1ab: {  	p1 =	sne.s32 s14, $0x1  }
.Ltmp7:
0x1ac: {  	_ = 	snop;
	(pc) =	sbr.rel @p1 .LBB2_11-.Ltmp7, $3  }
0x1ad: {  	_ =	sdelay $0x1  }
0x1ae: {  	s14 =	sadd.s32 $0xFFFFFFFF, s14;
	s13 =	sadd.s32 $0x10, s13  }
0x1af: {  	[tilespmem:s13+$0x0] =	vst v0  }
.LBB2_12:
0x1b0: {  	p1 =	sgt.u32 s12, $0x80000020;
	p2 =	sgt.s32 s11, $0x180  }
0x1b1: {  	p1 =	por p1, p2  }
.Ltmp8:
0x1b2: {  	_ = 	snop;
	(pc) =	sbr.rel @p1 .LBB2_18-.Ltmp8, $2  }
0x1b3: {  	_ =	sdelay $0x2  }
0x1b4: {  	p2 =	por $0x1, $0x1  }
0x1b5: {  	v0 =	vlaneseq.u32  }
0x1b6: {  	v2 =	vimm.f32 $-4.000000000e+03;
	v6 =	vimm.f32 $0.0e+00;
	vm0 =	vmmov $0x1  }
0x1b7: {  	s11 =	simm.s32 $0x0;
	vm1 =	vcmask $0x314;
	vm2 =	vcmask $0x714;
	vm3 =	vcmask $0xB14  }
0x1b8: {  	s12 =	simm.s32 $0x5C80;
	s13 =	simm.s32 $0x10680;
	s14 =	simm.s32 $0xB180;
	vm4 =	vcmask $0xF14;
	v1 =	vimm.s32 $0x0;
	v5 =	vimm.f32 $-4.000000000e+03  }
0x1b9: {  	s16 =	simm.s32 $0x15B80;
	s15 =	simm.s32 $0x0;
	v4 =	vimm.f32 $-4.000000000e+03;
	v3 =	vimm.f32 $-4.000000000e+03;
	s17 =	simm.s32 $0x0;
	v0 =	vor.u32 $0x80000000, v0  }
.LBB2_14:
0x1ba: {  	s18 =	simm.s32 $0x106E0  }
0x1bb: {  	s19 =	simm.s32 $0xB1E0;
	s20 =	simm.s32 $0x15BE0;
	s21 =	simm.s32 $0x7E0  }
0x1bc: {  	v8 =	vimm.f32 $-Inf;
	s22 =	simm.s32 $0x60;
	s23 =	simm.s32 $0x5CE0;
	v9 =	vimm.s32 $0x0;
	s24 =	simm.s32 $0x0  }
.LBB2_15:
0x1bd: {  	v7 =	vld [tilespmem:s23+$0xFFFFFFA0]  }
0x1be: {  	v10 =	vld [tilespmem:s18+$0xFFFFFFA0]  }
0x1bf: {  	v11 =	vld [tilespmem:s19+$0xFFFFFFA0]  }
0x1c0: {  	v12 =	vld [tilespmem:s20+$0xFFFFFFA0]  }
0x1c1: {  	v13 =	vld [tilespmem:s22+$0xFFFFFFA0]  }
0x1c2: {  	v14 =	vld [tilespmem:s23+$0xFFFFFFB0]  }
0x1c3: {  	v15 =	vld [tilespmem:s18+$0xFFFFFFB0]  }
0x1c4: {  	v46 =	vld [tilespmem:s20+$0xFFFFFFB0]  }
0x1c5: {  	v47 =	vld [tilespmem:s22+$0xFFFFFFB0];
	v11 =	vmin.f32 v5, v11;
	v7 =	vmax.f32 v3, v7  }
0x1c6: {  	v12 =	vmin.f32 v2, v12;
	v10 =	vmax.f32 v4, v10;
	v7 =	vsub.f32 v11, v7;
	v11 =	vld [tilespmem:s19+$0xFFFFFFB0]  }
0x1c7: {  	v48 =	vld [tilespmem:s23+$0xFFFFFFC0];
	v10 =	vsub.f32 v12, v10  }
0x1c8: {  	v49 =	vld [tilespmem:s18+$0xFFFFFFC0]  }
0x1c9: {  	v50 =	vld [tilespmem:s19+$0xFFFFFFC0];
	v15 =	vmax.f32 v4, v15;
	v7 =	vmax.f32 v7, $0.0e+00;
	v10 =	vmax.f32 v10, $0.0e+00  }
0x1ca: {  	v51 =	vld [tilespmem:s20+$0xFFFFFFC0];
	v12 =	vmin.f32 v2, v46;
	v7 =	vmul.f32 v10, v7;
	v10 =	vadd.f32 v13, v6  }
0x1cb: {  	v52 =	vld [tilespmem:s21+$0xFFFFFFA0];
	v14 =	vmax.f32 v3, v14;
	v12 =	vsub.f32 v12, v15;
	v11 =	vmin.f32 v5, v11  }
0x1cc: {  	v16 =	vld [tilespmem:s23+$0xFFFFFFD0];
	v10 =	vsub.f32 v10, v7;
	v11 =	vsub.f32 v11, v14  }
0x1cd: {  	v55 =	vld [tilespmem:s19+$0xFFFFFFD0]  }
0x1ce: {  	v17 =	vld [tilespmem:s20+$0xFFFFFFD0];
	v12 =	vmax.f32 v12, $0.0e+00;
	v10 =	vmax.f32 v10, $9.999999710e-10;
	v11 =	vmax.f32 v11, $0.0e+00  }
0x1cf: {  	v20 =	vld [tilespmem:s22+$0xFFFFFFE0];
	(erf) = vrcp.f32 v10;
	v10 =	vmul.f32 v12, v11;
	v11 =	vadd.f32 v47, v6  }
0x1d0: {  	v56 =	vmov s24;
	v21 =	vld [tilespmem:s18+$0xFFFFFFF0]  }
0x1d1: {  	s25 =	sadd.s32 $0x1, s24;
	s26 =	sadd.s32 $0x2, s24;
	v33 =	vld [tilespmem:s22+$0xFFFFFFF0];
	s28 =	sadd.s32 $0x3, s24;
	vm7 =	vlt.s32 v56, v9;
	v11 =	vsub.f32 v11, v10  }
0x1d2: {  	v36 =	vld [tilespmem:s18+$0x0];
	v62 =	vmov s25;
	v32 =	vmov s26;
	v43 =	vmov s28  }
0x1d3: {  	v58 =	vld [tilespmem:s23+$0xFFFFFFE0];
	v16 =	vmax.f32 v3, v16;
	v17 =	vmin.f32 v2, v17;
	v11 =	vmax.f32 v11, $9.999999710e-10  }
0x1d4: {  	v30 =	vadd.f32 v20, v6;
	v15 =	vmax.f32 v4, v49;
	(erf) = vrcp.f32 v11;
	v11 =	vld [tilespmem:s22+$0xFFFFFFC0]  }
0x1d5: {  	v41 =	vld [tilespmem:s22+$0x0];
	v13 =	vmin.f32 v2, v51;
	v14 =	vmax.f32 v3, v48;
	v12 =	vmin.f32 v5, v50  }
0x1d6: {  	v54 =	vld [tilespmem:s18+$0xFFFFFFD0];
	s29 =	sadd.s32 $0x4, s24;
	v35 =	vmax.f32 v4, v21;
	v13 =	vsub.f32 v13, v15;
	v12 =	vsub.f32 v12, v14  }
0x1d7: {  	v61 =	vld [tilespmem:s19+$0xFFFFFFE0];
	v40 =	vadd.f32 v33, v6;
	v21 =	vmax.f32 v4, v36;
	v51 =	vmov s29  }
0x1d8: {  	v34 =	vld [tilespmem:s23+$0x0];
	v15 =	vmin.f32 v5, v55;
	v13 =	vmax.f32 v13, $0.0e+00;
	v12 =	vmax.f32 v12, $0.0e+00;
	v53 =	vpop (erf)  }
0x1d9: {  	v12 =	vmul.f32 v13, v12;
	v7 =	vmul.f32 v53, v7;
	v11 =	vadd.f32 v11, v6  }
0x1da: {  	v57 =	vld [tilespmem:s21+$0xFFFFFFB0];
	v15 =	vsub.f32 v15, v16;
	v16 =	vmax.f32 v3, v58;
	v48 =	vadd.f32 v41, v6  }
0x1db: {  	v49 =	vld [tilespmem:s19+$0x10];
	v13 =	vmax.f32 v4, v54;
	vm5 =	vgt.f32 v7, $5.000000000e-01;
	v11 =	vsub.f32 v11, v12  }
0x1dc: {  	v63 =	vld [tilespmem:s20+$0xFFFFFFE0];
	v14 =	vmin.f32 v5, v61;
	v13 =	vsub.f32 v17, v13;
	v7 =	vsel vm5, $0xFF800000, v52  }
0x1dd: {  	v58 =	vld [tilespmem:s19+$0x20];
	v17 =	vmax.f32 v3, v34;
	vm6 =	veq.f32 v7, v8;
	v11 =	vmax.f32 v11, $9.999999710e-10  }
0x1de: {  	vm5 =	vgt.f32 v7, v8;
	v18 =	vpop (erf);
	vm6 =	vmand vm7, vm6;
	(erf) = vrcp.f32 v11;
	v11 =	vld [tilespmem:s22+$0xFFFFFFD0]  }
0x1df: {  	v13 =	vmax.f32 v13, $0.0e+00;
	v52 =	vld [tilespmem:s22+$0x10];
	v10 =	vmul.f32 v18, v10;
	vm5 =	vmor vm5, vm6  }
0x1e0: {  	v18 =	vmin.f32 v5, v49;
	v59 =	vsel vm5, v7, v8;
	v60 =	vsel vm5, s24, v9;
	v9 =	vld [tilespmem:s18+$0xFFFFFFE0]  }
0x1e1: {  	vm5 =	vgt.f32 v10, $5.000000000e-01;
	v10 =	vmax.f32 v15, $0.0e+00;
	vm6 =	vlt.s32 v62, v60  }
0x1e2: {  	v26 =	vld [tilespmem:s19+$0xFFFFFFF0];
	v62 =	vmin.f32 v5, v58;
	v8 =	vsel vm5, $0xFF800000, v57;
	v10 =	vmul.f32 v13, v10  }
0x1e3: {  	v25 =	vld [tilespmem:s23+$0xFFFFFFF0];
	v13 =	vmin.f32 v2, v63;
	vm5 =	veq.f32 v8, v59;
	v11 =	vadd.f32 v11, v6  }
0x1e4: {  	v28 =	vld [tilespmem:s20+$0xFFFFFFF0];
	v57 =	vadd.f32 v52, v6;
	vm7 =	vgt.f32 v8, v59;
	vm5 =	vmand vm6, vm5  }
0x1e5: {  	v37 =	vld [tilespmem:s19+$0x0];
	vm5 =	vmor vm7, vm5;
	v9 =	vmax.f32 v4, v9;
	v11 =	vsub.f32 v11, v10  }
0x1e6: {  	v24 =	vld [tilespmem:s21+$0xFFFFFFC0];
	s30 =	sadd.s32 $0x5, s24;
	v9 =	vsub.f32 v13, v9;
	v27 =	vsel vm5, v8, v59;
	v31 =	vsel vm5, s25, v60  }
0x1e7: {  	v50 =	vld [tilespmem:s20+$0x10];
	v13 =	vmin.f32 v5, v26;
	v60 =	vmov s30;
	v19 =	vpop (erf);
	v11 =	vmax.f32 v11, $9.999999710e-10  }
0x1e8: {  	v29 =	vmax.f32 v9, $0.0e+00;
	v12 =	vmul.f32 v19, v12;
	(erf) = vrcp.f32 v11  }
0x1e9: {  	v11 =	vsub.f32 v14, v16;
	v19 =	vmax.f32 v3, v25;
	v16 =	vmin.f32 v2, v28  }
0x1ea: {  	v46 =	vld [tilespmem:s18+$0x10];
	v13 =	vsub.f32 v13, v19;
	v16 =	vsub.f32 v16, v35;
	v19 =	vmin.f32 v5, v37  }
0x1eb: {  	v38 =	vld [tilespmem:s20+$0x0];
	vm6 =	vgt.f32 v12, $5.000000000e-01;
	v11 =	vmax.f32 v11, $0.0e+00;
	v17 =	vsub.f32 v19, v17  }
0x1ec: {  	v56 =	vld [tilespmem:s18+$0x20];
	v19 =	vmin.f32 v2, v50;
	v9 =	vsel vm6, $0xFF800000, v24;
	v11 =	vmul.f32 v29, v11  }
0x1ed: {  	v25 =	vld [tilespmem:s19+$0x40];
	vm6 =	vlt.s32 v32, v31;
	v13 =	vmax.f32 v13, $0.0e+00;
	v16 =	vmax.f32 v16, $0.0e+00  }
0x1ee: {  	vm5 =	veq.f32 v9, v27;
	vm7 =	vgt.f32 v9, v27;
	v12 =	vsub.f32 v30, v11  }
0x1ef: {  	v13 =	vmul.f32 v16, v13;
	v45 =	vmax.f32 v17, $0.0e+00;
	v17 =	vmax.f32 v4, v46  }
0x1f0: {  	v44 =	vld [tilespmem:s23+$0x10];
	vm5 =	vmand vm6, vm5;
	v17 =	vsub.f32 v19, v17;
	v12 =	vmax.f32 v12, $9.999999710e-10  }
0x1f1: {  	v33 =	vld [tilespmem:s23+$0x40];
	v19 =	vmax.f32 v4, v56;
	vm5 =	vmor vm7, vm5;
	(erf) = vrcp.f32 v12  }
0x1f2: {  	v24 =	vld [tilespmem:s22+$0x20];
	v16 =	vsub.f32 v40, v13;
	v40 =	vmin.f32 v5, v25;
	v12 =	vmin.f32 v2, v38  }
0x1f3: {  	v39 =	vld [tilespmem:s21+$0xFFFFFFD0];
	s31 =	sadd.s32 $0x6, s24;
	v14 =	vsel vm5, v9, v27;
	v15 =	vsel vm5, s26, v31;
	v12 =	vsub.f32 v12, v21  }
0x1f4: {  	v36 =	vld [tilespmem:s22+$0x30];
	v17 =	vmax.f32 v17, $0.0e+00;
	v31 =	vmov s31;
	v16 =	vmax.f32 v16, $9.999999710e-10  }
0x1f5: {  	v22 =	vpop (erf);
	(erf) = vrcp.f32 v16;
	v21 =	vmax.f32 v3, v44;
	v12 =	vmax.f32 v12, $0.0e+00  }
0x1f6: {  	v42 =	vld [tilespmem:s21+$0xFFFFFFE0];
	v10 =	vmul.f32 v22, v10;
	v18 =	vsub.f32 v18, v21;
	v16 =	vmul.f32 v12, v45  }
0x1f7: {  	v55 =	vld [tilespmem:s23+$0x20];
	vm6 =	vlt.s32 v43, v15;
	v32 =	vadd.f32 v24, v6;
	v24 =	vmax.f32 v3, v33  }
0x1f8: {  	v63 =	vld [tilespmem:s23+$0x30];
	vm5 =	vgt.f32 v10, $5.000000000e-01;
	v18 =	vmax.f32 v18, $0.0e+00;
	v12 =	vsub.f32 v48, v16  }
0x1f9: {  	v43 =	vld [tilespmem:s18+$0x50];
	v44 =	vadd.f32 v36, v6;
	v10 =	vsel vm5, $0xFF800000, v39;
	v17 =	vmul.f32 v17, v18  }
0x1fa: {  	vm5 =	veq.f32 v10, v14;
	vm7 =	vgt.f32 v10, v14;
	v12 =	vmax.f32 v12, $9.999999710e-10;
	v47 =	vpop (erf)  }
0x1fb: {  	v53 =	vld [tilespmem:s21+$0xFFFFFFF0];
	vm5 =	vmand vm6, vm5;
	(erf) = vrcp.f32 v12;
	v11 =	vmul.f32 v47, v11  }
0x1fc: {  	v21 =	vmax.f32 v3, v55;
	v45 =	vld [tilespmem:s19+$0x50];
	v18 =	vsub.f32 v57, v17;
	vm5 =	vmor vm7, vm5  }
0x1fd: {  	v59 =	vld [tilespmem:s20+$0x20];
	v14 =	vsel vm5, v10, v14;
	v15 =	vsel vm5, s28, v15;
	vm5 =	vgt.f32 v11, $5.000000000e-01  }
0x1fe: {  	v26 =	vld [tilespmem:s20+$0x40];
	v22 =	vmax.f32 v3, v63;
	v52 =	vmax.f32 v4, v43;
	v11 =	vsel vm5, $0xFF800000, v42  }
0x1ff: {  	v34 =	vld [tilespmem:s18+$0x40];
	v18 =	vmax.f32 v18, $9.999999710e-10;
	vm6 =	vlt.s32 v51, v15;
	v54 =	vpop (erf);
	vm5 =	veq.f32 v11, v14  }
0x200: {  	v29 =	vld [tilespmem:s19+$0x30];
	s26 =	sadd.s32 $0x7, s24;
	v13 =	vmul.f32 v54, v13;
	vm7 =	vgt.f32 v11, v14;
	vm5 =	vmand vm6, vm5  }
0x201: {  	v50 =	vmin.f32 v5, v45;
	v47 =	vmov s26;
	vm5 =	vmor vm7, vm5  }
0x202: {  	v14 =	vsel vm5, v11, v14;
	v15 =	vsel vm5, s29, v15;
	vm5 =	vgt.f32 v13, $5.000000000e-01  }
0x203: {  	v28 =	vld [tilespmem:s18+$0x30];
	v42 =	vmin.f32 v2, v26;
	v13 =	vmin.f32 v2, v59;
	v12 =	vsel vm5, $0xFF800000, v53  }
0x204: {  	vm6 =	vlt.s32 v60, v15;
	v23 =	vpop (erf);
	(erf) = vrcp.f32 v18;
	v18 =	vsub.f32 v62, v21  }
0x205: {  	v30 =	vld [tilespmem:s20+$0x30];
	v13 =	vsub.f32 v13, v19;
	v19 =	vmin.f32 v5, v29;
	v21 =	vmax.f32 v4, v34  }
0x206: {  	v41 =	vld [tilespmem:s23+$0x50];
	vm5 =	veq.f32 v12, v14;
	vm7 =	vgt.f32 v12, v14;
	v16 =	vmul.f32 v23, v16  }
0x207: {  	v61 =	vld [tilespmem:s21+$0x0];
	vm5 =	vmand vm6, vm5;
	v18 =	vmax.f32 v18, $0.0e+00;
	v13 =	vmax.f32 v13, $0.0e+00  }
0x208: {  	v23 =	vmax.f32 v4, v28;
	vm5 =	vmor vm7, vm5;
	v13 =	vmul.f32 v13, v18  }
0x209: {  	v19 =	vsub.f32 v19, v22;
	v14 =	vsel vm5, v12, v14;
	v15 =	vsel vm5, s30, v15  }
0x20a: {  	vm5 =	vgt.f32 v16, $5.000000000e-01;
	v16 =	vmin.f32 v2, v30;
	v18 =	vsub.f32 v32, v13  }
0x20b: {  	v51 =	vmax.f32 v3, v41;
	v21 =	vsub.f32 v42, v21;
	v16 =	vsub.f32 v16, v23  }
0x20c: {  	v39 =	vld [tilespmem:s22+$0x40];
	v38 =	vmax.f32 v19, $0.0e+00;
	v20 =	vsel vm5, $0xFF800000, v61;
	v18 =	vmax.f32 v18, $9.999999710e-10  }
0x20d: {  	v46 =	vld [tilespmem:s20+$0x50];
	vm6 =	vlt.s32 v31, v15;
	v16 =	vmax.f32 v16, $0.0e+00;
	(erf) = vrcp.f32 v18;
	v35 =	vpop (erf)  }
0x20e: {  	vm5 =	veq.f32 v20, v14;
	v16 =	vmul.f32 v16, v38;
	v17 =	vmul.f32 v35, v17  }
0x20f: {  	vm5 =	vmand vm6, vm5;
	vm6 =	vgt.f32 v20, v14;
	v18 =	vsub.f32 v40, v24  }
0x210: {  	v37 =	vld [tilespmem:s21+$0x10];
	vm5 =	vmor vm6, vm5;
	vm6 =	vgt.f32 v17, $5.000000000e-01;
	v17 =	vsub.f32 v44, v16  }
0x211: {  	v49 =	vld [tilespmem:s22+$0x50];
	v21 =	vmax.f32 v21, $0.0e+00;
	v19 =	vadd.f32 v39, v6;
	v18 =	vmax.f32 v18, $0.0e+00  }
0x212: {  	v24 =	vmin.f32 v2, v46;
	v18 =	vmul.f32 v21, v18;
	v17 =	vmax.f32 v17, $9.999999710e-10  }
0x213: {  	v14 =	vsel vm5, v20, v14;
	v24 =	vsub.f32 v24, v52;
	(erf) = vrcp.f32 v17  }
0x214: {  	v15 =	vsel vm5, s31, v15;
	v21 =	vsub.f32 v50, v51;
	v48 =	vsub.f32 v19, v18  }
0x215: {  	vm5 =	vlt.s32 v47, v15;
	v56 =	vmax.f32 v24, $0.0e+00;
	v22 =	vsel vm6, $0xFF800000, v37  }
0x216: {  	v55 =	vmax.f32 v21, $0.0e+00;
	v19 =	vadd.f32 v49, v6;
	v17 =	vmax.f32 v48, $9.999999710e-10  }
0x217: {  	v53 =	vld [tilespmem:s21+$0x20];
	vm6 =	veq.f32 v22, v14;
	v54 =	vpop (erf);
	(erf) = vrcp.f32 v17;
	v17 =	vmul.f32 v56, v55  }
0x218: {  	vm5 =	vmand vm5, vm6;
	vm6 =	vgt.f32 v22, v14  }
0x219: {  	vm5 =	vmor vm6, vm5;
	v13 =	vmul.f32 v54, v13;
	v19 =	vsub.f32 v19, v17  }
0x21a: {  	v14 =	vsel vm5, v22, v14  }
0x21b: {  	v58 =	vld [tilespmem:s21+$0x30];
	s28 =	sadd.s32 $0x8, s24;
	v15 =	vsel vm5, s26, v15;
	vm5 =	vgt.f32 v13, $5.000000000e-01;
	v19 =	vmax.f32 v19, $9.999999710e-10  }
0x21c: {  	v57 =	vmov s28;
	v13 =	vsel vm5, $0xFF800000, v53;
	v59 =	vpop (erf);
	(erf) = vrcp.f32 v19  }
0x21d: {  	vm6 =	vlt.s32 v57, v15;
	vm5 =	veq.f32 v13, v14;
	v16 =	vmul.f32 v59, v16  }
0x21e: {  	s29 =	sadd.s32 $0x9, s24;
	vm5 =	vmand vm6, vm5;
	vm6 =	vgt.f32 v13, v14  }
0x21f: {  	v60 =	vmov s29;
	v61 =	vld [tilespmem:s21+$0x40];
	vm5 =	vmor vm6, vm5;
	vm6 =	vgt.f32 v16, $5.000000000e-01  }
0x220: {  	[tilespmem:s21+$0xFFFFFFA0] =	vst v7;
	v15 =	vsel vm5, s28, v15;
	v14 =	vsel vm5, v13, v14;
	v62 =	vpop (erf);
	v16 =	vsel vm6, $0xFF800000, v58  }
0x221: {  	[tilespmem:s21+$0xFFFFFFB0] =	vst v8;
	s30 =	sadd.s32 $0xA, s24;
	vm5 =	vlt.s32 v60, v15;
	v7 =	vmul.f32 v62, v18;
	vm6 =	veq.f32 v16, v14  }
0x222: {  	[tilespmem:s21+$0xFFFFFFD0] =	vst v10;
	v10 =	vmov s30;
	vm5 =	vmand vm5, vm6;
	vm6 =	vgt.f32 v16, v14  }
0x223: {  	[tilespmem:s21+$0xFFFFFFC0] =	vst v9;
	vm5 =	vmor vm6, vm5;
	vm6 =	vgt.f32 v7, $5.000000000e-01  }
0x224: {  	[tilespmem:s21+$0xFFFFFFE0] =	vst v11;
	v11 =	vld [tilespmem:s21+$0x50];
	v8 =	vsel vm5, s29, v15;
	v7 =	vsel vm5, v16, v14;
	v9 =	vsel vm6, $0xFF800000, v61  }
0x225: {  	vm5 =	veq.f32 v9, v7;
	vm6 =	vlt.s32 v10, v8;
	v10 =	vpop (erf)  }
0x226: {  	v10 =	vmul.f32 v10, v17;
	vm5 =	vmand vm6, vm5;
	vm6 =	vgt.f32 v9, v7  }
0x227: {  	[tilespmem:s21+$0xFFFFFFF0] =	vst v12;
	vm5 =	vmor vm6, vm5  }
0x228: {  	p2 =	slt.u32 s24, $0xC;
	[tilespmem:s21+$0x0] =	vst v20;
	s31 =	sadd.s32 $0xB, s24;
	v63 =	vsel vm5, s30, v8;
	vm6 =	vgt.f32 v10, $5.000000000e-01  }
.Ltmp9:
0x229: {  	[tilespmem:s21+$0x10] =	vst v22;
	v7 =	vsel vm5, v9, v7;
	v10 =	vmov s31;
	v8 =	vsel vm6, $0xFF800000, v11;
	(pc) =	sbr.rel @p2 .LBB2_15-.Ltmp9, $4  }
0x22a: {  	[tilespmem:s21+$0x20] =	vst v13;
	vm6 =	vlt.s32 v10, v63;
	vm5 =	veq.f32 v8, v7  }
0x22b: {  	s23 =	sadd.s32 $0xC0, s23;
	[tilespmem:s21+$0x30] =	vst v16;
	vm7 =	vgt.f32 v8, v7;
	vm5 =	vmand vm6, vm5  }
0x22c: {  	s20 =	sadd.s32 $0xC0, s20;
	s18 =	sadd.s32 $0xC0, s18;
	s19 =	sadd.s32 $0xC0, s19;
	[tilespmem:s21+$0x40] =	vst v9;
	vm5 =	vmor vm7, vm5  }
0x22d: {  	s22 =	sadd.s32 $0xC0, s22;
	s24 =	sadd.s32 $0xC, s24;
	[tilespmem:s21+$0x50] =	vst v8;
	s21 =	sadd.s32 $0xC0, s21;
	v8 =	vsel vm5, v8, v7;
	v9 =	vsel vm5, s31, v63  }
0x22e: {  	(xrf0) =	vmax.scan.msk.f32 $0xffff, v8;
	_ =	sdelay $0x5  }
0x22f: {  	v2, _, _ =	vpop (xrf0)  }
0x230: {  	v6 =	vbroadcast v2, $0xF  }
0x231: {  	v3 =	vshll.u32 v9, $0x4  }
0x232: {  	v3 =	vxor.u32 v0, v3;
	vm5 =	veq.f32 v8, v6  }
0x233: {  	v3 =	vnsel vm5, $0xC0000000, v3  }
0x234: {  	(xrf0) =	vmin.scan.msk.u32 $0xffff, v3;
	_ =	sdelay $0x5  }
0x235: {  	(v2sf) =	vpush v2, $0xF;
	v2, _, _ =	vpop (xrf0)  }
0x236: {  	(v2sf) =	vpush v2, $0xF;
	_ =	sdelay $0xd  }
0x237: {  	s18 =	spop (v2sf)  }
0x238: {  	s19 =	spop (v2sf)  }
0x239: {  	s19 =	sxor.u32 $0x80000000, s19  }
0x23a: {  	p2 =	sgt.s32 s19, $0x0  }
0x23b: {  	s19 =	simm.s32 @!p2 $0x0  }
0x23c: {  	s19 =	smin.u32 s19, $0x17F  }
0x23d: {  	v2 =	vmov s19  }
0x23e: {  	v7 =	vbroadcast v2, $0x0;
	_ =	sdelay $0x5  }
0x23f: {  	p2 =	sgt.f32 s18, $-Inf;
	v3 =	vld.idx.msk [tilespmem:v7+s12+$0x0], $0xffff  }
0x240: {  	s18 =	simm.f32 $1.000000000e+00;
	v4 =	vld.idx.msk [tilespmem:v7+s13+$0x0], $0xffff  }
0x241: {  	s18 =	simm.s32 @!p2 $0x0;
	v5 =	vld.idx.msk [tilespmem:v7+s14+$0x0], $0xffff  }
0x242: {  	v8 =	vmov s18;
	v2 =	vld.idx.msk [tilespmem:v7+s16+$0x0], $0xffff  }
0x243: {  	vm5 =	vgt.f32 v8, $5.000000000e-01  }
0x244: {  	s31 =	sshll.u32 s17, $0x4;
	s17 =	sadd.s32 $0x1, s17;
	s19 =	simm.s32 $0x1;
	v63 =	vsel vm5, $0x1, v1;
	v8 =	vnsel vm0, $0x0, v3  }
0x245: {  	s19 =	simm.s32 @!p2 $0x0;
	p2 =	sne.s32 s17, $0x64;
	v9 =	vbroadcast v63, $0x0;
	v8 =	vsel vm1, v8, v4  }
.Ltmp10:
0x246: {  	v8 =	vsel vm2, v8, v5;
	(pc) =	sbr.rel @p2 .LBB2_14-.Ltmp10, $4  }
0x247: {  	v9 =	vand.u32 $0x1, v9;
	v8 =	vsel vm3, v8, v2  }
0x248: {  	vm5 =	veq.s32 v9, $0x1;
	v8 =	vsel vm4, v8, v6  }
0x249: {  	s18 =	sand.u32 $0x3FFFFFF0, s31;
	v6 =	vld.idx.msk [tilespmem:v7+s11+$0x0], $0xffff;
	v7 =	vnsel vm5, $0x0, v8  }
0x24a: {  	s15 =	sadd.s32 s19, s15;
	[tilespmem:s18+$0x1B508] =	vst v7  }
0x24b: {  	p2 =	slt.s32 s15, $0x64  }
.LBB2_18:
0x24c: {  	s11 =	simm.f32 $1.000000000e+00  }
0x24d: {  	p3 =	sgt.s32 s9, $0x6;
	s11 =	simm.s32 @!p2 $0x0  }
0x24e: {  	s11 =	simm.s32 @!p3 $0x0  }
0x24f: {  	s11 =	simm.s32 @p1 $0x3F800000  }
0x250: {  	v0 =	vmov s11  }
0x251: {  	s30 =	simm.s32 $0x1AB88;
	s31 =	simm.s32 $0x1;
	[tilespmem:$0x1AB88] =	vst v0  }
0x252: {  	[spmem:s8] =	stream.linear.scatter [tilespmem:s30], [sflag:$0x1], $0x80, $0x38;
	[tilespmem:$0x1F198] =	vst v63  }
0x253: {  	_ =	swait.ge [sflag:s31], $0x80  }
0x254: {  	[sflag:s31] =	ssyncset.done $0x0  }
0x255: {  	[sflag:s31] =	ssyncadd.s32 $0xFFFFFF80  }
.LBB2_19:
0x256: {  	[bflag:$0x0] =	sbarrier.arrive $0xFFFF;
	s9 =	simm.s32 $0x1AB88  }
0x257: {  	[tilespmem:s9], [sflag:$0x1] =	stream.linear.gather [spmem:s8], $0x80, $0x38;
	[tilespmem:$0x1F198] =	vst v63  }
0x258: {  	_ =	swait.ge [sflag:s10], $0x80  }
0x259: {  	[sflag:s10] =	ssyncset.done $0x0  }
0x25a: {  	[sflag:s10] =	ssyncadd.s32 $0xFFFFFF80  }
0x25b: {  	v0 =	vld [tilespmem:$0x1AB88];
	_ =	sdelay $0x4  }
0x25c: {  	(xrf0) =	vmax.scan.msk.f32 $0xffff, v0;
	_ =	sdelay $0x5  }
0x25d: {  	v0, _, _ =	vpop (xrf0)  }
0x25e: {  	(v2sf) =	vpush v0, $0xF;
	_ =	sdelay $0xe  }
0x25f: {  	s31 =	spop (v2sf)  }
0x260: {  	p1 =	sgt.f32 s31, $5.000000000e-01  }
.Ltmp11:
0x261: {  	_ = 	snop;
	(pc) =	sbr.rel @!p1 .LBB2_25-.Ltmp11, $1  }
0x262: {  	_ =	sdelay $0x3  }
0x263: {  	s8 =	sadd.s32 s7, s6;
	s9 =	simm.s32 $0x1DD98  }
0x264: {  	[spmem:s8] =	stream.linear.scatter [tilespmem:s9], [sflag:$0x1], $0x500, $0x38;
	[tilespmem:$0x1F198] =	vst v63  }
0x265: {  	s8 =	simm.s32 $0x1  }
0x266: {  	_ =	swait.ge [sflag:s8], $0x500  }
0x267: {  	[sflag:s8] =	ssyncset.done $0x0  }
0x268: {  	s24 =	sadd.s32 s7, s5;
	s10 =	simm.s32 $0x1E798;
	[sflag:s8] =	ssyncadd.s32 $0xFFFFFB00  }
0x269: {  	[spmem:s24] =	stream.linear.scatter [tilespmem:s10], [sflag:$0x1], $0x500, $0x38;
	[tilespmem:$0x1F198] =	vst v63  }
0x26a: {  	_ =	swait.ge [sflag:s8], $0x500  }
0x26b: {  	[sflag:s8] =	ssyncset.done $0x0  }
0x26c: {  	s25 =	sadd.s32 s7, s4;
	s26 =	simm.s32 $0x1E298;
	[sflag:s8] =	ssyncadd.s32 $0xFFFFFB00  }
0x26d: {  	[spmem:s25] =	stream.linear.scatter [tilespmem:s26], [sflag:$0x1], $0x500, $0x38;
	[tilespmem:$0x1F198] =	vst v63  }
0x26e: {  	_ =	swait.ge [sflag:s8], $0x500  }
0x26f: {  	[sflag:s8] =	ssyncset.done $0x0  }
0x270: {  	s28 =	sadd.s32 s7, s3;
	s29 =	simm.s32 $0x1EC98;
	[sflag:s8] =	ssyncadd.s32 $0xFFFFFB00  }
0x271: {  	[spmem:s28] =	stream.linear.scatter [tilespmem:s29], [sflag:$0x1], $0x500, $0x38;
	[tilespmem:$0x1F198] =	vst v63  }
0x272: {  	_ =	swait.ge [sflag:s8], $0x500  }
0x273: {  	[sflag:s8] =	ssyncset.done $0x0  }
0x274: {  	s30 =	sadd.s32 s7, s2;
	s31 =	simm.s32 $0x1BD18;
	[sflag:s8] =	ssyncadd.s32 $0xFFFFFB00  }
0x275: {  	[spmem:s30] =	stream.linear.scatter [tilespmem:s31], [sflag:$0x1], $0x500, $0x38;
	[tilespmem:$0x1F198] =	vst v63  }
.Ltmp12:
0x276: {  	_ =	swait.ge [sflag:s8], $0x500;
	(pc) =	sbr.rel @p0 .LBB2_26-.Ltmp12, $3  }
0x277: {  	[sflag:s8] =	ssyncset.done $0x0  }
0x278: {  	[sflag:s8] =	ssyncadd.s32 $0xFFFFFB00  }
0x279: {  	[bflag:$0x0] =	sbarrier.arrive $0xFFFF;
	_ =	sdelay $0x1  }
0x27a: {  	s7 =	simm.s32 $0x5C80  }
0x27b: {  	[tilespmem:s7], [sflag:$0x1] =	stream.linear.gather [spmem:s6], $0x5000, $0x38;
	[tilespmem:$0x1F198] =	vst v63  }
0x27c: {  	_ =	swait.ge [sflag:s8], $0x5000  }
0x27d: {  	[sflag:s8] =	ssyncset.done $0x0  }
0x27e: {  	s6 =	simm.s32 $0x10680;
	[sflag:s8] =	ssyncadd.s32 $0xFFFFB000  }
0x27f: {  	[tilespmem:s6], [sflag:$0x1] =	stream.linear.gather [spmem:s5], $0x5000, $0x38;
	[tilespmem:$0x1F198] =	vst v63  }
0x280: {  	_ =	swait.ge [sflag:s8], $0x5000  }
0x281: {  	[sflag:s8] =	ssyncset.done $0x0  }
0x282: {  	s5 =	simm.s32 $0xB180;
	[sflag:s8] =	ssyncadd.s32 $0xFFFFB000  }
0x283: {  	[tilespmem:s5], [sflag:$0x1] =	stream.linear.gather [spmem:s4], $0x5000, $0x38;
	[tilespmem:$0x1F198] =	vst v63  }
0x284: {  	_ =	swait.ge [sflag:s8], $0x5000  }
0x285: {  	[sflag:s8] =	ssyncset.done $0x0  }
0x286: {  	s4 =	simm.s32 $0x15B80;
	[sflag:s8] =	ssyncadd.s32 $0xFFFFB000  }
0x287: {  	[tilespmem:s4], [sflag:$0x1] =	stream.linear.gather [spmem:s3], $0x5000, $0x38;
	[tilespmem:$0x1F198] =	vst v63  }
0x288: {  	_ =	swait.ge [sflag:s8], $0x5000  }
0x289: {  	[sflag:s8] =	ssyncset.done $0x0  }
0x28a: {  	v0 =	vlaneseq.u32;
	s3 =	simm.s32 $0x780;
	[sflag:s8] =	ssyncadd.s32 $0xFFFFB000  }
0x28b: {  	v2 =	vimm.f32 $-4.000000000e+03;
	v4 =	vimm.f32 $0.0e+00;
	vm0 =	vmmov $0x1;
	[tilespmem:s3], [sflag:$0x1] =	stream.linear.gather [spmem:s2], $0x5000, $0x38;
	[tilespmem:$0x1F198] =	vst v63  }
0x28c: {  	vm1 =	vcmask $0x314;
	vm2 =	vcmask $0x714;
	vm3 =	vcmask $0xB14;
	_ =	swait.ge [sflag:s8], $0x5000  }
0x28d: {  	vm4 =	vcmask $0xF14;
	v1 =	vimm.s32 $0x0;
	v6 =	vimm.f32 $-4.000000000e+03;
	[sflag:s8] =	ssyncset.done $0x0  }
0x28e: {  	v3 =	vimm.f32 $-4.000000000e+03;
	v5 =	vimm.f32 $-4.000000000e+03;
	v0 =	vor.u32 $0x80000000, v0;
	s2 =	simm.s32 $0x0;
	[sflag:s8] =	ssyncadd.s32 $0xFFFFB000;
	s8 =	simm.s32 $0x0  }
.LBB2_22:
0x28f: {  	v7 =	vld [tilespmem:s7+$0x0]  }
0x290: {  	v8 =	vld [tilespmem:s5+$0x0]  }
0x291: {  	v9 =	vld [tilespmem:s6+$0x0]  }
0x292: {  	v10 =	vld [tilespmem:s4+$0x0];
	_ =	sdelay $0x4  }
0x293: {  	s9 =	simm.s32 $0x5C90;
	v11 =	vsub.f32 v8, v7;
	v12 =	vsub.f32 v10, v9;
	v8 =	vmin.f32 v6, v8  }
0x294: {  	s23 =	simm.s32 $0xB190;
	v13 =	vld [tilespmem:s9+$0x0];
	v7 =	vmax.f32 v5, v7;
	v10 =	vmin.f32 v2, v10;
	v9 =	vmax.f32 v3, v9  }
0x295: {  	s24 =	simm.s32 $0x10690;
	v7 =	vsub.f32 v8, v7;
	v8 =	vsub.f32 v10, v9;
	v9 =	vld [tilespmem:s23+$0x0]  }
0x296: {  	s25 =	simm.s32 $0x15B90;
	v10 =	vmul.f32 v12, v11;
	v11 =	vld [tilespmem:s24+$0x0]  }
0x297: {  	v12 =	vld [tilespmem:s25+$0x0];
	v7 =	vmax.f32 v7, $0.0e+00;
	v8 =	vmax.f32 v8, $0.0e+00  }
0x298: {  	v8 =	vmul.f32 v8, v7;
	v7 =	vadd.f32 v10, v4  }
0x299: {  	s26 =	simm.s32 $0x5CA0  }
0x29a: {  	s29 =	simm.s32 $0x106A0;
	v14 =	vld [tilespmem:s26+$0x0];
	v7 =	vsub.f32 v7, v8  }
0x29b: {  	s30 =	simm.s32 $0x15BA0;
	v17 =	vld [tilespmem:s29+$0x0];
	v10 =	vsub.f32 v9, v13;
	v9 =	vmin.f32 v6, v9  }
0x29c: {  	s28 =	simm.s32 $0xB1A0;
	v18 =	vld [tilespmem:s30+$0x0];
	v15 =	vsub.f32 v12, v11;
	v12 =	vmin.f32 v2, v12;
	v7 =	vmax.f32 v7, $9.999999710e-10  }
0x29d: {  	v16 =	vld [tilespmem:s28+$0x0];
	v11 =	vmax.f32 v3, v11;
	(erf) = vrcp.f32 v7;
	v7 =	vmax.f32 v5, v13  }
0x29e: {  	v7 =	vsub.f32 v9, v7;
	v9 =	vsub.f32 v12, v11  }
0x29f: {  	v10 =	vmul.f32 v15, v10  }
0x2a0: {  	v7 =	vmax.f32 v7, $0.0e+00;
	v9 =	vmax.f32 v9, $0.0e+00  }
0x2a1: {  	v19 =	vsub.f32 v18, v17;
	v10 =	vadd.f32 v10, v4;
	v9 =	vmul.f32 v9, v7  }
0x2a2: {  	v17 =	vmax.f32 v3, v17;
	v11 =	vsub.f32 v16, v14;
	v12 =	vmin.f32 v6, v16  }
0x2a3: {  	s31 =	simm.s32 $0x5CB0;
	v20 =	vld [tilespmem:s3+$0x0];
	v14 =	vmax.f32 v5, v14;
	v16 =	vmin.f32 v2, v18;
	v10 =	vsub.f32 v10, v9  }
0x2a4: {  	s13 =	simm.s32 $0xB1B0;
	v13 =	vld [tilespmem:s31+$0x0];
	v14 =	vsub.f32 v12, v14;
	v16 =	vsub.f32 v16, v17  }
0x2a5: {  	s15 =	simm.s32 $0x106B0;
	v15 =	vld [tilespmem:s13+$0x0];
	v10 =	vmax.f32 v10, $9.999999710e-10  }
0x2a6: {  	s16 =	simm.s32 $0x15BB0;
	v17 =	vld [tilespmem:s15+$0x0];
	v18 =	vpop (erf);
	(erf) = vrcp.f32 v10;
	v10 =	vmax.f32 v14, $0.0e+00;
	v14 =	vmax.f32 v16, $0.0e+00  }
0x2a7: {  	v10 =	vmul.f32 v14, v10;
	v14 =	vld [tilespmem:s16+$0x0]  }
0x2a8: {  	v8 =	vmul.f32 v18, v8  }
0x2a9: {  	s12 =	simm.s32 $0x1;
	v11 =	vmul.f32 v19, v11;
	v7 =	vimm.f32 $-Inf  }
0x2aa: {  	s11 =	simm.s32 $0x2;
	s10 =	simm.s32 $0x3;
	s17 =	simm.s32 $0x5CC0;
	v12 =	vsub.f32 v15, v13;
	v16 =	vmov s2;
	vm5 =	vgt.f32 v8, $5.000000000e-01  }
0x2ab: {  	s18 =	simm.s32 $0x4;
	s14 =	simm.s32 $0x0;
	s9 =	simm.s32 $0x780;
	v18 =	vadd.f32 v11, v4;
	v11 =	vimm.s32 $0x0;
	v8 =	vsel vm5, $0xFF800000, v20  }
.LBB2_23:
0x2ac: {  	v19 =	vld [tilespmem:s17+$0x0];
	p1 =	sne.s32 s18, $0x4FF;
	v20 =	vsub.f32 v14, v17;
	s13 =	sadd.s32 $0x10, s13;
	[tilespmem:s9+$0x0] =	vst v8;
	vm5 =	veq.f32 v8, v7;
	vm6 =	vlt.s32 v16, v11  }
0x2ad: {  	vm7 =	vgt.f32 v8, v7;
	s9 =	sadd.s32 $0x10, s9;
	v21 =	vld [tilespmem:s13+$0x0];
	v24 =	vsub.f32 v18, v10;
	vm5 =	vmand vm6, vm5  }
0x2ae: {  	v15 =	vmin.f32 v6, v15;
	v13 =	vmax.f32 v5, v13;
	s15 =	sadd.s32 $0x10, s15;
	v22 =	vld [tilespmem:s9+$0x0];
	vm5 =	vmor vm7, vm5  }
0x2af: {  	s16 =	sadd.s32 $0x10, s16;
	v23 =	vld [tilespmem:s15+$0x0];
	v18 =	vmax.f32 v24, $9.999999710e-10;
	v7 =	vsel vm5, v8, v7;
	v11 =	vsel vm5, s14, v11;
	s14 =	smov.u32 s12;
	s12 =	smov.u32 s11  }
.Ltmp13:
0x2b0: {  	v17 =	vmax.f32 v3, v17;
	v8 =	vmin.f32 v2, v14;
	s11 =	smov.u32 s10;
	s10 =	smov.u32 s18;
	v14 =	vld [tilespmem:s16+$0x0];
	(erf) = vrcp.f32 v18;
	v16 =	vpop (erf);
	(pc) =	sbr.rel @p1 .LBB2_23-.Ltmp13, $4  }
0x2b1: {  	v18 =	vsub.f32 v15, v13;
	v8 =	vsub.f32 v8, v17;
	v24 =	vmul.f32 v16, v9;
	v13 =	vmovc v19  }
0x2b2: {  	v19 =	vmul.f32 v20, v12;
	v16 =	vmov s14;
	v9 =	vmovc v10;
	v12 =	vsub.f32 v21, v13;
	v15 =	vmovc v21  }
0x2b3: {  	v10 =	vmax.f32 v18, $0.0e+00;
	v8 =	vmax.f32 v8, $0.0e+00;
	vm5 =	vgt.f32 v24, $5.000000000e-01  }
0x2b4: {  	s17 =	sadd.s32 $0x10, s17;
	s18 =	sadd.s32 $0x1, s18;
	v10 =	vmul.f32 v8, v10;
	v18 =	vadd.f32 v19, v4;
	v8 =	vsel vm5, $0xFF800000, v22;
	v17 =	vmovc v23  }
0x2b5: {  	v19 =	vsub.f32 v14, v17;
	v6 =	vmin.f32 v6, v15;
	v5 =	vmax.f32 v5, v13  }
0x2b6: {  	v2 =	vmin.f32 v2, v14;
	v3 =	vmax.f32 v3, v17;
	v18 =	vsub.f32 v18, v10  }
0x2b7: {  	v5 =	vsub.f32 v6, v5;
	v2 =	vsub.f32 v2, v3  }
0x2b8: {  	v3 =	vmul.f32 v19, v12;
	v6 =	vmax.f32 v18, $9.999999710e-10  }
0x2b9: {  	v5 =	vmax.f32 v5, $0.0e+00;
	v2 =	vmax.f32 v2, $0.0e+00;
	(erf) = vrcp.f32 v6  }
0x2ba: {  	v2 =	vmul.f32 v2, v5;
	v3 =	vadd.f32 v3, v4;
	_ =	sdelay $0x1  }
0x2bb: {  	s13 =	sadd.s32 $0x10, s9;
	v3 =	vsub.f32 v3, v2  }
0x2bc: {  	vm5 =	veq.f32 v8, v7;
	vm6 =	vlt.s32 v16, v11;
	v4 =	vld [tilespmem:s13+$0x0]  }
0x2bd: {  	vm7 =	vgt.f32 v8, v7;
	vm5 =	vmand vm6, vm5;
	v5 =	vpop (erf);
	v3 =	vmax.f32 v3, $9.999999710e-10  }
0x2be: {  	v6 =	vmov s12;
	v5 =	vmul.f32 v5, v9;
	(erf) = vrcp.f32 v3  }
0x2bf: {  	vm5 =	vmor vm7, vm5  }
0x2c0: {  	s26 =	sadd.s32 $0x10, s13;
	v3 =	vsel vm5, s14, v11;
	vm6 =	vgt.f32 v5, $5.000000000e-01  }
0x2c1: {  	v5 =	vsel vm5, v8, v7;
	v7 =	vld [tilespmem:s26+$0x0];
	v4 =	vsel vm6, $0xFF800000, v4;
	vm6 =	vlt.s32 v6, v3;
	v6 =	vpop (erf)  }
0x2c2: {  	v6 =	vmul.f32 v6, v10  }
0x2c3: {  	vm5 =	veq.f32 v4, v5;
	vm7 =	vgt.f32 v4, v5  }
0x2c4: {  	vm5 =	vmand vm6, vm5;
	vm6 =	vgt.f32 v6, $5.000000000e-01;
	v6 =	vmov s11  }
0x2c5: {  	s28 =	sadd.s32 $0x10, s26;
	vm5 =	vmor vm7, vm5  }
0x2c6: {  	v61 =	vld [tilespmem:s28+$0x0];
	v3 =	vsel vm5, s12, v3;
	v5 =	vsel vm5, v4, v5;
	v7 =	vsel vm6, $0xFF800000, v7  }
0x2c7: {  	vm6 =	vlt.s32 v6, v3;
	vm5 =	veq.f32 v7, v5;
	v6 =	vpop (erf)  }
0x2c8: {  	vm7 =	vgt.f32 v7, v5;
	vm5 =	vmand vm6, vm5;
	v2 =	vmul.f32 v6, v2  }
0x2c9: {  	vm5 =	vmor vm7, vm5  }
0x2ca: {  	v5 =	vsel vm5, v7, v5;
	vm6 =	vgt.f32 v2, $5.000000000e-01  }
0x2cb: {  	v2 =	vsel vm5, s11, v3;
	v3 =	vmov s10;
	v6 =	vsel vm6, $0xFF800000, v61  }
0x2cc: {  	vm6 =	vlt.s32 v3, v2;
	vm5 =	veq.f32 v6, v5  }
0x2cd: {  	vm7 =	vgt.f32 v6, v5;
	vm5 =	vmand vm6, vm5  }
0x2ce: {  	vm5 =	vmor vm7, vm5  }
0x2cf: {  	v3 =	vsel vm5, v6, v5  }
0x2d0: {  	(xrf0) =	vmax.scan.msk.f32 $0xffff, v3;
	_ =	sdelay $0x5  }
0x2d1: {  	v5, _, _ =	vpop (xrf0)  }
0x2d2: {  	v2 =	vsel vm5, s10, v2;
	v62 =	vbroadcast v5, $0xF  }
0x2d3: {  	v2 =	vshll.u32 v2, $0x4  }
0x2d4: {  	v2 =	vxor.u32 v0, v2;
	vm5 =	veq.f32 v3, v62  }
0x2d5: {  	v2 =	vnsel vm5, $0xC0000000, v2  }
0x2d6: {  	(xrf0) =	vmin.scan.msk.u32 $0xffff, v2;
	_ =	sdelay $0x5  }
0x2d7: {  	(v2sf) =	vpush v5, $0xF;
	v2, _, _ =	vpop (xrf0)  }
0x2d8: {  	(v2sf) =	vpush v2, $0xF;
	_ =	sdelay $0xd  }
0x2d9: {  	s29 =	spop (v2sf)  }
0x2da: {  	s30 =	spop (v2sf)  }
0x2db: {  	s11 =	sxor.u32 $0x80000000, s30  }
0x2dc: {  	p1 =	sgt.s32 s11, $0x0  }
0x2dd: {  	s11 =	simm.s32 @!p1 $0x0  }
0x2de: {  	s11 =	smin.u32 s11, $0x4FFF  }
0x2df: {  	v2 =	vmov s11  }
0x2e0: {  	v2 =	vbroadcast v2, $0x0;
	_ =	sdelay $0x1  }
0x2e1: {  	[tilespmem:s9+$0x0] =	vst v8  }
0x2e2: {  	[tilespmem:s13+$0x0] =	vst v4  }
0x2e3: {  	[tilespmem:s26+$0x0] =	vst v7  }
0x2e4: {  	[tilespmem:s28+$0x0] =	vst v6;
	p1 =	sgt.f32 s29, $-Inf  }
0x2e5: {  	s9 =	simm.f32 $1.000000000e+00;
	v5 =	vld.idx.msk [tilespmem:v2+s7+$0x0], $0xffff  }
0x2e6: {  	s9 =	simm.s32 @!p1 $0x0;
	v3 =	vld.idx.msk [tilespmem:v2+s6+$0x0], $0xffff  }
0x2e7: {  	v4 =	vmov s9;
	v6 =	vld.idx.msk [tilespmem:v2+s5+$0x0], $0xffff  }
0x2e8: {  	vm5 =	vgt.f32 v4, $5.000000000e-01;
	v2 =	vld.idx.msk [tilespmem:v2+s4+$0x0], $0xffff  }
0x2e9: {  	v7 =	vsel vm5, $0x1, v1  }
0x2ea: {  	s31 =	sshll.u32 s8, $0x4;
	s8 =	sadd.s32 $0x1, s8;
	v7 =	vbroadcast v7, $0x0;
	v4 =	vnsel vm0, $0x0, v5  }
0x2eb: {  	p1 =	sne.s32 s8, $0x64;
	v4 =	vsel vm1, v4, v3  }
.Ltmp14:
0x2ec: {  	v7 =	vand.u32 $0x1, v7;
	v4 =	vsel vm2, v4, v6;
	(pc) =	sbr.rel @p1 .LBB2_22-.Ltmp14, $4  }
0x2ed: {  	vm5 =	veq.s32 v7, $0x1;
	v4 =	vsel vm3, v4, v2  }
0x2ee: {  	v8 =	vsub.f32 v6, v5;
	v63 =	vsub.f32 v2, v3;
	v4 =	vsel vm4, v4, v62  }
0x2ef: {  	s9 =	sand.u32 $0x3FFFFFF0, s31;
	v7 =	vnsel vm5, $0x0, v4  }
0x2f0: {  	v4 =	vmul.f32 v63, v8;
	[tilespmem:s9+$0x1B508] =	vst v7  }
.LBB2_25:
0x2f1: {  	s2 =	simm.s32 @!p0 $0x0;
	s3 =	simm.s32 @!p0 $0x1B508  }
0x2f2: {  	[hbm4b:s1+s2] =	stream.linear.scatter @!p0 [tilespmem:s3], [sflag:$0x1], $0x680, $0x38;
	[tilespmem:$0x1F198] =	vst v63  }
0x2f3: {  	s1 =	simm.s32 @!p0 $0x1  }
0x2f4: {  	_ =	swait.ge @!p0 [sflag:s1], $0x680  }
0x2f5: {  	[sflag:s1] =	ssyncset.done @!p0 $0x0  }
0x2f6: {  	[sflag:s1] =	ssyncadd.s32 @!p0 $0xFFFFF980  }
0x2f7: {  	_ =	sfence.sel @!p0 $0x180000  }
0x2f8: {  	[bflag:$0x0] =	sbarrier.arrive @!p0 $0xFFFF  }
0x2f9: {  	_ =	strace @!p0 $0x90000047  }
0x2fa: {  	s0 =	sadd.s32 @!p0 $0x100000, s0;
	[bflag:$0x2] =	sbarrier.arrive @!p0 $0xFFFF  }
0x2fb: {  	[sflag:s0] =	ssyncadd.tile.s32 @!p0 $0x1;
	_ =	shalt @!p0  }
.LBB2_26:
0x2fc: {  	_ =	sfence.sel $0x180000  }
0x2fd: {  	[bflag:$0x0] =	sbarrier.arrive $0xFFFF  }
0x2fe: {  	_ =	strace $0x90000047  }
0x2ff: {  	[bflag:$0x2] =	sbarrier.arrive $0xFFFF  }
0x300: {  	_ =	shalt  }
.Lfunc_end2:
_tile_overlayer_lowered:
.L_overlay_start_2:
0x301: {  	(tag) =	ssettag $0x2  }
0x302: {  	s0 =	rddreg [dreg:$0x0];
	s2 =	stileid.u32  }
0x303: {  	s1 =	rddreg [dreg:$0x1];
	p0 =	sne.s32 s2, $0x0  }
0x304: {  	s3 =	rddreg [dreg:$0x2];
	[bflag:$0x3] =	sbarrier.arrive $0xFFFF;
	s2 =	simm.s32 @!p0 $0x1C01  }
0x305: {  	[timem:s3], [sflag:s2] =	dma.local @!p0 [hbm:s0], s1  }
0x306: {  	s0 =	simm.s32 @!p0 $0x1  }
0x307: {  	_ =	swait.ge @!p0 [sflag:s0], s1  }
0x308: {  	s1 =	ssub.s32 @!p0 $0x0, s1;
	[sflag:s0] =	ssyncset.done @!p0 $0x0  }
0x309: {  	[sflag:s0] =	ssyncadd.s32 @!p0 s1  }
0x30a: {  	[bflag:$0x3] =	sbarrier.arrive $0xFFFF  }
0x30b: {  	_ =	shalt  }

</sc_bundles>
